<compile_context>
chip_gen: v7x
topology: tpu7x:2x2x1
jax: 0.10.2.dev20260603
libtpu: 0.0.44.dev20260713+nightly
codegen_flags: <defaults>
</compile_context>

<pallas_src>
import functools

import jax
import jax.numpy as jnp
from jax import lax
from jax.experimental import pallas as pl
from jax.experimental.pallas import tpu as pltpu
from jax.experimental.pallas import tpu_sc as plsc

N = 50000
E = 800000
G = 128
NC = 2
NS = 16
LANE = 128
E_PAD = 819200
CH_TOT = E_PAD // LANE
AGG_ROWS = 50304
NDUMP = 8
WB = 3128
WB_LAST = N - 15 * WB
ZCHT = AGG_ROWS // LANE
IB = 8

BLK = 5000
NBLK = N // BLK



@functools.lru_cache(maxsize=None)
def _build_sc_scatter(ch_per_sub, core_stride):
    mesh = plsc.VectorSubcoreMesh(core_axis_name="c", subcore_axis_name="s")
    out_t = (jax.ShapeDtypeStruct((N, 32), jnp.float32),
             jax.ShapeDtypeStruct((N, 32), jnp.float32))
    n_groups = ch_per_sub // IB
    scratch = [
        pltpu.VMEM((2, IB * LANE), jnp.int32),
        pltpu.VMEM((2, IB * LANE), jnp.int32),
        pltpu.VMEM((LANE, 32), jnp.float32),
        pltpu.VMEM((LANE, 32), jnp.float32),
        pltpu.VMEM((LANE, 32), jnp.float32),
        pltpu.VMEM((LANE, 32), jnp.float32),
        pltpu.VMEM_SHARED((AGG_ROWS, 32), jnp.float32),
        pltpu.SemaphoreType.DMA,
        pltpu.SemaphoreType.DMA,
        pltpu.SemaphoreType.DMA,
        pltpu.SemaphoreType.DMA,
        pltpu.SemaphoreType.DMA,
    ]

    def body(ha, hb, src, dst, out0, out1, srcv, dstv, r0, r1, r2, r3, agg,
             sg0, sg1, sg2, sg3, si):
        c = lax.axis_index("c")
        s = lax.axis_index("s")
        rows = (r0, r1, r2, r3)
        gsems = (sg0, sg1, sg2, sg3)

        def zrow(i, carry):
            r0[i, pl.ds(0, 16)] = jnp.zeros((16,), jnp.float32)
            r0[i, pl.ds(16, 16)] = jnp.zeros((16,), jnp.float32)
            return carry
        lax.fori_loop(0, LANE, zrow, 0)

        zc = jnp.where(s < 9, 25, 24)
        zoff = 24 * s + jnp.minimum(s, 9)
        e0 = (c * core_stride + s * ch_per_sub) * LANE

        pltpu.async_copy(src.at[pl.ds(e0, IB * LANE)], srcv.at[0], sg0)
        pltpu.async_copy(dst.at[pl.ds(e0, IB * LANE)], dstv.at[0], sg0)

        def zchunk(i, carry):
            pltpu.async_copy(r0, agg.at[pl.ds((zoff + i) * LANE, LANE)], si)
            return carry
        lax.fori_loop(0, zc, zchunk, 0)

        def zwait(i, carry):
            pltpu.make_async_copy(r0, agg.at[pl.ds(zoff * LANE, LANE)],
                                  si).wait()
            return carry
        lax.fori_loop(0, zc, zwait, 0)

        cp0 = pltpu.make_async_copy(src.at[pl.ds(e0, IB * LANE)],
                                    srcv.at[0], sg0)
        cp0.wait()
        cp0.wait()

        def stage(g):
            off = e0 + g * IB * LANE
            pltpu.async_copy(src.at[pl.ds(off, IB * LANE)], srcv.at[g % 2], si)
            pltpu.async_copy(dst.at[pl.ds(off, IB * LANE)], dstv.at[g % 2], si)

        def stage_wait():
            cp = pltpu.make_async_copy(src.at[pl.ds(0, IB * LANE)],
                                       srcv.at[0], si)
            cp.wait()
            cp.wait()

        def gather(j, buf, sem):
            gb = (j // IB) % 2
            o = (j % IB) * LANE
            idx = srcv.at[gb, pl.ds(o, LANE)]

            @pl.when(c == 0)
            def _ga():
                pltpu.async_copy(ha.at[idx], buf, sem)

            @pl.when(c == 1)
            def _gb():
                pltpu.async_copy(hb.at[idx], buf, sem)

        def gwait(buf, sem):
            pltpu.make_async_copy(ha.at[srcv.at[0, pl.ds(0, LANE)]], buf,
                                  sem).wait()

        def scatter(j, buf):
            gb = (j // IB) % 2
            o = (j % IB) * LANE
            pltpu.sync_copy(buf, agg.at[dstv.at[gb, pl.ds(o, LANE)]], add=True)

        stage(1)
        for b in range(4):
            gather(b, rows[b], gsems[b])
        plsc.subcore_barrier()

        def quad(q, carry):
            j0 = q * 4
            for b in range(4):
                j = j0 + b
                gwait(rows[b], gsems[b])
                scatter(j, rows[b])
                jn = j + 4
                if b == 0:
                    g = j // IB

                    @pl.when(jnp.logical_and(
                            j % IB == 0,
                            jnp.logical_and(j > 0, g + 1 < n_groups)))
                    def _st():
                        stage(g + 1)

                    @pl.when(jnp.logical_and(j % IB == IB - 4, jn < ch_per_sub))
                    def _sw():
                        stage_wait()

                @pl.when(jn < ch_per_sub)
                def _gn():
                    gather(jn, rows[b], gsems[b])
            return carry
        lax.fori_loop(0, ch_per_sub // 4, quad, 0)
        plsc.subcore_barrier()

        @pl.when(jnp.logical_and(c == 0, s < NS - 1))
        def _w0():
            pltpu.sync_copy(agg.at[pl.ds(s * WB, WB)], out0.at[pl.ds(s * WB, WB)])

        @pl.when(jnp.logical_and(c == 0, s == NS - 1))
        def _w0l():
            pltpu.sync_copy(agg.at[pl.ds(s * WB, WB_LAST)],
                            out0.at[pl.ds(s * WB, WB_LAST)])

        @pl.when(jnp.logical_and(c == 1, s < NS - 1))
        def _w1():
            pltpu.sync_copy(agg.at[pl.ds(s * WB, WB)], out1.at[pl.ds(s * WB, WB)])

        @pl.when(jnp.logical_and(c == 1, s == NS - 1))
        def _w1l():
            pltpu.sync_copy(agg.at[pl.ds(s * WB, WB_LAST)],
                            out1.at[pl.ds(s * WB, WB_LAST)])

    return pl.kernel(body, out_type=out_t, mesh=mesh, scratch_types=scratch,
                     compiler_params=pltpu.CompilerParams(use_tc_tiling_on_sc=False))



def _tc_embed(x, se, ce, wn, bn):
    def body(x_ref, se_ref, ce_ref, wn_ref, bn_ref, out_ref):
        i16 = lax.broadcasted_iota(jnp.int32, (BLK, 16), 1)
        oh0 = (x_ref[:, 0:1] == i16).astype(jnp.float32)
        oh1 = (x_ref[:, 1:2] == i16).astype(jnp.float32)
        a0 = jnp.dot(se_ref[...], wn_ref[0:8, :], preferred_element_type=jnp.float32)
        a1 = jnp.dot(ce_ref[...], wn_ref[8:16, :], preferred_element_type=jnp.float32)
        h = (jnp.dot(oh0, a0, preferred_element_type=jnp.float32)
             + jnp.dot(oh1, a1, preferred_element_type=jnp.float32)
             + bn_ref[...])
        out_ref[...] = jnp.maximum(h, 0.0)

    return pl.pallas_call(
        body,
        grid=(NBLK,),
        in_specs=[
            pl.BlockSpec((BLK, 2), lambda i: (i, 0)),
            pl.BlockSpec((16, 8), lambda i: (0, 0)),
            pl.BlockSpec((16, 8), lambda i: (0, 0)),
            pl.BlockSpec((16, 32), lambda i: (0, 0)),
            pl.BlockSpec((1, 32), lambda i: (0, 0)),
        ],
        out_specs=pl.BlockSpec((BLK, 32), lambda i: (i, 0)),
        out_shape=jax.ShapeDtypeStruct((N, 32), jnp.float32),
    )(x, se, ce, wn, bn)


def _tc_root(lo, hi, w_root, b):
    def body(lo_ref, hi_ref, wroot_ref, b_ref, out_ref):
        out_ref[...] = (
            jnp.dot(lo_ref[...], wroot_ref[0:32, :], preferred_element_type=jnp.float32)
            + jnp.dot(hi_ref[...], wroot_ref[32:64, :], preferred_element_type=jnp.float32)
            + b_ref[...])

    return pl.pallas_call(
        body,
        grid=(NBLK,),
        in_specs=[
            pl.BlockSpec((BLK, 32), lambda i: (i, 0)),
            pl.BlockSpec((BLK, 32), lambda i: (i, 0)),
            pl.BlockSpec((64, 64), lambda i: (0, 0)),
            pl.BlockSpec((1, 64), lambda i: (0, 0)),
        ],
        out_specs=pl.BlockSpec((BLK, 64), lambda i: (i, 0)),
        out_shape=jax.ShapeDtypeStruct((N, 64), jnp.float32),
    )(lo, hi, w_root, b)


def _tc_layer1(p0, p1, h0, w_rel, w_root, b):
    def body(p0_ref, p1_ref, h0_ref, wrel_ref, wroot_ref, b_ref, lo_ref, hi_ref):
        agg = p0_ref[...] + p1_ref[...]
        h = (jnp.dot(agg, wrel_ref[...], preferred_element_type=jnp.float32)
             + jnp.dot(h0_ref[...], wroot_ref[...], preferred_element_type=jnp.float32)
             + b_ref[...])
        h = jnp.maximum(h, 0.0)
        lo_ref[...] = h[:, 0:32]
        hi_ref[...] = h[:, 32:64]

    return pl.pallas_call(
        body,
        grid=(NBLK,),
        in_specs=[
            pl.BlockSpec((BLK, 32), lambda i: (i, 0)),
            pl.BlockSpec((BLK, 32), lambda i: (i, 0)),
            pl.BlockSpec((BLK, 32), lambda i: (i, 0)),
            pl.BlockSpec((32, 64), lambda i: (0, 0)),
            pl.BlockSpec((32, 64), lambda i: (0, 0)),
            pl.BlockSpec((1, 64), lambda i: (0, 0)),
        ],
        out_specs=[
            pl.BlockSpec((BLK, 32), lambda i: (i, 0)),
            pl.BlockSpec((BLK, 32), lambda i: (i, 0)),
        ],
        out_shape=[
            jax.ShapeDtypeStruct((N, 32), jnp.float32),
            jax.ShapeDtypeStruct((N, 32), jnp.float32),
        ],
    )(p0, p1, h0, w_rel, w_root, b)


def _tc_layer2_pool(q0, q1, r2, batch2, w_rel, wcls, bcls):
    def body(q0_ref, q1_ref, r2_ref, bt_ref, wrel_ref, wcls_ref, bcls_ref,
             out_ref, sums, counts):
        i = pl.program_id(0)

        @pl.when(i == 0)
        def _init():
            sums[...] = jnp.zeros_like(sums)
            counts[...] = jnp.zeros_like(counts)

        h = (jnp.dot(q0_ref[...], wrel_ref[0:32, :], preferred_element_type=jnp.float32)
             + jnp.dot(q1_ref[...], wrel_ref[32:64, :], preferred_element_type=jnp.float32)
             + r2_ref[...])
        h = jnp.maximum(h, 0.0)

        brow = bt_ref[...].reshape(1, BLK)
        ig = lax.broadcasted_iota(jnp.int32, (G, BLK), 0)
        pt = (brow == ig).astype(jnp.float32)
        sums[...] += jnp.dot(pt, h, preferred_element_type=jnp.float32)
        counts[...] += jnp.sum(pt, axis=1, keepdims=True)

        @pl.when(i == NBLK - 1)
        def _fin():
            pooled = sums[...] / jnp.maximum(counts[...], 1.0)
            out_ref[...] = (jnp.dot(pooled, wcls_ref[...],
                                    preferred_element_type=jnp.float32)
                            + bcls_ref[...])

    return pl.pallas_call(
        body,
        grid=(NBLK,),
        in_specs=[
            pl.BlockSpec((BLK, 32), lambda i: (i, 0)),
            pl.BlockSpec((BLK, 32), lambda i: (i, 0)),
            pl.BlockSpec((BLK, 64), lambda i: (i, 0)),
            pl.BlockSpec((1, 1, BLK), lambda i: (i, 0, 0)),
            pl.BlockSpec((64, 64), lambda i: (0, 0)),
            pl.BlockSpec((64, 10), lambda i: (0, 0)),
            pl.BlockSpec((1, 10), lambda i: (0, 0)),
        ],
        out_specs=pl.BlockSpec((G, 10), lambda i: (0, 0)),
        out_shape=jax.ShapeDtypeStruct((G, 10), jnp.float32),
        scratch_shapes=[
            pltpu.VMEM((G, 64), jnp.float32),
            pltpu.VMEM((G, 1), jnp.float32),
        ],
    )(q0, q1, r2, batch2, w_rel, wcls, bcls)



def kernel(x, edge_index, batch, shape_emb, color_emb, W_node, b_node,
           W1_rel, W1_root, b1, W2_rel, W2_root, b2, W_cls, b_cls):
    xi = x.astype(jnp.int32)
    batch2 = batch.astype(jnp.int32).reshape(NBLK, 1, BLK)
    src = edge_index[0].astype(jnp.int32)
    dst = edge_index[1].astype(jnp.int32)
    grp = NC * NS
    epg = E // grp
    ppg = E_PAD // grp - epg
    padsrc = jnp.zeros((grp, ppg), jnp.int32)
    paddst = (N + NDUMP * jnp.arange(grp, dtype=jnp.int32)[:, None]
              + (jnp.arange(ppg, dtype=jnp.int32) % NDUMP)[None, :])
    srcp = jnp.concatenate([src.reshape(grp, epg), padsrc], axis=1).reshape(-1)
    dstp = jnp.concatenate([dst.reshape(grp, epg), paddst], axis=1).reshape(-1)
    bn = b_node.reshape(1, -1)
    b1r = b1.reshape(1, -1)
    b2r = b2.reshape(1, -1)
    bc = b_cls.reshape(1, -1)

    h0 = _tc_embed(xi, shape_emb, color_emb, W_node, bn)
    p0, p1 = _build_sc_scatter(200, 3200)(h0, h0, srcp, dstp)
    h1lo, h1hi = _tc_layer1(p0, p1, h0, W1_rel, W1_root, b1r)
    r2 = _tc_root(h1lo, h1hi, W2_root, b2r)
    q0, q1 = _build_sc_scatter(400, 0)(h1lo, h1hi, srcp, dstp)
    return _tc_layer2_pool(q0, q1, r2, batch2, W2_rel, W_cls, bc)

# --- scband reference (transcript-rebuilt; emitter-appended) ---
"""Pipeline reference for scband-sprgnn-88648124990220 (READ-ONLY COPY).

The authoritative reference and input builder live on the scoring server;
editing this copy changes nothing except your own understanding.
"""

import jax, jax.numpy as jnp
import numpy as np

N = 50000
E = 800000
G = 128
NUM_SHAPES = 16
NUM_COLORS = 16
NUM_CLASSES = 10

def setup_inputs(seed: int = 0) -> dict:
    key = jax.random.key(seed)
    ks = jax.random.split(key, 20)
    x = jax.random.randint(ks[0], (N, 2), 0, NUM_SHAPES)
    edge_index = jax.random.randint(ks[1], (2, E), 0, N)
    batch = jnp.sort(jax.random.randint(ks[2], (N,), 0, G))
    def w(k, shape, fan_in):
        return jax.random.normal(k, shape, dtype=jnp.float32) * (1.0 / np.sqrt(fan_in))
    shape_emb = jax.random.normal(ks[3], (NUM_SHAPES, 8), dtype=jnp.float32)
    color_emb = jax.random.normal(ks[4], (NUM_COLORS, 8), dtype=jnp.float32)
    W_node = w(ks[5], (16, 32), 16); b_node = jnp.zeros((32,), jnp.float32)
    W1_rel = w(ks[6], (32, 64), 32); W1_root = w(ks[7], (32, 64), 32); b1 = jnp.zeros((64,), jnp.float32)
    W2_rel = w(ks[8], (64, 64), 64); W2_root = w(ks[9], (64, 64), 64); b2 = jnp.zeros((64,), jnp.float32)
    W_cls = w(ks[10], (64, NUM_CLASSES), 64); b_cls = jnp.zeros((NUM_CLASSES,), jnp.float32)
    return {"x": x, "edge_index": edge_index, "batch": batch,
            "shape_emb": shape_emb, "color_emb": color_emb,
            "W_node": W_node, "b_node": b_node,
            "W1_rel": W1_rel, "W1_root": W1_root, "b1": b1,
            "W2_rel": W2_rel, "W2_root": W2_root, "b2": b2,
            "W_cls": W_cls, "b_cls": b_cls}


def reference(x, edge_index, batch, shape_emb, color_emb, W_node, b_node,
              W1_rel, W1_root, b1, W2_rel, W2_root, b2, W_cls, b_cls):
    # node feature embedding lookups
    se = jnp.take(shape_emb, x[:, 0], axis=0)
    ce = jnp.take(color_emb, x[:, 1], axis=0)
    h = jnp.concatenate([se, ce], axis=1)
    h = jax.nn.relu(h @ W_node + b_node)
    src = edge_index[0]
    dst = edge_index[1]
    # GraphConv layer 1: out = segsum_{j in N(i)} (x_j) @ W_rel + x_i @ W_root + b
    agg1 = jax.ops.segment_sum(jnp.take(h, src, axis=0), dst, num_segments=N)
    h = jax.nn.relu(agg1 @ W1_rel + h @ W1_root + b1)
    # GraphConv layer 2
    agg2 = jax.ops.segment_sum(jnp.take(h, src, axis=0), dst, num_segments=N)
    h = jax.nn.relu(agg2 @ W2_rel + h @ W2_root + b2)
    # global mean pool over graphs
    sums = jax.ops.segment_sum(h, batch, num_segments=G)
    counts = jax.ops.segment_sum(jnp.ones((h.shape[0], 1), jnp.float32), batch, num_segments=G)
    pooled = sums / jnp.clip(counts, 1.0)
    return pooled @ W_cls + b_cls

if __name__ == "__main__":
    import jax
    _d = setup_inputs()
    print(jax.jit(kernel)(*tuple(_d.values())))

</pallas_src>

<mosaic_0001>
#map = affine_map<(d0, d1) -> (0, 0)>
#map1 = affine_map<(d0, d1) -> (0)>
module attributes {stable_mosaic.version = 14 : i64} {
  func.func @body(%arg0: i32, %arg1: i32, %arg2: memref<50000x32xf32, #tpu.memory_space<hbm>>, %arg3: memref<50000x32xf32, #tpu.memory_space<hbm>>, %arg4: memref<819200xi32, #tpu.memory_space<hbm>>, %arg5: memref<819200xi32, #tpu.memory_space<hbm>>, %arg6: memref<50000x32xf32, #tpu.memory_space<hbm>>, %arg7: memref<50000x32xf32, #tpu.memory_space<hbm>>, %arg8: memref<2x1024xi32, #tpu.memory_space<vmem>>, %arg9: memref<2x1024xi32, #tpu.memory_space<vmem>>, %arg10: memref<128x32xf32, #tpu.memory_space<vmem>>, %arg11: memref<128x32xf32, #tpu.memory_space<vmem>>, %arg12: memref<128x32xf32, #tpu.memory_space<vmem>>, %arg13: memref<128x32xf32, #tpu.memory_space<vmem>>, %arg14: memref<50304x32xf32, #tpu.memory_space<vmem_shared>>, %arg15: memref<!tpu.dma_semaphore, #tpu.memory_space<semaphore_mem>>, %arg16: memref<!tpu.dma_semaphore, #tpu.memory_space<semaphore_mem>>, %arg17: memref<!tpu.dma_semaphore, #tpu.memory_space<semaphore_mem>>, %arg18: memref<!tpu.dma_semaphore, #tpu.memory_space<semaphore_mem>>, %arg19: memref<!tpu.dma_semaphore, #tpu.memory_space<semaphore_mem>>) attributes {dimension_semantics = [#tpu.dimension_semantics<core_parallel>, #tpu.dimension_semantics<subcore_parallel>], iteration_bounds = array<i64: 2, 16>, scalar_prefetch = 0 : i64, scratch_operands = 12 : i64, tpu.core_type = #tpu.core_type<sc_vector_subcore>, window_params = [{transform_indices = #map}, {transform_indices = #map}, {transform_indices = #map1}, {transform_indices = #map1}, {transform_indices = #map}, {transform_indices = #map}]} {
    %scan3A = arith.constant 0 : i32
    %scan3A_0 = arith.constant 0 : i32
    %scan3A_1 = arith.constant 128 : i32
    %scan3A_2 = arith.addi %scan3A_0, %scan3A_1 : i32
    %scan3A_3 = arith.constant 1 : i32
    scf.for %scan3A_172 = %scan3A_0 to %scan3A_2 step %scan3A_3  : i32 {
      %broadcast_in_dim3A = arith.constant 0.000000e+00 : f32
      %broadcast_in_dim3A_173 = vector.broadcast %broadcast_in_dim3A : f32 to vector<16xf32>
      %swap3A = arith.index_cast %scan3A_172 : i32 to index
      %swap3A_174 = arith.constant 0 : index
      %swap3A_175 = tpu.vector_load %arg10[%swap3A, %swap3A_174] {strides = array<i32>} : memref<128x32xf32, #tpu.memory_space<vmem>>, vector<1x16xf32>,
      %swap3A_176 = vector.shape_cast %swap3A_175 : vector<1x16xf32> to vector<16xf32>
      %swap3A_177 = vector.shape_cast %broadcast_in_dim3A_173 : vector<16xf32> to vector<1x16xf32>
      tpu.vector_store %arg10[%swap3A, %swap3A_174], %swap3A_177 {strides = array<i32>} : memref<128x32xf32, #tpu.memory_space<vmem>>, vector<1x16xf32>,
      %broadcast_in_dim3A_178 = arith.constant 0.000000e+00 : f32
      %broadcast_in_dim3A_179 = vector.broadcast %broadcast_in_dim3A_178 : f32 to vector<16xf32>
      %swap3A_180 = arith.index_cast %scan3A_172 : i32 to index
      %swap3A_181 = arith.constant 16 : index
      %swap3A_182 = tpu.vector_load %arg10[%swap3A_180, %swap3A_181] {strides = array<i32>} : memref<128x32xf32, #tpu.memory_space<vmem>>, vector<1x16xf32>,
      %swap3A_183 = vector.shape_cast %swap3A_182 : vector<1x16xf32> to vector<16xf32>
      %swap3A_184 = vector.shape_cast %broadcast_in_dim3A_179 : vector<16xf32> to vector<1x16xf32>
      tpu.vector_store %arg10[%swap3A_180, %swap3A_181], %swap3A_184 {strides = array<i32>} : memref<128x32xf32, #tpu.memory_space<vmem>>, vector<1x16xf32>,
    }
    %scan3A_4 = arith.constant 128 : i32
    %lt3A = arith.constant 9 : i32
    %lt3A_5 = arith.cmpi slt, %arg1, %lt3A : i32
    %jit3A = arith.constant 25 : i32
    %jit3A_6 = arith.constant 24 : i32
    %select_n3A = arith.select %lt3A_5, %jit3A, %jit3A_6 : i32
    %mul3A = arith.constant 24 : i32
    %mul3A_7 = arith.muli %mul3A, %arg1 : i32
    %min3A = arith.constant 9 : i32
    %min3A_8 = arith.minsi %arg1, %min3A : i32
    %add3A = arith.addi %mul3A_7, %min3A_8 : i32
    %mul3A_9 = arith.constant 3200 : i32
    %mul3A_10 = arith.muli %arg0, %mul3A_9 : i32
    %mul3A_11 = arith.constant 200 : i32
    %mul3A_12 = arith.muli %arg1, %mul3A_11 : i32
    %add3A_13 = arith.addi %mul3A_10, %mul3A_12 : i32
    %mul3A_14 = arith.constant 128 : i32
    %mul3A_15 = arith.muli %add3A_13, %mul3A_14 : i32
    %dma_start3A = arith.constant 0 : i32
    %dma_start3A_16 = arith.constant 0 : i32
    %dma_start3A_17 = tpu.memref_slice %arg8[%dma_start3A, %dma_start3A_16] : memref<2x1024xi32, #tpu.memory_space<vmem>> -> memref<1x1024xi32, #tpu.memory_space<vmem>>
    %dma_start3A_18 = tpu.memref_squeeze %dma_start3A_17 : memref<1x1024xi32, #tpu.memory_space<vmem>> -> memref<1024xi32, #tpu.memory_space<vmem>>
    %dma_start3A_19 = tpu.memref_slice %arg4[%mul3A_15] : memref<819200xi32, #tpu.memory_space<hbm>> -> memref<1024xi32, #tpu.memory_space<hbm>>
    %dma_start3A_20 = arith.constant 0 : i32
    %dma_start3A_21 = tpu.memref_slice %arg8[%dma_start3A, %dma_start3A_20] : memref<2x1024xi32, #tpu.memory_space<vmem>> -> memref<1x1024xi32, #tpu.memory_space<vmem>>
    %dma_start3A_22 = tpu.memref_squeeze %dma_start3A_21 : memref<1x1024xi32, #tpu.memory_space<vmem>> -> memref<1024xi32, #tpu.memory_space<vmem>>
    %dma_start3A_23 = tpu.memref_slice %arg4[%mul3A_15] : memref<819200xi32, #tpu.memory_space<hbm>> -> memref<1024xi32, #tpu.memory_space<hbm>>
    tpu.enqueue_dma source(%dma_start3A_23 : memref<1024xi32, #tpu.memory_space<hbm>>) target(%dma_start3A_22 : memref<1024xi32, #tpu.memory_space<vmem>>) target_semaphore(%arg15 : memref<!tpu.dma_semaphore, #tpu.memory_space<semaphore_mem>>)
    %dma_start3A_24 = arith.constant 0 : i32
    %dma_start3A_25 = arith.constant 0 : i32
    %dma_start3A_26 = tpu.memref_slice %arg9[%dma_start3A_24, %dma_start3A_25] : memref<2x1024xi32, #tpu.memory_space<vmem>> -> memref<1x1024xi32, #tpu.memory_space<vmem>>
    %dma_start3A_27 = tpu.memref_squeeze %dma_start3A_26 : memref<1x1024xi32, #tpu.memory_space<vmem>> -> memref<1024xi32, #tpu.memory_space<vmem>>
    %dma_start3A_28 = tpu.memref_slice %arg5[%mul3A_15] : memref<819200xi32, #tpu.memory_space<hbm>> -> memref<1024xi32, #tpu.memory_space<hbm>>
    %dma_start3A_29 = arith.constant 0 : i32
    %dma_start3A_30 = tpu.memref_slice %arg9[%dma_start3A_24, %dma_start3A_29] : memref<2x1024xi32, #tpu.memory_space<vmem>> -> memref<1x1024xi32, #tpu.memory_space<vmem>>
    %dma_start3A_31 = tpu.memref_squeeze %dma_start3A_30 : memref<1x1024xi32, #tpu.memory_space<vmem>> -> memref<1024xi32, #tpu.memory_space<vmem>>
    %dma_start3A_32 = tpu.memref_slice %arg5[%mul3A_15] : memref<819200xi32, #tpu.memory_space<hbm>> -> memref<1024xi32, #tpu.memory_space<hbm>>
    tpu.enqueue_dma source(%dma_start3A_32 : memref<1024xi32, #tpu.memory_space<hbm>>) target(%dma_start3A_31 : memref<1024xi32, #tpu.memory_space<vmem>>) target_semaphore(%arg15 : memref<!tpu.dma_semaphore, #tpu.memory_space<semaphore_mem>>)
    %while3A = arith.constant 0 : i32
    %while3A_33 = arith.constant 0 : i32
    %while3A_34 = arith.subi %select_n3A, %while3A_33 : i32
    %while3A_35 = arith.addi %while3A_33, %while3A_34 : i32
    %while3A_36 = arith.constant 1 : i32
    %while3A_37 = arith.divsi %while3A_34, %while3A_36 : i32
    %while3A_38 = arith.muli %while3A_37, %while3A_36 : i32
    %while3A_39 = arith.addi %while3A_33, %while3A_38 : i32
    %while3A_40 = arith.constant 1 : i32
    scf.for %while3A_172 = %while3A_33 to %while3A_39 step %while3A_40  : i32 {
      %add3A_173 = arith.addi %add3A, %while3A_172 : i32
      %mul3A_174 = arith.constant 128 : i32
      %mul3A_175 = arith.muli %add3A_173, %mul3A_174 : i32
      %dma_start3A_176 = arith.constant 0 : i32
      %dma_start3A_177 = tpu.memref_slice %arg14[%mul3A_175, %dma_start3A_176] : memref<50304x32xf32, #tpu.memory_space<vmem_shared>> -> memref<128x32xf32, #tpu.memory_space<vmem_shared>>
      %dma_start3A_178 = arith.constant 0 : i32
      %dma_start3A_179 = tpu.memref_slice %arg14[%mul3A_175, %dma_start3A_178] : memref<50304x32xf32, #tpu.memory_space<vmem_shared>> -> memref<128x32xf32, #tpu.memory_space<vmem_shared>>
      tpu.enqueue_dma source(%arg10 : memref<128x32xf32, #tpu.memory_space<vmem>>) target(%dma_start3A_179 : memref<128x32xf32, #tpu.memory_space<vmem_shared>>) target_semaphore(%arg19 : memref<!tpu.dma_semaphore, #tpu.memory_space<semaphore_mem>>)
    }
    %while3A_41 = arith.constant 1 : i32
    scf.for %while3A_172 = %while3A_39 to %while3A_35 step %while3A_41  : i32 {
      %add3A_173 = arith.addi %add3A, %while3A_172 : i32
      %mul3A_174 = arith.constant 128 : i32
      %mul3A_175 = arith.muli %add3A_173, %mul3A_174 : i32
      %dma_start3A_176 = arith.constant 0 : i32
      %dma_start3A_177 = tpu.memref_slice %arg14[%mul3A_175, %dma_start3A_176] : memref<50304x32xf32, #tpu.memory_space<vmem_shared>> -> memref<128x32xf32, #tpu.memory_space<vmem_shared>>
      %dma_start3A_178 = arith.constant 0 : i32
      %dma_start3A_179 = tpu.memref_slice %arg14[%mul3A_175, %dma_start3A_178] : memref<50304x32xf32, #tpu.memory_space<vmem_shared>> -> memref<128x32xf32, #tpu.memory_space<vmem_shared>>
      tpu.enqueue_dma source(%arg10 : memref<128x32xf32, #tpu.memory_space<vmem>>) target(%dma_start3A_179 : memref<128x32xf32, #tpu.memory_space<vmem_shared>>) target_semaphore(%arg19 : memref<!tpu.dma_semaphore, #tpu.memory_space<semaphore_mem>>)
    }
    %while3A_42 = arith.constant 0 : i32
    %while3A_43 = arith.constant 0 : i32
    %while3A_44 = arith.subi %select_n3A, %while3A_43 : i32
    %while3A_45 = arith.addi %while3A_43, %while3A_44 : i32
    %while3A_46 = arith.constant 1 : i32
    %while3A_47 = arith.divsi %while3A_44, %while3A_46 : i32
    %while3A_48 = arith.muli %while3A_47, %while3A_46 : i32
    %while3A_49 = arith.addi %while3A_43, %while3A_48 : i32
    %while3A_50 = arith.constant 1 : i32
    scf.for %while3A_172 = %while3A_43 to %while3A_49 step %while3A_50  : i32 {
      %mul3A_173 = arith.constant 128 : i32
      %mul3A_174 = arith.muli %add3A, %mul3A_173 : i32
      %dma_wait3A_175 = arith.constant 0 : i32
      %dma_wait3A_176 = tpu.memref_slice %arg14[%mul3A_174, %dma_wait3A_175] : memref<50304x32xf32, #tpu.memory_space<vmem_shared>> -> memref<128x32xf32, #tpu.memory_space<vmem_shared>>
      %dma_wait3A_177 = arith.constant 0 : i32
      %dma_wait3A_178 = tpu.memref_slice %arg14[%mul3A_174, %dma_wait3A_177] : memref<50304x32xf32, #tpu.memory_space<vmem_shared>> -> memref<128x32xf32, #tpu.memory_space<vmem_shared>>
      tpu.wait_dma2 semaphore(%arg19 : memref<!tpu.dma_semaphore, #tpu.memory_space<semaphore_mem>>) src(%arg10 : memref<128x32xf32, #tpu.memory_space<vmem>>) dst(%dma_wait3A_178 : memref<128x32xf32, #tpu.memory_space<vmem_shared>>)
    }
    %while3A_51 = arith.constant 1 : i32
    scf.for %while3A_172 = %while3A_49 to %while3A_45 step %while3A_51  : i32 {
      %mul3A_173 = arith.constant 128 : i32
      %mul3A_174 = arith.muli %add3A, %mul3A_173 : i32
      %dma_wait3A_175 = arith.constant 0 : i32
      %dma_wait3A_176 = tpu.memref_slice %arg14[%mul3A_174, %dma_wait3A_175] : memref<50304x32xf32, #tpu.memory_space<vmem_shared>> -> memref<128x32xf32, #tpu.memory_space<vmem_shared>>
      %dma_wait3A_177 = arith.constant 0 : i32
      %dma_wait3A_178 = tpu.memref_slice %arg14[%mul3A_174, %dma_wait3A_177] : memref<50304x32xf32, #tpu.memory_space<vmem_shared>> -> memref<128x32xf32, #tpu.memory_space<vmem_shared>>
      tpu.wait_dma2 semaphore(%arg19 : memref<!tpu.dma_semaphore, #tpu.memory_space<semaphore_mem>>) src(%arg10 : memref<128x32xf32, #tpu.memory_space<vmem>>) dst(%dma_wait3A_178 : memref<128x32xf32, #tpu.memory_space<vmem_shared>>)
    }
    %dma_wait3A = arith.constant 0 : i32
    %dma_wait3A_52 = arith.constant 0 : i32
    %dma_wait3A_53 = tpu.memref_slice %arg8[%dma_wait3A, %dma_wait3A_52] : memref<2x1024xi32, #tpu.memory_space<vmem>> -> memref<1x1024xi32, #tpu.memory_space<vmem>>
    %dma_wait3A_54 = tpu.memref_squeeze %dma_wait3A_53 : memref<1x1024xi32, #tpu.memory_space<vmem>> -> memref<1024xi32, #tpu.memory_space<vmem>>
    %dma_wait3A_55 = tpu.memref_slice %arg4[%mul3A_15] : memref<819200xi32, #tpu.memory_space<hbm>> -> memref<1024xi32, #tpu.memory_space<hbm>>
    %dma_wait3A_56 = arith.constant 0 : i32
    %dma_wait3A_57 = tpu.memref_slice %arg8[%dma_wait3A, %dma_wait3A_56] : memref<2x1024xi32, #tpu.memory_space<vmem>> -> memref<1x1024xi32, #tpu.memory_space<vmem>>
    %dma_wait3A_58 = tpu.memref_squeeze %dma_wait3A_57 : memref<1x1024xi32, #tpu.memory_space<vmem>> -> memref<1024xi32, #tpu.memory_space<vmem>>
    %dma_wait3A_59 = tpu.memref_slice %arg4[%mul3A_15] : memref<819200xi32, #tpu.memory_space<hbm>> -> memref<1024xi32, #tpu.memory_space<hbm>>
    tpu.wait_dma2 semaphore(%arg15 : memref<!tpu.dma_semaphore, #tpu.memory_space<semaphore_mem>>) src(%dma_wait3A_59 : memref<1024xi32, #tpu.memory_space<hbm>>) dst(%dma_wait3A_58 : memref<1024xi32, #tpu.memory_space<vmem>>)
    %dma_wait3A_60 = arith.constant 0 : i32
    %dma_wait3A_61 = arith.constant 0 : i32
    %dma_wait3A_62 = tpu.memref_slice %arg8[%dma_wait3A_60, %dma_wait3A_61] : memref<2x1024xi32, #tpu.memory_space<vmem>> -> memref<1x1024xi32, #tpu.memory_space<vmem>>
    %dma_wait3A_63 = tpu.memref_squeeze %dma_wait3A_62 : memref<1x1024xi32, #tpu.memory_space<vmem>> -> memref<1024xi32, #tpu.memory_space<vmem>>
    %dma_wait3A_64 = tpu.memref_slice %arg4[%mul3A_15] : memref<819200xi32, #tpu.memory_space<hbm>> -> memref<1024xi32, #tpu.memory_space<hbm>>
    %dma_wait3A_65 = arith.constant 0 : i32
    %dma_wait3A_66 = tpu.memref_slice %arg8[%dma_wait3A_60, %dma_wait3A_65] : memref<2x1024xi32, #tpu.memory_space<vmem>> -> memref<1x1024xi32, #tpu.memory_space<vmem>>
    %dma_wait3A_67 = tpu.memref_squeeze %dma_wait3A_66 : memref<1x1024xi32, #tpu.memory_space<vmem>> -> memref<1024xi32, #tpu.memory_space<vmem>>
    %dma_wait3A_68 = tpu.memref_slice %arg4[%mul3A_15] : memref<819200xi32, #tpu.memory_space<hbm>> -> memref<1024xi32, #tpu.memory_space<hbm>>
    tpu.wait_dma2 semaphore(%arg15 : memref<!tpu.dma_semaphore, #tpu.memory_space<semaphore_mem>>) src(%dma_wait3A_68 : memref<1024xi32, #tpu.memory_space<hbm>>) dst(%dma_wait3A_67 : memref<1024xi32, #tpu.memory_space<vmem>>)
    %add3A_69 = arith.constant 1024 : i32
    %add3A_70 = arith.addi %mul3A_15, %add3A_69 : i32
    %dma_start3A_71 = arith.constant 1 : i32
    %dma_start3A_72 = arith.constant 0 : i32
    %dma_start3A_73 = tpu.memref_slice %arg8[%dma_start3A_71, %dma_start3A_72] : memref<2x1024xi32, #tpu.memory_space<vmem>> -> memref<1x1024xi32, #tpu.memory_space<vmem>>
    %dma_start3A_74 = tpu.memref_squeeze %dma_start3A_73 : memref<1x1024xi32, #tpu.memory_space<vmem>> -> memref<1024xi32, #tpu.memory_space<vmem>>
    %dma_start3A_75 = tpu.memref_slice %arg4[%add3A_70] : memref<819200xi32, #tpu.memory_space<hbm>> -> memref<1024xi32, #tpu.memory_space<hbm>>
    %dma_start3A_76 = arith.constant 0 : i32
    %dma_start3A_77 = tpu.memref_slice %arg8[%dma_start3A_71, %dma_start3A_76] : memref<2x1024xi32, #tpu.memory_space<vmem>> -> memref<1x1024xi32, #tpu.memory_space<vmem>>
    %dma_start3A_78 = tpu.memref_squeeze %dma_start3A_77 : memref<1x1024xi32, #tpu.memory_space<vmem>> -> memref<1024xi32, #tpu.memory_space<vmem>>
    %dma_start3A_79 = tpu.memref_slice %arg4[%add3A_70] : memref<819200xi32, #tpu.memory_space<hbm>> -> memref<1024xi32, #tpu.memory_space<hbm>>
    tpu.enqueue_dma source(%dma_start3A_79 : memref<1024xi32, #tpu.memory_space<hbm>>) target(%dma_start3A_78 : memref<1024xi32, #tpu.memory_space<vmem>>) target_semaphore(%arg19 : memref<!tpu.dma_semaphore, #tpu.memory_space<semaphore_mem>>)
    %dma_start3A_80 = arith.constant 1 : i32
    %dma_start3A_81 = arith.constant 0 : i32
    %dma_start3A_82 = tpu.memref_slice %arg9[%dma_start3A_80, %dma_start3A_81] : memref<2x1024xi32, #tpu.memory_space<vmem>> -> memref<1x1024xi32, #tpu.memory_space<vmem>>
    %dma_start3A_83 = tpu.memref_squeeze %dma_start3A_82 : memref<1x1024xi32, #tpu.memory_space<vmem>> -> memref<1024xi32, #tpu.memory_space<vmem>>
    %dma_start3A_84 = tpu.memref_slice %arg5[%add3A_70] : memref<819200xi32, #tpu.memory_space<hbm>> -> memref<1024xi32, #tpu.memory_space<hbm>>
    %dma_start3A_85 = arith.constant 0 : i32
    %dma_start3A_86 = tpu.memref_slice %arg9[%dma_start3A_80, %dma_start3A_85] : memref<2x1024xi32, #tpu.memory_space<vmem>> -> memref<1x1024xi32, #tpu.memory_space<vmem>>
    %dma_start3A_87 = tpu.memref_squeeze %dma_start3A_86 : memref<1x1024xi32, #tpu.memory_space<vmem>> -> memref<1024xi32, #tpu.memory_space<vmem>>
    %dma_start3A_88 = tpu.memref_slice %arg5[%add3A_70] : memref<819200xi32, #tpu.memory_space<hbm>> -> memref<1024xi32, #tpu.memory_space<hbm>>
    tpu.enqueue_dma source(%dma_start3A_88 : memref<1024xi32, #tpu.memory_space<hbm>>) target(%dma_start3A_87 : memref<1024xi32, #tpu.memory_space<vmem>>) target_semaphore(%arg19 : memref<!tpu.dma_semaphore, #tpu.memory_space<semaphore_mem>>)
    %eq3A = arith.constant 0 : i32
    %eq3A_89 = arith.cmpi eq, %arg0, %eq3A : i32
    %convert_element_type3A = arith.extui %eq3A_89 : i1 to i32
    %cond3A = arith.constant 0 : i32
    %cond3A_90 = arith.constant 0 : i32
    %cond3A_91 = arith.cmpi ne, %convert_element_type3A, %cond3A_90 : i32
    scf.if %cond3A_91 {
      %dma_start3A_172 = arith.constant 0 : i32
      %dma_start3A_173 = tpu.memref_slice %arg8[%cond3A, %dma_start3A_172] : memref<2x1024xi32, #tpu.memory_space<vmem>> -> memref<1x128xi32, #tpu.memory_space<vmem>>
      %dma_start3A_174 = tpu.memref_squeeze %dma_start3A_173 : memref<1x128xi32, #tpu.memory_space<vmem>> -> memref<128xi32, #tpu.memory_space<vmem>>
      %dma_start3A_175 = arith.constant 0 : i32
      %dma_start3A_176 = arith.constant 0 : i32
      %dma_start3A_177 = tpu.memref_slice %arg2[%dma_start3A_175, %dma_start3A_176] : memref<50000x32xf32, #tpu.memory_space<hbm>> -> memref<50000x32xf32, #tpu.memory_space<hbm>>
      tpu.enqueue_indirect_dma source(%dma_start3A_177 : memref<50000x32xf32, #tpu.memory_space<hbm>>) target(%arg10 : memref<128x32xf32, #tpu.memory_space<vmem>>) offsets(%dma_start3A_174 : memref<128xi32, #tpu.memory_space<vmem>>) semaphore(%arg15 : memref<!tpu.dma_semaphore, #tpu.memory_space<semaphore_mem>>)
    } else {
    }
    %eq3A_92 = arith.constant 1 : i32
    %eq3A_93 = arith.cmpi eq, %arg0, %eq3A_92 : i32
    %convert_element_type3A_94 = arith.extui %eq3A_93 : i1 to i32
    %cond3A_95 = arith.constant 0 : i32
    %cond3A_96 = arith.constant 0 : i32
    %cond3A_97 = arith.cmpi ne, %convert_element_type3A_94, %cond3A_96 : i32
    scf.if %cond3A_97 {
      %dma_start3A_172 = arith.constant 0 : i32
      %dma_start3A_173 = tpu.memref_slice %arg8[%cond3A_95, %dma_start3A_172] : memref<2x1024xi32, #tpu.memory_space<vmem>> -> memref<1x128xi32, #tpu.memory_space<vmem>>
      %dma_start3A_174 = tpu.memref_squeeze %dma_start3A_173 : memref<1x128xi32, #tpu.memory_space<vmem>> -> memref<128xi32, #tpu.memory_space<vmem>>
      %dma_start3A_175 = arith.constant 0 : i32
      %dma_start3A_176 = arith.constant 0 : i32
      %dma_start3A_177 = tpu.memref_slice %arg3[%dma_start3A_175, %dma_start3A_176] : memref<50000x32xf32, #tpu.memory_space<hbm>> -> memref<50000x32xf32, #tpu.memory_space<hbm>>
      tpu.enqueue_indirect_dma source(%dma_start3A_177 : memref<50000x32xf32, #tpu.memory_space<hbm>>) target(%arg10 : memref<128x32xf32, #tpu.memory_space<vmem>>) offsets(%dma_start3A_174 : memref<128xi32, #tpu.memory_space<vmem>>) semaphore(%arg15 : memref<!tpu.dma_semaphore, #tpu.memory_space<semaphore_mem>>)
    } else {
    }
    %eq3A_98 = arith.constant 0 : i32
    %eq3A_99 = arith.cmpi eq, %arg0, %eq3A_98 : i32
    %convert_element_type3A_100 = arith.extui %eq3A_99 : i1 to i32
    %cond3A_101 = arith.constant 0 : i32
    %cond3A_102 = arith.constant 0 : i32
    %cond3A_103 = arith.cmpi ne, %convert_element_type3A_100, %cond3A_102 : i32
    scf.if %cond3A_103 {
      %dma_start3A_172 = arith.constant 128 : i32
      %dma_start3A_173 = tpu.memref_slice %arg8[%cond3A_101, %dma_start3A_172] : memref<2x1024xi32, #tpu.memory_space<vmem>> -> memref<1x128xi32, #tpu.memory_space<vmem>>
      %dma_start3A_174 = tpu.memref_squeeze %dma_start3A_173 : memref<1x128xi32, #tpu.memory_space<vmem>> -> memref<128xi32, #tpu.memory_space<vmem>>
      %dma_start3A_175 = arith.constant 0 : i32
      %dma_start3A_176 = arith.constant 0 : i32
      %dma_start3A_177 = tpu.memref_slice %arg2[%dma_start3A_175, %dma_start3A_176] : memref<50000x32xf32, #tpu.memory_space<hbm>> -> memref<50000x32xf32, #tpu.memory_space<hbm>>
      tpu.enqueue_indirect_dma source(%dma_start3A_177 : memref<50000x32xf32, #tpu.memory_space<hbm>>) target(%arg11 : memref<128x32xf32, #tpu.memory_space<vmem>>) offsets(%dma_start3A_174 : memref<128xi32, #tpu.memory_space<vmem>>) semaphore(%arg16 : memref<!tpu.dma_semaphore, #tpu.memory_space<semaphore_mem>>)
    } else {
    }
    %eq3A_104 = arith.constant 1 : i32
    %eq3A_105 = arith.cmpi eq, %arg0, %eq3A_104 : i32
    %convert_element_type3A_106 = arith.extui %eq3A_105 : i1 to i32
    %cond3A_107 = arith.constant 0 : i32
    %cond3A_108 = arith.constant 0 : i32
    %cond3A_109 = arith.cmpi ne, %convert_element_type3A_106, %cond3A_108 : i32
    scf.if %cond3A_109 {
      %dma_start3A_172 = arith.constant 128 : i32
      %dma_start3A_173 = tpu.memref_slice %arg8[%cond3A_107, %dma_start3A_172] : memref<2x1024xi32, #tpu.memory_space<vmem>> -> memref<1x128xi32, #tpu.memory_space<vmem>>
      %dma_start3A_174 = tpu.memref_squeeze %dma_start3A_173 : memref<1x128xi32, #tpu.memory_space<vmem>> -> memref<128xi32, #tpu.memory_space<vmem>>
      %dma_start3A_175 = arith.constant 0 : i32
      %dma_start3A_176 = arith.constant 0 : i32
      %dma_start3A_177 = tpu.memref_slice %arg3[%dma_start3A_175, %dma_start3A_176] : memref<50000x32xf32, #tpu.memory_space<hbm>> -> memref<50000x32xf32, #tpu.memory_space<hbm>>
      tpu.enqueue_indirect_dma source(%dma_start3A_177 : memref<50000x32xf32, #tpu.memory_space<hbm>>) target(%arg11 : memref<128x32xf32, #tpu.memory_space<vmem>>) offsets(%dma_start3A_174 : memref<128xi32, #tpu.memory_space<vmem>>) semaphore(%arg16 : memref<!tpu.dma_semaphore, #tpu.memory_space<semaphore_mem>>)
    } else {
    }
    %eq3A_110 = arith.constant 0 : i32
    %eq3A_111 = arith.cmpi eq, %arg0, %eq3A_110 : i32
    %convert_element_type3A_112 = arith.extui %eq3A_111 : i1 to i32
    %cond3A_113 = arith.constant 0 : i32
    %cond3A_114 = arith.constant 0 : i32
    %cond3A_115 = arith.cmpi ne, %convert_element_type3A_112, %cond3A_114 : i32
    scf.if %cond3A_115 {
      %dma_start3A_172 = arith.constant 256 : i32
      %dma_start3A_173 = tpu.memref_slice %arg8[%cond3A_113, %dma_start3A_172] : memref<2x1024xi32, #tpu.memory_space<vmem>> -> memref<1x128xi32, #tpu.memory_space<vmem>>
      %dma_start3A_174 = tpu.memref_squeeze %dma_start3A_173 : memref<1x128xi32, #tpu.memory_space<vmem>> -> memref<128xi32, #tpu.memory_space<vmem>>
      %dma_start3A_175 = arith.constant 0 : i32
      %dma_start3A_176 = arith.constant 0 : i32
      %dma_start3A_177 = tpu.memref_slice %arg2[%dma_start3A_175, %dma_start3A_176] : memref<50000x32xf32, #tpu.memory_space<hbm>> -> memref<50000x32xf32, #tpu.memory_space<hbm>>
      tpu.enqueue_indirect_dma source(%dma_start3A_177 : memref<50000x32xf32, #tpu.memory_space<hbm>>) target(%arg12 : memref<128x32xf32, #tpu.memory_space<vmem>>) offsets(%dma_start3A_174 : memref<128xi32, #tpu.memory_space<vmem>>) semaphore(%arg17 : memref<!tpu.dma_semaphore, #tpu.memory_space<semaphore_mem>>)
    } else {
    }
    %eq3A_116 = arith.constant 1 : i32
    %eq3A_117 = arith.cmpi eq, %arg0, %eq3A_116 : i32
    %convert_element_type3A_118 = arith.extui %eq3A_117 : i1 to i32
    %cond3A_119 = arith.constant 0 : i32
    %cond3A_120 = arith.constant 0 : i32
    %cond3A_121 = arith.cmpi ne, %convert_element_type3A_118, %cond3A_120 : i32
    scf.if %cond3A_121 {
      %dma_start3A_172 = arith.constant 256 : i32
      %dma_start3A_173 = tpu.memref_slice %arg8[%cond3A_119, %dma_start3A_172] : memref<2x1024xi32, #tpu.memory_space<vmem>> -> memref<1x128xi32, #tpu.memory_space<vmem>>
      %dma_start3A_174 = tpu.memref_squeeze %dma_start3A_173 : memref<1x128xi32, #tpu.memory_space<vmem>> -> memref<128xi32, #tpu.memory_space<vmem>>
      %dma_start3A_175 = arith.constant 0 : i32
      %dma_start3A_176 = arith.constant 0 : i32
      %dma_start3A_177 = tpu.memref_slice %arg3[%dma_start3A_175, %dma_start3A_176] : memref<50000x32xf32, #tpu.memory_space<hbm>> -> memref<50000x32xf32, #tpu.memory_space<hbm>>
      tpu.enqueue_indirect_dma source(%dma_start3A_177 : memref<50000x32xf32, #tpu.memory_space<hbm>>) target(%arg12 : memref<128x32xf32, #tpu.memory_space<vmem>>) offsets(%dma_start3A_174 : memref<128xi32, #tpu.memory_space<vmem>>) semaphore(%arg17 : memref<!tpu.dma_semaphore, #tpu.memory_space<semaphore_mem>>)
    } else {
    }
    %eq3A_122 = arith.constant 0 : i32
    %eq3A_123 = arith.cmpi eq, %arg0, %eq3A_122 : i32
    %convert_element_type3A_124 = arith.extui %eq3A_123 : i1 to i32
    %cond3A_125 = arith.constant 0 : i32
    %cond3A_126 = arith.constant 0 : i32
    %cond3A_127 = arith.cmpi ne, %convert_element_type3A_124, %cond3A_126 : i32
    scf.if %cond3A_127 {
      %dma_start3A_172 = arith.constant 384 : i32
      %dma_start3A_173 = tpu.memref_slice %arg8[%cond3A_125, %dma_start3A_172] : memref<2x1024xi32, #tpu.memory_space<vmem>> -> memref<1x128xi32, #tpu.memory_space<vmem>>
      %dma_start3A_174 = tpu.memref_squeeze %dma_start3A_173 : memref<1x128xi32, #tpu.memory_space<vmem>> -> memref<128xi32, #tpu.memory_space<vmem>>
      %dma_start3A_175 = arith.constant 0 : i32
      %dma_start3A_176 = arith.constant 0 : i32
      %dma_start3A_177 = tpu.memref_slice %arg2[%dma_start3A_175, %dma_start3A_176] : memref<50000x32xf32, #tpu.memory_space<hbm>> -> memref<50000x32xf32, #tpu.memory_space<hbm>>
      tpu.enqueue_indirect_dma source(%dma_start3A_177 : memref<50000x32xf32, #tpu.memory_space<hbm>>) target(%arg13 : memref<128x32xf32, #tpu.memory_space<vmem>>) offsets(%dma_start3A_174 : memref<128xi32, #tpu.memory_space<vmem>>) semaphore(%arg18 : memref<!tpu.dma_semaphore, #tpu.memory_space<semaphore_mem>>)
    } else {
    }
    %eq3A_128 = arith.constant 1 : i32
    %eq3A_129 = arith.cmpi eq, %arg0, %eq3A_128 : i32
    %convert_element_type3A_130 = arith.extui %eq3A_129 : i1 to i32
    %cond3A_131 = arith.constant 0 : i32
    %cond3A_132 = arith.constant 0 : i32
    %cond3A_133 = arith.cmpi ne, %convert_element_type3A_130, %cond3A_132 : i32
    scf.if %cond3A_133 {
      %dma_start3A_172 = arith.constant 384 : i32
      %dma_start3A_173 = tpu.memref_slice %arg8[%cond3A_131, %dma_start3A_172] : memref<2x1024xi32, #tpu.memory_space<vmem>> -> memref<1x128xi32, #tpu.memory_space<vmem>>
      %dma_start3A_174 = tpu.memref_squeeze %dma_start3A_173 : memref<1x128xi32, #tpu.memory_space<vmem>> -> memref<128xi32, #tpu.memory_space<vmem>>
      %dma_start3A_175 = arith.constant 0 : i32
      %dma_start3A_176 = arith.constant 0 : i32
      %dma_start3A_177 = tpu.memref_slice %arg3[%dma_start3A_175, %dma_start3A_176] : memref<50000x32xf32, #tpu.memory_space<hbm>> -> memref<50000x32xf32, #tpu.memory_space<hbm>>
      tpu.enqueue_indirect_dma source(%dma_start3A_177 : memref<50000x32xf32, #tpu.memory_space<hbm>>) target(%arg13 : memref<128x32xf32, #tpu.memory_space<vmem>>) offsets(%dma_start3A_174 : memref<128xi32, #tpu.memory_space<vmem>>) semaphore(%arg18 : memref<!tpu.dma_semaphore, #tpu.memory_space<semaphore_mem>>)
    } else {
    }
    %barrier3A = arith.constant 0 : index
    tpu.barrier barrier_id(%barrier3A)
    %scan3A_134 = arith.constant 0 : i32
    %scan3A_135 = arith.constant 0 : i32
    %scan3A_136 = arith.constant 50 : i32
    %scan3A_137 = arith.addi %scan3A_135, %scan3A_136 : i32
    %scan3A_138 = arith.constant 1 : i32
    scf.for %scan3A_172 = %scan3A_135 to %scan3A_137 step %scan3A_138  : i32 {
      %mul3A_173 = arith.constant 4 : i32
      %mul3A_174 = arith.muli %scan3A_172, %mul3A_173 : i32
      %add3A_175 = arith.constant 0 : i32
      %add3A_176 = arith.addi %mul3A_174, %add3A_175 : i32
      %dma_wait3A_177 = arith.constant 0 : i32
      %dma_wait3A_178 = arith.constant 0 : i32
      %dma_wait3A_179 = tpu.memref_slice %arg8[%dma_wait3A_177, %dma_wait3A_178] : memref<2x1024xi32, #tpu.memory_space<vmem>> -> memref<1x128xi32, #tpu.memory_space<vmem>>
      %dma_wait3A_180 = tpu.memref_squeeze %dma_wait3A_179 : memref<1x128xi32, #tpu.memory_space<vmem>> -> memref<128xi32, #tpu.memory_space<vmem>>
      %dma_wait3A_181 = arith.constant 0 : i32
      %dma_wait3A_182 = arith.constant 0 : i32
      %dma_wait3A_183 = tpu.memref_slice %arg2[%dma_wait3A_181, %dma_wait3A_182] : memref<50000x32xf32, #tpu.memory_space<hbm>> -> memref<50000x32xf32, #tpu.memory_space<hbm>>
      tpu.wait_indirect_dma semaphore(%arg15 : memref<!tpu.dma_semaphore, #tpu.memory_space<semaphore_mem>>) src(%dma_wait3A_183 : memref<50000x32xf32, #tpu.memory_space<hbm>>) dst(%arg10 : memref<128x32xf32, #tpu.memory_space<vmem>>)
      %jit3A_184 = arith.constant 8 : i32
      %div3A = arith.divsi %add3A_176, %jit3A_184 : i32
      %sign3A = arith.constant 0 : i32
      %sign3A_185 = arith.cmpi sgt, %add3A_176, %sign3A : i32
      %sign3A_186 = arith.extui %sign3A_185 : i1 to i32
      %sign3A_187 = arith.constant 0 : i32
      %sign3A_188 = arith.cmpi slt, %add3A_176, %sign3A_187 : i32
      %sign3A_189 = arith.extui %sign3A_188 : i1 to i32
      %sign3A_190 = arith.subi %sign3A_186, %sign3A_189 : i32
      %sign3A_191 = arith.constant 0 : i32
      %sign3A_192 = arith.cmpi sgt, %jit3A_184, %sign3A_191 : i32
      %sign3A_193 = arith.extui %sign3A_192 : i1 to i32
      %sign3A_194 = arith.constant 0 : i32
      %sign3A_195 = arith.cmpi slt, %jit3A_184, %sign3A_194 : i32
      %sign3A_196 = arith.extui %sign3A_195 : i1 to i32
      %sign3A_197 = arith.subi %sign3A_193, %sign3A_196 : i32
      %ne3A = arith.cmpi ne, %sign3A_190, %sign3A_197 : i32
      %rem3A = arith.remsi %add3A_176, %jit3A_184 : i32
      %ne3A_198 = arith.constant 0 : i32
      %ne3A_199 = arith.cmpi ne, %rem3A, %ne3A_198 : i32
      %and3A_200 = arith.andi %ne3A, %ne3A_199 : i1
      %sub3A = arith.constant 1 : i32
      %sub3A_201 = arith.subi %div3A, %sub3A : i32
      %select_n3A_202 = arith.select %and3A_200, %sub3A_201, %div3A : i32
      %jit3A_203 = arith.constant 2 : i32
      %eq3A_204 = arith.constant 0 : i32
      %eq3A_205 = arith.cmpi eq, %jit3A_203, %eq3A_204 : i32
      %jit3A_206 = arith.constant 1 : i32
      %select_n3A_207 = arith.select %eq3A_205, %jit3A_206, %jit3A_203 : i32
      %rem3A_208 = arith.remsi %select_n3A_202, %select_n3A_207 : i32
      %ne3A_209 = arith.constant 0 : i32
      %ne3A_210 = arith.cmpi ne, %rem3A_208, %ne3A_209 : i32
      %lt3A_211 = arith.constant 0 : i32
      %lt3A_212 = arith.cmpi slt, %rem3A_208, %lt3A_211 : i32
      %lt3A_213 = arith.constant 0 : i32
      %lt3A_214 = arith.cmpi slt, %select_n3A_207, %lt3A_213 : i32
      %ne3A_215 = arith.xori %lt3A_212, %lt3A_214 : i1
      %and3A_216 = arith.andi %ne3A_215, %ne3A_210 : i1
      %add3A_217 = arith.addi %rem3A_208, %select_n3A_207 : i32
      %select_n3A_218 = arith.select %and3A_216, %add3A_217, %rem3A_208 : i32
      %jit3A_219 = arith.constant 8 : i32
      %eq3A_220 = arith.constant 0 : i32
      %eq3A_221 = arith.cmpi eq, %jit3A_219, %eq3A_220 : i32
      %jit3A_222 = arith.constant 1 : i32
      %select_n3A_223 = arith.select %eq3A_221, %jit3A_222, %jit3A_219 : i32
      %rem3A_224 = arith.remsi %add3A_176, %select_n3A_223 : i32
      %ne3A_225 = arith.constant 0 : i32
      %ne3A_226 = arith.cmpi ne, %rem3A_224, %ne3A_225 : i32
      %lt3A_227 = arith.constant 0 : i32
      %lt3A_228 = arith.cmpi slt, %rem3A_224, %lt3A_227 : i32
      %lt3A_229 = arith.constant 0 : i32
      %lt3A_230 = arith.cmpi slt, %select_n3A_223, %lt3A_229 : i32
      %ne3A_231 = arith.xori %lt3A_228, %lt3A_230 : i1
      %and3A_232 = arith.andi %ne3A_231, %ne3A_226 : i1
      %add3A_233 = arith.addi %rem3A_224, %select_n3A_223 : i32
      %select_n3A_234 = arith.select %and3A_232, %add3A_233, %rem3A_224 : i32
      %mul3A_235 = arith.constant 128 : i32
      %mul3A_236 = arith.muli %select_n3A_234, %mul3A_235 : i32
      "tpu.region"() ({
        %run_scoped3A = tpu.sem_alloc : memref<!tpu.dma_semaphore, #tpu.memory_space<semaphore_mem>>
        %dma_start3A_542 = tpu.memref_slice %arg9[%select_n3A_218, %mul3A_236] : memref<2x1024xi32, #tpu.memory_space<vmem>> -> memref<1x128xi32, #tpu.memory_space<vmem>>
        %dma_start3A_543 = tpu.memref_squeeze %dma_start3A_542 : memref<1x128xi32, #tpu.memory_space<vmem>> -> memref<128xi32, #tpu.memory_space<vmem>>
        %dma_start3A_544 = arith.constant 0 : i32
        %dma_start3A_545 = arith.constant 0 : i32
        %dma_start3A_546 = tpu.memref_slice %arg14[%dma_start3A_544, %dma_start3A_545] : memref<50304x32xf32, #tpu.memory_space<vmem_shared>> -> memref<50304x32xf32, #tpu.memory_space<vmem_shared>>
        tpu.enqueue_indirect_dma source(%arg10 : memref<128x32xf32, #tpu.memory_space<vmem>>) target(%dma_start3A_546 : memref<50304x32xf32, #tpu.memory_space<vmem_shared>>) offsets(%dma_start3A_543 : memref<128xi32, #tpu.memory_space<vmem>>) semaphore(%run_scoped3A : memref<!tpu.dma_semaphore, #tpu.memory_space<semaphore_mem>>) {add = true}
        %dma_wait3A_547 = tpu.memref_slice %arg9[%select_n3A_218, %mul3A_236] : memref<2x1024xi32, #tpu.memory_space<vmem>> -> memref<1x128xi32, #tpu.memory_space<vmem>>
        %dma_wait3A_548 = tpu.memref_squeeze %dma_wait3A_547 : memref<1x128xi32, #tpu.memory_space<vmem>> -> memref<128xi32, #tpu.memory_space<vmem>>
        %dma_wait3A_549 = arith.constant 0 : i32
        %dma_wait3A_550 = arith.constant 0 : i32
        %dma_wait3A_551 = tpu.memref_slice %arg14[%dma_wait3A_549, %dma_wait3A_550] : memref<50304x32xf32, #tpu.memory_space<vmem_shared>> -> memref<50304x32xf32, #tpu.memory_space<vmem_shared>>
        tpu.wait_indirect_dma semaphore(%run_scoped3A : memref<!tpu.dma_semaphore, #tpu.memory_space<semaphore_mem>>) src(%arg10 : memref<128x32xf32, #tpu.memory_space<vmem>>) dst(%dma_wait3A_551 : memref<50304x32xf32, #tpu.memory_space<vmem_shared>>)
        tpu.yield
      }) : () -> ()
      %add3A_237 = arith.constant 4 : i32
      %add3A_238 = arith.addi %add3A_176, %add3A_237 : i32
      %jit3A_239 = arith.constant 8 : i32
      %div3A_240 = arith.divsi %add3A_176, %jit3A_239 : i32
      %sign3A_241 = arith.constant 0 : i32
      %sign3A_242 = arith.cmpi sgt, %add3A_176, %sign3A_241 : i32
      %sign3A_243 = arith.extui %sign3A_242 : i1 to i32
      %sign3A_244 = arith.constant 0 : i32
      %sign3A_245 = arith.cmpi slt, %add3A_176, %sign3A_244 : i32
      %sign3A_246 = arith.extui %sign3A_245 : i1 to i32
      %sign3A_247 = arith.subi %sign3A_243, %sign3A_246 : i32
      %sign3A_248 = arith.constant 0 : i32
      %sign3A_249 = arith.cmpi sgt, %jit3A_239, %sign3A_248 : i32
      %sign3A_250 = arith.extui %sign3A_249 : i1 to i32
      %sign3A_251 = arith.constant 0 : i32
      %sign3A_252 = arith.cmpi slt, %jit3A_239, %sign3A_251 : i32
      %sign3A_253 = arith.extui %sign3A_252 : i1 to i32
      %sign3A_254 = arith.subi %sign3A_250, %sign3A_253 : i32
      %ne3A_255 = arith.cmpi ne, %sign3A_247, %sign3A_254 : i32
      %rem3A_256 = arith.remsi %add3A_176, %jit3A_239 : i32
      %ne3A_257 = arith.constant 0 : i32
      %ne3A_258 = arith.cmpi ne, %rem3A_256, %ne3A_257 : i32
      %and3A_259 = arith.andi %ne3A_255, %ne3A_258 : i1
      %sub3A_260 = arith.constant 1 : i32
      %sub3A_261 = arith.subi %div3A_240, %sub3A_260 : i32
      %select_n3A_262 = arith.select %and3A_259, %sub3A_261, %div3A_240 : i32
      %jit3A_263 = arith.constant 8 : i32
      %eq3A_264 = arith.constant 0 : i32
      %eq3A_265 = arith.cmpi eq, %jit3A_263, %eq3A_264 : i32
      %jit3A_266 = arith.constant 1 : i32
      %select_n3A_267 = arith.select %eq3A_265, %jit3A_266, %jit3A_263 : i32
      %rem3A_268 = arith.remsi %add3A_176, %select_n3A_267 : i32
      %ne3A_269 = arith.constant 0 : i32
      %ne3A_270 = arith.cmpi ne, %rem3A_268, %ne3A_269 : i32
      %lt3A_271 = arith.constant 0 : i32
      %lt3A_272 = arith.cmpi slt, %rem3A_268, %lt3A_271 : i32
      %lt3A_273 = arith.constant 0 : i32
      %lt3A_274 = arith.cmpi slt, %select_n3A_267, %lt3A_273 : i32
      %ne3A_275 = arith.xori %lt3A_272, %lt3A_274 : i1
      %and3A_276 = arith.andi %ne3A_275, %ne3A_270 : i1
      %add3A_277 = arith.addi %rem3A_268, %select_n3A_267 : i32
      %select_n3A_278 = arith.select %and3A_276, %add3A_277, %rem3A_268 : i32
      %eq3A_279 = arith.constant 0 : i32
      %eq3A_280 = arith.cmpi eq, %select_n3A_278, %eq3A_279 : i32
      %gt3A = arith.constant 0 : i32
      %gt3A_281 = arith.cmpi sgt, %add3A_176, %gt3A : i32
      %add3A_282 = arith.constant 1 : i32
      %add3A_283 = arith.addi %select_n3A_262, %add3A_282 : i32
      %lt3A_284 = arith.constant 25 : i32
      %lt3A_285 = arith.cmpi slt, %add3A_283, %lt3A_284 : i32
      %and3A_286 = arith.andi %gt3A_281, %lt3A_285 : i1
      %and3A_287 = arith.andi %eq3A_280, %and3A_286 : i1
      %convert_element_type3A_288 = arith.extui %and3A_287 : i1 to i32
      %cond3A_289 = arith.constant 0 : i32
      %cond3A_290 = arith.cmpi ne, %convert_element_type3A_288, %cond3A_289 : i32
      scf.if %cond3A_290 {
        %add3A_542 = arith.constant 1 : i32
        %add3A_543 = arith.addi %select_n3A_262, %add3A_542 : i32
        %mul3A_544 = arith.constant 8 : i32
        %mul3A_545 = arith.muli %add3A_543, %mul3A_544 : i32
        %mul3A_546 = arith.constant 128 : i32
        %mul3A_547 = arith.muli %mul3A_545, %mul3A_546 : i32
        %add3A_548 = arith.addi %mul3A_15, %mul3A_547 : i32
        %jit3A_549 = arith.constant 2 : i32
        %eq3A_550 = arith.constant 0 : i32
        %eq3A_551 = arith.cmpi eq, %jit3A_549, %eq3A_550 : i32
        %jit3A_552 = arith.constant 1 : i32
        %select_n3A_553 = arith.select %eq3A_551, %jit3A_552, %jit3A_549 : i32
        %rem3A_554 = arith.remsi %add3A_543, %select_n3A_553 : i32
        %ne3A_555 = arith.constant 0 : i32
        %ne3A_556 = arith.cmpi ne, %rem3A_554, %ne3A_555 : i32
        %lt3A_557 = arith.constant 0 : i32
        %lt3A_558 = arith.cmpi slt, %rem3A_554, %lt3A_557 : i32
        %lt3A_559 = arith.constant 0 : i32
        %lt3A_560 = arith.cmpi slt, %select_n3A_553, %lt3A_559 : i32
        %ne3A_561 = arith.xori %lt3A_558, %lt3A_560 : i1
        %and3A_562 = arith.andi %ne3A_561, %ne3A_556 : i1
        %add3A_563 = arith.addi %rem3A_554, %select_n3A_553 : i32
        %select_n3A_564 = arith.select %and3A_562, %add3A_563, %rem3A_554 : i32
        %dma_start3A_565 = arith.constant 0 : i32
        %dma_start3A_566 = tpu.memref_slice %arg8[%select_n3A_564, %dma_start3A_565] : memref<2x1024xi32, #tpu.memory_space<vmem>> -> memref<1x1024xi32, #tpu.memory_space<vmem>>
        %dma_start3A_567 = tpu.memref_squeeze %dma_start3A_566 : memref<1x1024xi32, #tpu.memory_space<vmem>> -> memref<1024xi32, #tpu.memory_space<vmem>>
        %dma_start3A_568 = tpu.memref_slice %arg4[%add3A_548] : memref<819200xi32, #tpu.memory_space<hbm>> -> memref<1024xi32, #tpu.memory_space<hbm>>
        %dma_start3A_569 = arith.constant 0 : i32
        %dma_start3A_570 = tpu.memref_slice %arg8[%select_n3A_564, %dma_start3A_569] : memref<2x1024xi32, #tpu.memory_space<vmem>> -> memref<1x1024xi32, #tpu.memory_space<vmem>>
        %dma_start3A_571 = tpu.memref_squeeze %dma_start3A_570 : memref<1x1024xi32, #tpu.memory_space<vmem>> -> memref<1024xi32, #tpu.memory_space<vmem>>
        %dma_start3A_572 = tpu.memref_slice %arg4[%add3A_548] : memref<819200xi32, #tpu.memory_space<hbm>> -> memref<1024xi32, #tpu.memory_space<hbm>>
        tpu.enqueue_dma source(%dma_start3A_572 : memref<1024xi32, #tpu.memory_space<hbm>>) target(%dma_start3A_571 : memref<1024xi32, #tpu.memory_space<vmem>>) target_semaphore(%arg19 : memref<!tpu.dma_semaphore, #tpu.memory_space<semaphore_mem>>)
        %jit3A_573 = arith.constant 2 : i32
        %eq3A_574 = arith.constant 0 : i32
        %eq3A_575 = arith.cmpi eq, %jit3A_573, %eq3A_574 : i32
        %jit3A_576 = arith.constant 1 : i32
        %select_n3A_577 = arith.select %eq3A_575, %jit3A_576, %jit3A_573 : i32
        %rem3A_578 = arith.remsi %add3A_543, %select_n3A_577 : i32
        %ne3A_579 = arith.constant 0 : i32
        %ne3A_580 = arith.cmpi ne, %rem3A_578, %ne3A_579 : i32
        %lt3A_581 = arith.constant 0 : i32
        %lt3A_582 = arith.cmpi slt, %rem3A_578, %lt3A_581 : i32
        %lt3A_583 = arith.constant 0 : i32
        %lt3A_584 = arith.cmpi slt, %select_n3A_577, %lt3A_583 : i32
        %ne3A_585 = arith.xori %lt3A_582, %lt3A_584 : i1
        %and3A_586 = arith.andi %ne3A_585, %ne3A_580 : i1
        %add3A_587 = arith.addi %rem3A_578, %select_n3A_577 : i32
        %select_n3A_588 = arith.select %and3A_586, %add3A_587, %rem3A_578 : i32
        %dma_start3A_589 = arith.constant 0 : i32
        %dma_start3A_590 = tpu.memref_slice %arg9[%select_n3A_588, %dma_start3A_589] : memref<2x1024xi32, #tpu.memory_space<vmem>> -> memref<1x1024xi32, #tpu.memory_space<vmem>>
        %dma_start3A_591 = tpu.memref_squeeze %dma_start3A_590 : memref<1x1024xi32, #tpu.memory_space<vmem>> -> memref<1024xi32, #tpu.memory_space<vmem>>
        %dma_start3A_592 = tpu.memref_slice %arg5[%add3A_548] : memref<819200xi32, #tpu.memory_space<hbm>> -> memref<1024xi32, #tpu.memory_space<hbm>>
        %dma_start3A_593 = arith.constant 0 : i32
        %dma_start3A_594 = tpu.memref_slice %arg9[%select_n3A_588, %dma_start3A_593] : memref<2x1024xi32, #tpu.memory_space<vmem>> -> memref<1x1024xi32, #tpu.memory_space<vmem>>
        %dma_start3A_595 = tpu.memref_squeeze %dma_start3A_594 : memref<1x1024xi32, #tpu.memory_space<vmem>> -> memref<1024xi32, #tpu.memory_space<vmem>>
        %dma_start3A_596 = tpu.memref_slice %arg5[%add3A_548] : memref<819200xi32, #tpu.memory_space<hbm>> -> memref<1024xi32, #tpu.memory_space<hbm>>
        tpu.enqueue_dma source(%dma_start3A_596 : memref<1024xi32, #tpu.memory_space<hbm>>) target(%dma_start3A_595 : memref<1024xi32, #tpu.memory_space<vmem>>) target_semaphore(%arg19 : memref<!tpu.dma_semaphore, #tpu.memory_space<semaphore_mem>>)
      } else {
      }
      %jit3A_291 = arith.constant 8 : i32
      %eq3A_292 = arith.constant 0 : i32
      %eq3A_293 = arith.cmpi eq, %jit3A_291, %eq3A_292 : i32
      %jit3A_294 = arith.constant 1 : i32
      %select_n3A_295 = arith.select %eq3A_293, %jit3A_294, %jit3A_291 : i32
      %rem3A_296 = arith.remsi %add3A_176, %select_n3A_295 : i32
      %ne3A_297 = arith.constant 0 : i32
      %ne3A_298 = arith.cmpi ne, %rem3A_296, %ne3A_297 : i32
      %lt3A_299 = arith.constant 0 : i32
      %lt3A_300 = arith.cmpi slt, %rem3A_296, %lt3A_299 : i32
      %lt3A_301 = arith.constant 0 : i32
      %lt3A_302 = arith.cmpi slt, %select_n3A_295, %lt3A_301 : i32
      %ne3A_303 = arith.xori %lt3A_300, %lt3A_302 : i1
      %and3A_304 = arith.andi %ne3A_303, %ne3A_298 : i1
      %add3A_305 = arith.addi %rem3A_296, %select_n3A_295 : i32
      %select_n3A_306 = arith.select %and3A_304, %add3A_305, %rem3A_296 : i32
      %eq3A_307 = arith.constant 4 : i32
      %eq3A_308 = arith.cmpi eq, %select_n3A_306, %eq3A_307 : i32
      %lt3A_309 = arith.constant 200 : i32
      %lt3A_310 = arith.cmpi slt, %add3A_238, %lt3A_309 : i32
      %and3A_311 = arith.andi %eq3A_308, %lt3A_310 : i1
      %convert_element_type3A_312 = arith.extui %and3A_311 : i1 to i32
      %cond3A_313 = arith.constant 0 : i32
      %cond3A_314 = arith.cmpi ne, %convert_element_type3A_312, %cond3A_313 : i32
      scf.if %cond3A_314 {
        %dma_wait3A_542 = arith.constant 0 : i32
        %dma_wait3A_543 = arith.constant 0 : i32
        %dma_wait3A_544 = tpu.memref_slice %arg8[%dma_wait3A_542, %dma_wait3A_543] : memref<2x1024xi32, #tpu.memory_space<vmem>> -> memref<1x1024xi32, #tpu.memory_space<vmem>>
        %dma_wait3A_545 = tpu.memref_squeeze %dma_wait3A_544 : memref<1x1024xi32, #tpu.memory_space<vmem>> -> memref<1024xi32, #tpu.memory_space<vmem>>
        %dma_wait3A_546 = arith.constant 0 : i32
        %dma_wait3A_547 = tpu.memref_slice %arg4[%dma_wait3A_546] : memref<819200xi32, #tpu.memory_space<hbm>> -> memref<1024xi32, #tpu.memory_space<hbm>>
        %dma_wait3A_548 = arith.constant 0 : i32
        %dma_wait3A_549 = tpu.memref_slice %arg8[%dma_wait3A_542, %dma_wait3A_548] : memref<2x1024xi32, #tpu.memory_space<vmem>> -> memref<1x1024xi32, #tpu.memory_space<vmem>>
        %dma_wait3A_550 = tpu.memref_squeeze %dma_wait3A_549 : memref<1x1024xi32, #tpu.memory_space<vmem>> -> memref<1024xi32, #tpu.memory_space<vmem>>
        %dma_wait3A_551 = arith.constant 0 : i32
        %dma_wait3A_552 = tpu.memref_slice %arg4[%dma_wait3A_551] : memref<819200xi32, #tpu.memory_space<hbm>> -> memref<1024xi32, #tpu.memory_space<hbm>>
        tpu.wait_dma2 semaphore(%arg19 : memref<!tpu.dma_semaphore, #tpu.memory_space<semaphore_mem>>) src(%dma_wait3A_552 : memref<1024xi32, #tpu.memory_space<hbm>>) dst(%dma_wait3A_550 : memref<1024xi32, #tpu.memory_space<vmem>>)
        %dma_wait3A_553 = arith.constant 0 : i32
        %dma_wait3A_554 = arith.constant 0 : i32
        %dma_wait3A_555 = tpu.memref_slice %arg8[%dma_wait3A_553, %dma_wait3A_554] : memref<2x1024xi32, #tpu.memory_space<vmem>> -> memref<1x1024xi32, #tpu.memory_space<vmem>>
        %dma_wait3A_556 = tpu.memref_squeeze %dma_wait3A_555 : memref<1x1024xi32, #tpu.memory_space<vmem>> -> memref<1024xi32, #tpu.memory_space<vmem>>
        %dma_wait3A_557 = arith.constant 0 : i32
        %dma_wait3A_558 = tpu.memref_slice %arg4[%dma_wait3A_557] : memref<819200xi32, #tpu.memory_space<hbm>> -> memref<1024xi32, #tpu.memory_space<hbm>>
        %dma_wait3A_559 = arith.constant 0 : i32
        %dma_wait3A_560 = tpu.memref_slice %arg8[%dma_wait3A_553, %dma_wait3A_559] : memref<2x1024xi32, #tpu.memory_space<vmem>> -> memref<1x1024xi32, #tpu.memory_space<vmem>>
        %dma_wait3A_561 = tpu.memref_squeeze %dma_wait3A_560 : memref<1x1024xi32, #tpu.memory_space<vmem>> -> memref<1024xi32, #tpu.memory_space<vmem>>
        %dma_wait3A_562 = arith.constant 0 : i32
        %dma_wait3A_563 = tpu.memref_slice %arg4[%dma_wait3A_562] : memref<819200xi32, #tpu.memory_space<hbm>> -> memref<1024xi32, #tpu.memory_space<hbm>>
        tpu.wait_dma2 semaphore(%arg19 : memref<!tpu.dma_semaphore, #tpu.memory_space<semaphore_mem>>) src(%dma_wait3A_563 : memref<1024xi32, #tpu.memory_space<hbm>>) dst(%dma_wait3A_561 : memref<1024xi32, #tpu.memory_space<vmem>>)
      } else {
      }
      %lt3A_315 = arith.constant 200 : i32
      %lt3A_316 = arith.cmpi slt, %add3A_238, %lt3A_315 : i32
      %convert_element_type3A_317 = arith.extui %lt3A_316 : i1 to i32
      %cond3A_318 = arith.constant 0 : i32
      %cond3A_319 = arith.cmpi ne, %convert_element_type3A_317, %cond3A_318 : i32
      scf.if %cond3A_319 {
        %jit3A_542 = arith.constant 8 : i32
        %div3A_543 = arith.divsi %add3A_238, %jit3A_542 : i32
        %sign3A_544 = arith.constant 0 : i32
        %sign3A_545 = arith.cmpi sgt, %add3A_238, %sign3A_544 : i32
        %sign3A_546 = arith.extui %sign3A_545 : i1 to i32
        %sign3A_547 = arith.constant 0 : i32
        %sign3A_548 = arith.cmpi slt, %add3A_238, %sign3A_547 : i32
        %sign3A_549 = arith.extui %sign3A_548 : i1 to i32
        %sign3A_550 = arith.subi %sign3A_546, %sign3A_549 : i32
        %sign3A_551 = arith.constant 0 : i32
        %sign3A_552 = arith.cmpi sgt, %jit3A_542, %sign3A_551 : i32
        %sign3A_553 = arith.extui %sign3A_552 : i1 to i32
        %sign3A_554 = arith.constant 0 : i32
        %sign3A_555 = arith.cmpi slt, %jit3A_542, %sign3A_554 : i32
        %sign3A_556 = arith.extui %sign3A_555 : i1 to i32
        %sign3A_557 = arith.subi %sign3A_553, %sign3A_556 : i32
        %ne3A_558 = arith.cmpi ne, %sign3A_550, %sign3A_557 : i32
        %rem3A_559 = arith.remsi %add3A_238, %jit3A_542 : i32
        %ne3A_560 = arith.constant 0 : i32
        %ne3A_561 = arith.cmpi ne, %rem3A_559, %ne3A_560 : i32
        %and3A_562 = arith.andi %ne3A_558, %ne3A_561 : i1
        %sub3A_563 = arith.constant 1 : i32
        %sub3A_564 = arith.subi %div3A_543, %sub3A_563 : i32
        %select_n3A_565 = arith.select %and3A_562, %sub3A_564, %div3A_543 : i32
        %jit3A_566 = arith.constant 2 : i32
        %eq3A_567 = arith.constant 0 : i32
        %eq3A_568 = arith.cmpi eq, %jit3A_566, %eq3A_567 : i32
        %jit3A_569 = arith.constant 1 : i32
        %select_n3A_570 = arith.select %eq3A_568, %jit3A_569, %jit3A_566 : i32
        %rem3A_571 = arith.remsi %select_n3A_565, %select_n3A_570 : i32
        %ne3A_572 = arith.constant 0 : i32
        %ne3A_573 = arith.cmpi ne, %rem3A_571, %ne3A_572 : i32
        %lt3A_574 = arith.constant 0 : i32
        %lt3A_575 = arith.cmpi slt, %rem3A_571, %lt3A_574 : i32
        %lt3A_576 = arith.constant 0 : i32
        %lt3A_577 = arith.cmpi slt, %select_n3A_570, %lt3A_576 : i32
        %ne3A_578 = arith.xori %lt3A_575, %lt3A_577 : i1
        %and3A_579 = arith.andi %ne3A_578, %ne3A_573 : i1
        %add3A_580 = arith.addi %rem3A_571, %select_n3A_570 : i32
        %select_n3A_581 = arith.select %and3A_579, %add3A_580, %rem3A_571 : i32
        %jit3A_582 = arith.constant 8 : i32
        %eq3A_583 = arith.constant 0 : i32
        %eq3A_584 = arith.cmpi eq, %jit3A_582, %eq3A_583 : i32
        %jit3A_585 = arith.constant 1 : i32
        %select_n3A_586 = arith.select %eq3A_584, %jit3A_585, %jit3A_582 : i32
        %rem3A_587 = arith.remsi %add3A_238, %select_n3A_586 : i32
        %ne3A_588 = arith.constant 0 : i32
        %ne3A_589 = arith.cmpi ne, %rem3A_587, %ne3A_588 : i32
        %lt3A_590 = arith.constant 0 : i32
        %lt3A_591 = arith.cmpi slt, %rem3A_587, %lt3A_590 : i32
        %lt3A_592 = arith.constant 0 : i32
        %lt3A_593 = arith.cmpi slt, %select_n3A_586, %lt3A_592 : i32
        %ne3A_594 = arith.xori %lt3A_591, %lt3A_593 : i1
        %and3A_595 = arith.andi %ne3A_594, %ne3A_589 : i1
        %add3A_596 = arith.addi %rem3A_587, %select_n3A_586 : i32
        %select_n3A_597 = arith.select %and3A_595, %add3A_596, %rem3A_587 : i32
        %mul3A_598 = arith.constant 128 : i32
        %mul3A_599 = arith.muli %select_n3A_597, %mul3A_598 : i32
        %eq3A_600 = arith.constant 0 : i32
        %eq3A_601 = arith.cmpi eq, %arg0, %eq3A_600 : i32
        %convert_element_type3A_602 = arith.extui %eq3A_601 : i1 to i32
        %cond3A_603 = arith.constant 0 : i32
        %cond3A_604 = arith.cmpi ne, %convert_element_type3A_602, %cond3A_603 : i32
        scf.if %cond3A_604 {
          %dma_start3A_610 = tpu.memref_slice %arg8[%select_n3A_581, %mul3A_599] : memref<2x1024xi32, #tpu.memory_space<vmem>> -> memref<1x128xi32, #tpu.memory_space<vmem>>
          %dma_start3A_611 = tpu.memref_squeeze %dma_start3A_610 : memref<1x128xi32, #tpu.memory_space<vmem>> -> memref<128xi32, #tpu.memory_space<vmem>>
          %dma_start3A_612 = arith.constant 0 : i32
          %dma_start3A_613 = arith.constant 0 : i32
          %dma_start3A_614 = tpu.memref_slice %arg2[%dma_start3A_612, %dma_start3A_613] : memref<50000x32xf32, #tpu.memory_space<hbm>> -> memref<50000x32xf32, #tpu.memory_space<hbm>>
          tpu.enqueue_indirect_dma source(%dma_start3A_614 : memref<50000x32xf32, #tpu.memory_space<hbm>>) target(%arg10 : memref<128x32xf32, #tpu.memory_space<vmem>>) offsets(%dma_start3A_611 : memref<128xi32, #tpu.memory_space<vmem>>) semaphore(%arg15 : memref<!tpu.dma_semaphore, #tpu.memory_space<semaphore_mem>>)
        } else {
        }
        %eq3A_605 = arith.constant 1 : i32
        %eq3A_606 = arith.cmpi eq, %arg0, %eq3A_605 : i32
        %convert_element_type3A_607 = arith.extui %eq3A_606 : i1 to i32
        %cond3A_608 = arith.constant 0 : i32
        %cond3A_609 = arith.cmpi ne, %convert_element_type3A_607, %cond3A_608 : i32
        scf.if %cond3A_609 {
          %dma_start3A_610 = tpu.memref_slice %arg8[%select_n3A_581, %mul3A_599] : memref<2x1024xi32, #tpu.memory_space<vmem>> -> memref<1x128xi32, #tpu.memory_space<vmem>>
          %dma_start3A_611 = tpu.memref_squeeze %dma_start3A_610 : memref<1x128xi32, #tpu.memory_space<vmem>> -> memref<128xi32, #tpu.memory_space<vmem>>
          %dma_start3A_612 = arith.constant 0 : i32
          %dma_start3A_613 = arith.constant 0 : i32
          %dma_start3A_614 = tpu.memref_slice %arg3[%dma_start3A_612, %dma_start3A_613] : memref<50000x32xf32, #tpu.memory_space<hbm>> -> memref<50000x32xf32, #tpu.memory_space<hbm>>
          tpu.enqueue_indirect_dma source(%dma_start3A_614 : memref<50000x32xf32, #tpu.memory_space<hbm>>) target(%arg10 : memref<128x32xf32, #tpu.memory_space<vmem>>) offsets(%dma_start3A_611 : memref<128xi32, #tpu.memory_space<vmem>>) semaphore(%arg15 : memref<!tpu.dma_semaphore, #tpu.memory_space<semaphore_mem>>)
        } else {
        }
      } else {
      }
      %add3A_320 = arith.constant 1 : i32
      %add3A_321 = arith.addi %mul3A_174, %add3A_320 : i32
      %dma_wait3A_322 = arith.constant 0 : i32
      %dma_wait3A_323 = arith.constant 0 : i32
      %dma_wait3A_324 = tpu.memref_slice %arg8[%dma_wait3A_322, %dma_wait3A_323] : memref<2x1024xi32, #tpu.memory_space<vmem>> -> memref<1x128xi32, #tpu.memory_space<vmem>>
      %dma_wait3A_325 = tpu.memref_squeeze %dma_wait3A_324 : memref<1x128xi32, #tpu.memory_space<vmem>> -> memref<128xi32, #tpu.memory_space<vmem>>
      %dma_wait3A_326 = arith.constant 0 : i32
      %dma_wait3A_327 = arith.constant 0 : i32
      %dma_wait3A_328 = tpu.memref_slice %arg2[%dma_wait3A_326, %dma_wait3A_327] : memref<50000x32xf32, #tpu.memory_space<hbm>> -> memref<50000x32xf32, #tpu.memory_space<hbm>>
      tpu.wait_indirect_dma semaphore(%arg16 : memref<!tpu.dma_semaphore, #tpu.memory_space<semaphore_mem>>) src(%dma_wait3A_328 : memref<50000x32xf32, #tpu.memory_space<hbm>>) dst(%arg11 : memref<128x32xf32, #tpu.memory_space<vmem>>)
      %jit3A_329 = arith.constant 8 : i32
      %div3A_330 = arith.divsi %add3A_321, %jit3A_329 : i32
      %sign3A_331 = arith.constant 0 : i32
      %sign3A_332 = arith.cmpi sgt, %add3A_321, %sign3A_331 : i32
      %sign3A_333 = arith.extui %sign3A_332 : i1 to i32
      %sign3A_334 = arith.constant 0 : i32
      %sign3A_335 = arith.cmpi slt, %add3A_321, %sign3A_334 : i32
      %sign3A_336 = arith.extui %sign3A_335 : i1 to i32
      %sign3A_337 = arith.subi %sign3A_333, %sign3A_336 : i32
      %sign3A_338 = arith.constant 0 : i32
      %sign3A_339 = arith.cmpi sgt, %jit3A_329, %sign3A_338 : i32
      %sign3A_340 = arith.extui %sign3A_339 : i1 to i32
      %sign3A_341 = arith.constant 0 : i32
      %sign3A_342 = arith.cmpi slt, %jit3A_329, %sign3A_341 : i32
      %sign3A_343 = arith.extui %sign3A_342 : i1 to i32
      %sign3A_344 = arith.subi %sign3A_340, %sign3A_343 : i32
      %ne3A_345 = arith.cmpi ne, %sign3A_337, %sign3A_344 : i32
      %rem3A_346 = arith.remsi %add3A_321, %jit3A_329 : i32
      %ne3A_347 = arith.constant 0 : i32
      %ne3A_348 = arith.cmpi ne, %rem3A_346, %ne3A_347 : i32
      %and3A_349 = arith.andi %ne3A_345, %ne3A_348 : i1
      %sub3A_350 = arith.constant 1 : i32
      %sub3A_351 = arith.subi %div3A_330, %sub3A_350 : i32
      %select_n3A_352 = arith.select %and3A_349, %sub3A_351, %div3A_330 : i32
      %jit3A_353 = arith.constant 2 : i32
      %eq3A_354 = arith.constant 0 : i32
      %eq3A_355 = arith.cmpi eq, %jit3A_353, %eq3A_354 : i32
      %jit3A_356 = arith.constant 1 : i32
      %select_n3A_357 = arith.select %eq3A_355, %jit3A_356, %jit3A_353 : i32
      %rem3A_358 = arith.remsi %select_n3A_352, %select_n3A_357 : i32
      %ne3A_359 = arith.constant 0 : i32
      %ne3A_360 = arith.cmpi ne, %rem3A_358, %ne3A_359 : i32
      %lt3A_361 = arith.constant 0 : i32
      %lt3A_362 = arith.cmpi slt, %rem3A_358, %lt3A_361 : i32
      %lt3A_363 = arith.constant 0 : i32
      %lt3A_364 = arith.cmpi slt, %select_n3A_357, %lt3A_363 : i32
      %ne3A_365 = arith.xori %lt3A_362, %lt3A_364 : i1
      %and3A_366 = arith.andi %ne3A_365, %ne3A_360 : i1
      %add3A_367 = arith.addi %rem3A_358, %select_n3A_357 : i32
      %select_n3A_368 = arith.select %and3A_366, %add3A_367, %rem3A_358 : i32
      %jit3A_369 = arith.constant 8 : i32
      %eq3A_370 = arith.constant 0 : i32
      %eq3A_371 = arith.cmpi eq, %jit3A_369, %eq3A_370 : i32
      %jit3A_372 = arith.constant 1 : i32
      %select_n3A_373 = arith.select %eq3A_371, %jit3A_372, %jit3A_369 : i32
      %rem3A_374 = arith.remsi %add3A_321, %select_n3A_373 : i32
      %ne3A_375 = arith.constant 0 : i32
      %ne3A_376 = arith.cmpi ne, %rem3A_374, %ne3A_375 : i32
      %lt3A_377 = arith.constant 0 : i32
      %lt3A_378 = arith.cmpi slt, %rem3A_374, %lt3A_377 : i32
      %lt3A_379 = arith.constant 0 : i32
      %lt3A_380 = arith.cmpi slt, %select_n3A_373, %lt3A_379 : i32
      %ne3A_381 = arith.xori %lt3A_378, %lt3A_380 : i1
      %and3A_382 = arith.andi %ne3A_381, %ne3A_376 : i1
      %add3A_383 = arith.addi %rem3A_374, %select_n3A_373 : i32
      %select_n3A_384 = arith.select %and3A_382, %add3A_383, %rem3A_374 : i32
      %mul3A_385 = arith.constant 128 : i32
      %mul3A_386 = arith.muli %select_n3A_384, %mul3A_385 : i32
      "tpu.region"() ({
        %run_scoped3A = tpu.sem_alloc : memref<!tpu.dma_semaphore, #tpu.memory_space<semaphore_mem>>
        %dma_start3A_542 = tpu.memref_slice %arg9[%select_n3A_368, %mul3A_386] : memref<2x1024xi32, #tpu.memory_space<vmem>> -> memref<1x128xi32, #tpu.memory_space<vmem>>
        %dma_start3A_543 = tpu.memref_squeeze %dma_start3A_542 : memref<1x128xi32, #tpu.memory_space<vmem>> -> memref<128xi32, #tpu.memory_space<vmem>>
        %dma_start3A_544 = arith.constant 0 : i32
        %dma_start3A_545 = arith.constant 0 : i32
        %dma_start3A_546 = tpu.memref_slice %arg14[%dma_start3A_544, %dma_start3A_545] : memref<50304x32xf32, #tpu.memory_space<vmem_shared>> -> memref<50304x32xf32, #tpu.memory_space<vmem_shared>>
        tpu.enqueue_indirect_dma source(%arg11 : memref<128x32xf32, #tpu.memory_space<vmem>>) target(%dma_start3A_546 : memref<50304x32xf32, #tpu.memory_space<vmem_shared>>) offsets(%dma_start3A_543 : memref<128xi32, #tpu.memory_space<vmem>>) semaphore(%run_scoped3A : memref<!tpu.dma_semaphore, #tpu.memory_space<semaphore_mem>>) {add = true}
        %dma_wait3A_547 = tpu.memref_slice %arg9[%select_n3A_368, %mul3A_386] : memref<2x1024xi32, #tpu.memory_space<vmem>> -> memref<1x128xi32, #tpu.memory_space<vmem>>
        %dma_wait3A_548 = tpu.memref_squeeze %dma_wait3A_547 : memref<1x128xi32, #tpu.memory_space<vmem>> -> memref<128xi32, #tpu.memory_space<vmem>>
        %dma_wait3A_549 = arith.constant 0 : i32
        %dma_wait3A_550 = arith.constant 0 : i32
        %dma_wait3A_551 = tpu.memref_slice %arg14[%dma_wait3A_549, %dma_wait3A_550] : memref<50304x32xf32, #tpu.memory_space<vmem_shared>> -> memref<50304x32xf32, #tpu.memory_space<vmem_shared>>
        tpu.wait_indirect_dma semaphore(%run_scoped3A : memref<!tpu.dma_semaphore, #tpu.memory_space<semaphore_mem>>) src(%arg11 : memref<128x32xf32, #tpu.memory_space<vmem>>) dst(%dma_wait3A_551 : memref<50304x32xf32, #tpu.memory_space<vmem_shared>>)
        tpu.yield
      }) : () -> ()
      %add3A_387 = arith.constant 4 : i32
      %add3A_388 = arith.addi %add3A_321, %add3A_387 : i32
      %lt3A_389 = arith.constant 200 : i32
      %lt3A_390 = arith.cmpi slt, %add3A_388, %lt3A_389 : i32
      %convert_element_type3A_391 = arith.extui %lt3A_390 : i1 to i32
      %cond3A_392 = arith.constant 0 : i32
      %cond3A_393 = arith.cmpi ne, %convert_element_type3A_391, %cond3A_392 : i32
      scf.if %cond3A_393 {
        %jit3A_542 = arith.constant 8 : i32
        %div3A_543 = arith.divsi %add3A_388, %jit3A_542 : i32
        %sign3A_544 = arith.constant 0 : i32
        %sign3A_545 = arith.cmpi sgt, %add3A_388, %sign3A_544 : i32
        %sign3A_546 = arith.extui %sign3A_545 : i1 to i32
        %sign3A_547 = arith.constant 0 : i32
        %sign3A_548 = arith.cmpi slt, %add3A_388, %sign3A_547 : i32
        %sign3A_549 = arith.extui %sign3A_548 : i1 to i32
        %sign3A_550 = arith.subi %sign3A_546, %sign3A_549 : i32
        %sign3A_551 = arith.constant 0 : i32
        %sign3A_552 = arith.cmpi sgt, %jit3A_542, %sign3A_551 : i32
        %sign3A_553 = arith.extui %sign3A_552 : i1 to i32
        %sign3A_554 = arith.constant 0 : i32
        %sign3A_555 = arith.cmpi slt, %jit3A_542, %sign3A_554 : i32
        %sign3A_556 = arith.extui %sign3A_555 : i1 to i32
        %sign3A_557 = arith.subi %sign3A_553, %sign3A_556 : i32
        %ne3A_558 = arith.cmpi ne, %sign3A_550, %sign3A_557 : i32
        %rem3A_559 = arith.remsi %add3A_388, %jit3A_542 : i32
        %ne3A_560 = arith.constant 0 : i32
        %ne3A_561 = arith.cmpi ne, %rem3A_559, %ne3A_560 : i32
        %and3A_562 = arith.andi %ne3A_558, %ne3A_561 : i1
        %sub3A_563 = arith.constant 1 : i32
        %sub3A_564 = arith.subi %div3A_543, %sub3A_563 : i32
        %select_n3A_565 = arith.select %and3A_562, %sub3A_564, %div3A_543 : i32
        %jit3A_566 = arith.constant 2 : i32
        %eq3A_567 = arith.constant 0 : i32
        %eq3A_568 = arith.cmpi eq, %jit3A_566, %eq3A_567 : i32
        %jit3A_569 = arith.constant 1 : i32
        %select_n3A_570 = arith.select %eq3A_568, %jit3A_569, %jit3A_566 : i32
        %rem3A_571 = arith.remsi %select_n3A_565, %select_n3A_570 : i32
        %ne3A_572 = arith.constant 0 : i32
        %ne3A_573 = arith.cmpi ne, %rem3A_571, %ne3A_572 : i32
        %lt3A_574 = arith.constant 0 : i32
        %lt3A_575 = arith.cmpi slt, %rem3A_571, %lt3A_574 : i32
        %lt3A_576 = arith.constant 0 : i32
        %lt3A_577 = arith.cmpi slt, %select_n3A_570, %lt3A_576 : i32
        %ne3A_578 = arith.xori %lt3A_575, %lt3A_577 : i1
        %and3A_579 = arith.andi %ne3A_578, %ne3A_573 : i1
        %add3A_580 = arith.addi %rem3A_571, %select_n3A_570 : i32
        %select_n3A_581 = arith.select %and3A_579, %add3A_580, %rem3A_571 : i32
        %jit3A_582 = arith.constant 8 : i32
        %eq3A_583 = arith.constant 0 : i32
        %eq3A_584 = arith.cmpi eq, %jit3A_582, %eq3A_583 : i32
        %jit3A_585 = arith.constant 1 : i32
        %select_n3A_586 = arith.select %eq3A_584, %jit3A_585, %jit3A_582 : i32
        %rem3A_587 = arith.remsi %add3A_388, %select_n3A_586 : i32
        %ne3A_588 = arith.constant 0 : i32
        %ne3A_589 = arith.cmpi ne, %rem3A_587, %ne3A_588 : i32
        %lt3A_590 = arith.constant 0 : i32
        %lt3A_591 = arith.cmpi slt, %rem3A_587, %lt3A_590 : i32
        %lt3A_592 = arith.constant 0 : i32
        %lt3A_593 = arith.cmpi slt, %select_n3A_586, %lt3A_592 : i32
        %ne3A_594 = arith.xori %lt3A_591, %lt3A_593 : i1
        %and3A_595 = arith.andi %ne3A_594, %ne3A_589 : i1
        %add3A_596 = arith.addi %rem3A_587, %select_n3A_586 : i32
        %select_n3A_597 = arith.select %and3A_595, %add3A_596, %rem3A_587 : i32
        %mul3A_598 = arith.constant 128 : i32
        %mul3A_599 = arith.muli %select_n3A_597, %mul3A_598 : i32
        %eq3A_600 = arith.constant 0 : i32
        %eq3A_601 = arith.cmpi eq, %arg0, %eq3A_600 : i32
        %convert_element_type3A_602 = arith.extui %eq3A_601 : i1 to i32
        %cond3A_603 = arith.constant 0 : i32
        %cond3A_604 = arith.cmpi ne, %convert_element_type3A_602, %cond3A_603 : i32
        scf.if %cond3A_604 {
          %dma_start3A_610 = tpu.memref_slice %arg8[%select_n3A_581, %mul3A_599] : memref<2x1024xi32, #tpu.memory_space<vmem>> -> memref<1x128xi32, #tpu.memory_space<vmem>>
          %dma_start3A_611 = tpu.memref_squeeze %dma_start3A_610 : memref<1x128xi32, #tpu.memory_space<vmem>> -> memref<128xi32, #tpu.memory_space<vmem>>
          %dma_start3A_612 = arith.constant 0 : i32
          %dma_start3A_613 = arith.constant 0 : i32
          %dma_start3A_614 = tpu.memref_slice %arg2[%dma_start3A_612, %dma_start3A_613] : memref<50000x32xf32, #tpu.memory_space<hbm>> -> memref<50000x32xf32, #tpu.memory_space<hbm>>
          tpu.enqueue_indirect_dma source(%dma_start3A_614 : memref<50000x32xf32, #tpu.memory_space<hbm>>) target(%arg11 : memref<128x32xf32, #tpu.memory_space<vmem>>) offsets(%dma_start3A_611 : memref<128xi32, #tpu.memory_space<vmem>>) semaphore(%arg16 : memref<!tpu.dma_semaphore, #tpu.memory_space<semaphore_mem>>)
        } else {
        }
        %eq3A_605 = arith.constant 1 : i32
        %eq3A_606 = arith.cmpi eq, %arg0, %eq3A_605 : i32
        %convert_element_type3A_607 = arith.extui %eq3A_606 : i1 to i32
        %cond3A_608 = arith.constant 0 : i32
        %cond3A_609 = arith.cmpi ne, %convert_element_type3A_607, %cond3A_608 : i32
        scf.if %cond3A_609 {
          %dma_start3A_610 = tpu.memref_slice %arg8[%select_n3A_581, %mul3A_599] : memref<2x1024xi32, #tpu.memory_space<vmem>> -> memref<1x128xi32, #tpu.memory_space<vmem>>
          %dma_start3A_611 = tpu.memref_squeeze %dma_start3A_610 : memref<1x128xi32, #tpu.memory_space<vmem>> -> memref<128xi32, #tpu.memory_space<vmem>>
          %dma_start3A_612 = arith.constant 0 : i32
          %dma_start3A_613 = arith.constant 0 : i32
          %dma_start3A_614 = tpu.memref_slice %arg3[%dma_start3A_612, %dma_start3A_613] : memref<50000x32xf32, #tpu.memory_space<hbm>> -> memref<50000x32xf32, #tpu.memory_space<hbm>>
          tpu.enqueue_indirect_dma source(%dma_start3A_614 : memref<50000x32xf32, #tpu.memory_space<hbm>>) target(%arg11 : memref<128x32xf32, #tpu.memory_space<vmem>>) offsets(%dma_start3A_611 : memref<128xi32, #tpu.memory_space<vmem>>) semaphore(%arg16 : memref<!tpu.dma_semaphore, #tpu.memory_space<semaphore_mem>>)
        } else {
        }
      } else {
      }
      %add3A_394 = arith.constant 2 : i32
      %add3A_395 = arith.addi %mul3A_174, %add3A_394 : i32
      %dma_wait3A_396 = arith.constant 0 : i32
      %dma_wait3A_397 = arith.constant 0 : i32
      %dma_wait3A_398 = tpu.memref_slice %arg8[%dma_wait3A_396, %dma_wait3A_397] : memref<2x1024xi32, #tpu.memory_space<vmem>> -> memref<1x128xi32, #tpu.memory_space<vmem>>
      %dma_wait3A_399 = tpu.memref_squeeze %dma_wait3A_398 : memref<1x128xi32, #tpu.memory_space<vmem>> -> memref<128xi32, #tpu.memory_space<vmem>>
      %dma_wait3A_400 = arith.constant 0 : i32
      %dma_wait3A_401 = arith.constant 0 : i32
      %dma_wait3A_402 = tpu.memref_slice %arg2[%dma_wait3A_400, %dma_wait3A_401] : memref<50000x32xf32, #tpu.memory_space<hbm>> -> memref<50000x32xf32, #tpu.memory_space<hbm>>
      tpu.wait_indirect_dma semaphore(%arg17 : memref<!tpu.dma_semaphore, #tpu.memory_space<semaphore_mem>>) src(%dma_wait3A_402 : memref<50000x32xf32, #tpu.memory_space<hbm>>) dst(%arg12 : memref<128x32xf32, #tpu.memory_space<vmem>>)
      %jit3A_403 = arith.constant 8 : i32
      %div3A_404 = arith.divsi %add3A_395, %jit3A_403 : i32
      %sign3A_405 = arith.constant 0 : i32
      %sign3A_406 = arith.cmpi sgt, %add3A_395, %sign3A_405 : i32
      %sign3A_407 = arith.extui %sign3A_406 : i1 to i32
      %sign3A_408 = arith.constant 0 : i32
      %sign3A_409 = arith.cmpi slt, %add3A_395, %sign3A_408 : i32
      %sign3A_410 = arith.extui %sign3A_409 : i1 to i32
      %sign3A_411 = arith.subi %sign3A_407, %sign3A_410 : i32
      %sign3A_412 = arith.constant 0 : i32
      %sign3A_413 = arith.cmpi sgt, %jit3A_403, %sign3A_412 : i32
      %sign3A_414 = arith.extui %sign3A_413 : i1 to i32
      %sign3A_415 = arith.constant 0 : i32
      %sign3A_416 = arith.cmpi slt, %jit3A_403, %sign3A_415 : i32
      %sign3A_417 = arith.extui %sign3A_416 : i1 to i32
      %sign3A_418 = arith.subi %sign3A_414, %sign3A_417 : i32
      %ne3A_419 = arith.cmpi ne, %sign3A_411, %sign3A_418 : i32
      %rem3A_420 = arith.remsi %add3A_395, %jit3A_403 : i32
      %ne3A_421 = arith.constant 0 : i32
      %ne3A_422 = arith.cmpi ne, %rem3A_420, %ne3A_421 : i32
      %and3A_423 = arith.andi %ne3A_419, %ne3A_422 : i1
      %sub3A_424 = arith.constant 1 : i32
      %sub3A_425 = arith.subi %div3A_404, %sub3A_424 : i32
      %select_n3A_426 = arith.select %and3A_423, %sub3A_425, %div3A_404 : i32
      %jit3A_427 = arith.constant 2 : i32
      %eq3A_428 = arith.constant 0 : i32
      %eq3A_429 = arith.cmpi eq, %jit3A_427, %eq3A_428 : i32
      %jit3A_430 = arith.constant 1 : i32
      %select_n3A_431 = arith.select %eq3A_429, %jit3A_430, %jit3A_427 : i32
      %rem3A_432 = arith.remsi %select_n3A_426, %select_n3A_431 : i32
      %ne3A_433 = arith.constant 0 : i32
      %ne3A_434 = arith.cmpi ne, %rem3A_432, %ne3A_433 : i32
      %lt3A_435 = arith.constant 0 : i32
      %lt3A_436 = arith.cmpi slt, %rem3A_432, %lt3A_435 : i32
      %lt3A_437 = arith.constant 0 : i32
      %lt3A_438 = arith.cmpi slt, %select_n3A_431, %lt3A_437 : i32
      %ne3A_439 = arith.xori %lt3A_436, %lt3A_438 : i1
      %and3A_440 = arith.andi %ne3A_439, %ne3A_434 : i1
      %add3A_441 = arith.addi %rem3A_432, %select_n3A_431 : i32
      %select_n3A_442 = arith.select %and3A_440, %add3A_441, %rem3A_432 : i32
      %jit3A_443 = arith.constant 8 : i32
      %eq3A_444 = arith.constant 0 : i32
      %eq3A_445 = arith.cmpi eq, %jit3A_443, %eq3A_444 : i32
      %jit3A_446 = arith.constant 1 : i32
      %select_n3A_447 = arith.select %eq3A_445, %jit3A_446, %jit3A_443 : i32
      %rem3A_448 = arith.remsi %add3A_395, %select_n3A_447 : i32
      %ne3A_449 = arith.constant 0 : i32
      %ne3A_450 = arith.cmpi ne, %rem3A_448, %ne3A_449 : i32
      %lt3A_451 = arith.constant 0 : i32
      %lt3A_452 = arith.cmpi slt, %rem3A_448, %lt3A_451 : i32
      %lt3A_453 = arith.constant 0 : i32
      %lt3A_454 = arith.cmpi slt, %select_n3A_447, %lt3A_453 : i32
      %ne3A_455 = arith.xori %lt3A_452, %lt3A_454 : i1
      %and3A_456 = arith.andi %ne3A_455, %ne3A_450 : i1
      %add3A_457 = arith.addi %rem3A_448, %select_n3A_447 : i32
      %select_n3A_458 = arith.select %and3A_456, %add3A_457, %rem3A_448 : i32
      %mul3A_459 = arith.constant 128 : i32
      %mul3A_460 = arith.muli %select_n3A_458, %mul3A_459 : i32
      "tpu.region"() ({
        %run_scoped3A = tpu.sem_alloc : memref<!tpu.dma_semaphore, #tpu.memory_space<semaphore_mem>>
        %dma_start3A_542 = tpu.memref_slice %arg9[%select_n3A_442, %mul3A_460] : memref<2x1024xi32, #tpu.memory_space<vmem>> -> memref<1x128xi32, #tpu.memory_space<vmem>>
        %dma_start3A_543 = tpu.memref_squeeze %dma_start3A_542 : memref<1x128xi32, #tpu.memory_space<vmem>> -> memref<128xi32, #tpu.memory_space<vmem>>
        %dma_start3A_544 = arith.constant 0 : i32
        %dma_start3A_545 = arith.constant 0 : i32
        %dma_start3A_546 = tpu.memref_slice %arg14[%dma_start3A_544, %dma_start3A_545] : memref<50304x32xf32, #tpu.memory_space<vmem_shared>> -> memref<50304x32xf32, #tpu.memory_space<vmem_shared>>
        tpu.enqueue_indirect_dma source(%arg12 : memref<128x32xf32, #tpu.memory_space<vmem>>) target(%dma_start3A_546 : memref<50304x32xf32, #tpu.memory_space<vmem_shared>>) offsets(%dma_start3A_543 : memref<128xi32, #tpu.memory_space<vmem>>) semaphore(%run_scoped3A : memref<!tpu.dma_semaphore, #tpu.memory_space<semaphore_mem>>) {add = true}
        %dma_wait3A_547 = tpu.memref_slice %arg9[%select_n3A_442, %mul3A_460] : memref<2x1024xi32, #tpu.memory_space<vmem>> -> memref<1x128xi32, #tpu.memory_space<vmem>>
        %dma_wait3A_548 = tpu.memref_squeeze %dma_wait3A_547 : memref<1x128xi32, #tpu.memory_space<vmem>> -> memref<128xi32, #tpu.memory_space<vmem>>
        %dma_wait3A_549 = arith.constant 0 : i32
        %dma_wait3A_550 = arith.constant 0 : i32
        %dma_wait3A_551 = tpu.memref_slice %arg14[%dma_wait3A_549, %dma_wait3A_550] : memref<50304x32xf32, #tpu.memory_space<vmem_shared>> -> memref<50304x32xf32, #tpu.memory_space<vmem_shared>>
        tpu.wait_indirect_dma semaphore(%run_scoped3A : memref<!tpu.dma_semaphore, #tpu.memory_space<semaphore_mem>>) src(%arg12 : memref<128x32xf32, #tpu.memory_space<vmem>>) dst(%dma_wait3A_551 : memref<50304x32xf32, #tpu.memory_space<vmem_shared>>)
        tpu.yield
      }) : () -> ()
      %add3A_461 = arith.constant 4 : i32
      %add3A_462 = arith.addi %add3A_395, %add3A_461 : i32
      %lt3A_463 = arith.constant 200 : i32
      %lt3A_464 = arith.cmpi slt, %add3A_462, %lt3A_463 : i32
      %convert_element_type3A_465 = arith.extui %lt3A_464 : i1 to i32
      %cond3A_466 = arith.constant 0 : i32
      %cond3A_467 = arith.cmpi ne, %convert_element_type3A_465, %cond3A_466 : i32
      scf.if %cond3A_467 {
        %jit3A_542 = arith.constant 8 : i32
        %div3A_543 = arith.divsi %add3A_462, %jit3A_542 : i32
        %sign3A_544 = arith.constant 0 : i32
        %sign3A_545 = arith.cmpi sgt, %add3A_462, %sign3A_544 : i32
        %sign3A_546 = arith.extui %sign3A_545 : i1 to i32
        %sign3A_547 = arith.constant 0 : i32
        %sign3A_548 = arith.cmpi slt, %add3A_462, %sign3A_547 : i32
        %sign3A_549 = arith.extui %sign3A_548 : i1 to i32
        %sign3A_550 = arith.subi %sign3A_546, %sign3A_549 : i32
        %sign3A_551 = arith.constant 0 : i32
        %sign3A_552 = arith.cmpi sgt, %jit3A_542, %sign3A_551 : i32
        %sign3A_553 = arith.extui %sign3A_552 : i1 to i32
        %sign3A_554 = arith.constant 0 : i32
        %sign3A_555 = arith.cmpi slt, %jit3A_542, %sign3A_554 : i32
        %sign3A_556 = arith.extui %sign3A_555 : i1 to i32
        %sign3A_557 = arith.subi %sign3A_553, %sign3A_556 : i32
        %ne3A_558 = arith.cmpi ne, %sign3A_550, %sign3A_557 : i32
        %rem3A_559 = arith.remsi %add3A_462, %jit3A_542 : i32
        %ne3A_560 = arith.constant 0 : i32
        %ne3A_561 = arith.cmpi ne, %rem3A_559, %ne3A_560 : i32
        %and3A_562 = arith.andi %ne3A_558, %ne3A_561 : i1
        %sub3A_563 = arith.constant 1 : i32
        %sub3A_564 = arith.subi %div3A_543, %sub3A_563 : i32
        %select_n3A_565 = arith.select %and3A_562, %sub3A_564, %div3A_543 : i32
        %jit3A_566 = arith.constant 2 : i32
        %eq3A_567 = arith.constant 0 : i32
        %eq3A_568 = arith.cmpi eq, %jit3A_566, %eq3A_567 : i32
        %jit3A_569 = arith.constant 1 : i32
        %select_n3A_570 = arith.select %eq3A_568, %jit3A_569, %jit3A_566 : i32
        %rem3A_571 = arith.remsi %select_n3A_565, %select_n3A_570 : i32
        %ne3A_572 = arith.constant 0 : i32
        %ne3A_573 = arith.cmpi ne, %rem3A_571, %ne3A_572 : i32
        %lt3A_574 = arith.constant 0 : i32
        %lt3A_575 = arith.cmpi slt, %rem3A_571, %lt3A_574 : i32
        %lt3A_576 = arith.constant 0 : i32
        %lt3A_577 = arith.cmpi slt, %select_n3A_570, %lt3A_576 : i32
        %ne3A_578 = arith.xori %lt3A_575, %lt3A_577 : i1
        %and3A_579 = arith.andi %ne3A_578, %ne3A_573 : i1
        %add3A_580 = arith.addi %rem3A_571, %select_n3A_570 : i32
        %select_n3A_581 = arith.select %and3A_579, %add3A_580, %rem3A_571 : i32
        %jit3A_582 = arith.constant 8 : i32
        %eq3A_583 = arith.constant 0 : i32
        %eq3A_584 = arith.cmpi eq, %jit3A_582, %eq3A_583 : i32
        %jit3A_585 = arith.constant 1 : i32
        %select_n3A_586 = arith.select %eq3A_584, %jit3A_585, %jit3A_582 : i32
        %rem3A_587 = arith.remsi %add3A_462, %select_n3A_586 : i32
        %ne3A_588 = arith.constant 0 : i32
        %ne3A_589 = arith.cmpi ne, %rem3A_587, %ne3A_588 : i32
        %lt3A_590 = arith.constant 0 : i32
        %lt3A_591 = arith.cmpi slt, %rem3A_587, %lt3A_590 : i32
        %lt3A_592 = arith.constant 0 : i32
        %lt3A_593 = arith.cmpi slt, %select_n3A_586, %lt3A_592 : i32
        %ne3A_594 = arith.xori %lt3A_591, %lt3A_593 : i1
        %and3A_595 = arith.andi %ne3A_594, %ne3A_589 : i1
        %add3A_596 = arith.addi %rem3A_587, %select_n3A_586 : i32
        %select_n3A_597 = arith.select %and3A_595, %add3A_596, %rem3A_587 : i32
        %mul3A_598 = arith.constant 128 : i32
        %mul3A_599 = arith.muli %select_n3A_597, %mul3A_598 : i32
        %eq3A_600 = arith.constant 0 : i32
        %eq3A_601 = arith.cmpi eq, %arg0, %eq3A_600 : i32
        %convert_element_type3A_602 = arith.extui %eq3A_601 : i1 to i32
        %cond3A_603 = arith.constant 0 : i32
        %cond3A_604 = arith.cmpi ne, %convert_element_type3A_602, %cond3A_603 : i32
        scf.if %cond3A_604 {
          %dma_start3A_610 = tpu.memref_slice %arg8[%select_n3A_581, %mul3A_599] : memref<2x1024xi32, #tpu.memory_space<vmem>> -> memref<1x128xi32, #tpu.memory_space<vmem>>
          %dma_start3A_611 = tpu.memref_squeeze %dma_start3A_610 : memref<1x128xi32, #tpu.memory_space<vmem>> -> memref<128xi32, #tpu.memory_space<vmem>>
          %dma_start3A_612 = arith.constant 0 : i32
          %dma_start3A_613 = arith.constant 0 : i32
          %dma_start3A_614 = tpu.memref_slice %arg2[%dma_start3A_612, %dma_start3A_613] : memref<50000x32xf32, #tpu.memory_space<hbm>> -> memref<50000x32xf32, #tpu.memory_space<hbm>>
          tpu.enqueue_indirect_dma source(%dma_start3A_614 : memref<50000x32xf32, #tpu.memory_space<hbm>>) target(%arg12 : memref<128x32xf32, #tpu.memory_space<vmem>>) offsets(%dma_start3A_611 : memref<128xi32, #tpu.memory_space<vmem>>) semaphore(%arg17 : memref<!tpu.dma_semaphore, #tpu.memory_space<semaphore_mem>>)
        } else {
        }
        %eq3A_605 = arith.constant 1 : i32
        %eq3A_606 = arith.cmpi eq, %arg0, %eq3A_605 : i32
        %convert_element_type3A_607 = arith.extui %eq3A_606 : i1 to i32
        %cond3A_608 = arith.constant 0 : i32
        %cond3A_609 = arith.cmpi ne, %convert_element_type3A_607, %cond3A_608 : i32
        scf.if %cond3A_609 {
          %dma_start3A_610 = tpu.memref_slice %arg8[%select_n3A_581, %mul3A_599] : memref<2x1024xi32, #tpu.memory_space<vmem>> -> memref<1x128xi32, #tpu.memory_space<vmem>>
          %dma_start3A_611 = tpu.memref_squeeze %dma_start3A_610 : memref<1x128xi32, #tpu.memory_space<vmem>> -> memref<128xi32, #tpu.memory_space<vmem>>
          %dma_start3A_612 = arith.constant 0 : i32
          %dma_start3A_613 = arith.constant 0 : i32
          %dma_start3A_614 = tpu.memref_slice %arg3[%dma_start3A_612, %dma_start3A_613] : memref<50000x32xf32, #tpu.memory_space<hbm>> -> memref<50000x32xf32, #tpu.memory_space<hbm>>
          tpu.enqueue_indirect_dma source(%dma_start3A_614 : memref<50000x32xf32, #tpu.memory_space<hbm>>) target(%arg12 : memref<128x32xf32, #tpu.memory_space<vmem>>) offsets(%dma_start3A_611 : memref<128xi32, #tpu.memory_space<vmem>>) semaphore(%arg17 : memref<!tpu.dma_semaphore, #tpu.memory_space<semaphore_mem>>)
        } else {
        }
      } else {
      }
      %add3A_468 = arith.constant 3 : i32
      %add3A_469 = arith.addi %mul3A_174, %add3A_468 : i32
      %dma_wait3A_470 = arith.constant 0 : i32
      %dma_wait3A_471 = arith.constant 0 : i32
      %dma_wait3A_472 = tpu.memref_slice %arg8[%dma_wait3A_470, %dma_wait3A_471] : memref<2x1024xi32, #tpu.memory_space<vmem>> -> memref<1x128xi32, #tpu.memory_space<vmem>>
      %dma_wait3A_473 = tpu.memref_squeeze %dma_wait3A_472 : memref<1x128xi32, #tpu.memory_space<vmem>> -> memref<128xi32, #tpu.memory_space<vmem>>
      %dma_wait3A_474 = arith.constant 0 : i32
      %dma_wait3A_475 = arith.constant 0 : i32
      %dma_wait3A_476 = tpu.memref_slice %arg2[%dma_wait3A_474, %dma_wait3A_475] : memref<50000x32xf32, #tpu.memory_space<hbm>> -> memref<50000x32xf32, #tpu.memory_space<hbm>>
      tpu.wait_indirect_dma semaphore(%arg18 : memref<!tpu.dma_semaphore, #tpu.memory_space<semaphore_mem>>) src(%dma_wait3A_476 : memref<50000x32xf32, #tpu.memory_space<hbm>>) dst(%arg13 : memref<128x32xf32, #tpu.memory_space<vmem>>)
      %jit3A_477 = arith.constant 8 : i32
      %div3A_478 = arith.divsi %add3A_469, %jit3A_477 : i32
      %sign3A_479 = arith.constant 0 : i32
      %sign3A_480 = arith.cmpi sgt, %add3A_469, %sign3A_479 : i32
      %sign3A_481 = arith.extui %sign3A_480 : i1 to i32
      %sign3A_482 = arith.constant 0 : i32
      %sign3A_483 = arith.cmpi slt, %add3A_469, %sign3A_482 : i32
      %sign3A_484 = arith.extui %sign3A_483 : i1 to i32
      %sign3A_485 = arith.subi %sign3A_481, %sign3A_484 : i32
      %sign3A_486 = arith.constant 0 : i32
      %sign3A_487 = arith.cmpi sgt, %jit3A_477, %sign3A_486 : i32
      %sign3A_488 = arith.extui %sign3A_487 : i1 to i32
      %sign3A_489 = arith.constant 0 : i32
      %sign3A_490 = arith.cmpi slt, %jit3A_477, %sign3A_489 : i32
      %sign3A_491 = arith.extui %sign3A_490 : i1 to i32
      %sign3A_492 = arith.subi %sign3A_488, %sign3A_491 : i32
      %ne3A_493 = arith.cmpi ne, %sign3A_485, %sign3A_492 : i32
      %rem3A_494 = arith.remsi %add3A_469, %jit3A_477 : i32
      %ne3A_495 = arith.constant 0 : i32
      %ne3A_496 = arith.cmpi ne, %rem3A_494, %ne3A_495 : i32
      %and3A_497 = arith.andi %ne3A_493, %ne3A_496 : i1
      %sub3A_498 = arith.constant 1 : i32
      %sub3A_499 = arith.subi %div3A_478, %sub3A_498 : i32
      %select_n3A_500 = arith.select %and3A_497, %sub3A_499, %div3A_478 : i32
      %jit3A_501 = arith.constant 2 : i32
      %eq3A_502 = arith.constant 0 : i32
      %eq3A_503 = arith.cmpi eq, %jit3A_501, %eq3A_502 : i32
      %jit3A_504 = arith.constant 1 : i32
      %select_n3A_505 = arith.select %eq3A_503, %jit3A_504, %jit3A_501 : i32
      %rem3A_506 = arith.remsi %select_n3A_500, %select_n3A_505 : i32
      %ne3A_507 = arith.constant 0 : i32
      %ne3A_508 = arith.cmpi ne, %rem3A_506, %ne3A_507 : i32
      %lt3A_509 = arith.constant 0 : i32
      %lt3A_510 = arith.cmpi slt, %rem3A_506, %lt3A_509 : i32
      %lt3A_511 = arith.constant 0 : i32
      %lt3A_512 = arith.cmpi slt, %select_n3A_505, %lt3A_511 : i32
      %ne3A_513 = arith.xori %lt3A_510, %lt3A_512 : i1
      %and3A_514 = arith.andi %ne3A_513, %ne3A_508 : i1
      %add3A_515 = arith.addi %rem3A_506, %select_n3A_505 : i32
      %select_n3A_516 = arith.select %and3A_514, %add3A_515, %rem3A_506 : i32
      %jit3A_517 = arith.constant 8 : i32
      %eq3A_518 = arith.constant 0 : i32
      %eq3A_519 = arith.cmpi eq, %jit3A_517, %eq3A_518 : i32
      %jit3A_520 = arith.constant 1 : i32
      %select_n3A_521 = arith.select %eq3A_519, %jit3A_520, %jit3A_517 : i32
      %rem3A_522 = arith.remsi %add3A_469, %select_n3A_521 : i32
      %ne3A_523 = arith.constant 0 : i32
      %ne3A_524 = arith.cmpi ne, %rem3A_522, %ne3A_523 : i32
      %lt3A_525 = arith.constant 0 : i32
      %lt3A_526 = arith.cmpi slt, %rem3A_522, %lt3A_525 : i32
      %lt3A_527 = arith.constant 0 : i32
      %lt3A_528 = arith.cmpi slt, %select_n3A_521, %lt3A_527 : i32
      %ne3A_529 = arith.xori %lt3A_526, %lt3A_528 : i1
      %and3A_530 = arith.andi %ne3A_529, %ne3A_524 : i1
      %add3A_531 = arith.addi %rem3A_522, %select_n3A_521 : i32
      %select_n3A_532 = arith.select %and3A_530, %add3A_531, %rem3A_522 : i32
      %mul3A_533 = arith.constant 128 : i32
      %mul3A_534 = arith.muli %select_n3A_532, %mul3A_533 : i32
      "tpu.region"() ({
        %run_scoped3A = tpu.sem_alloc : memref<!tpu.dma_semaphore, #tpu.memory_space<semaphore_mem>>
        %dma_start3A_542 = tpu.memref_slice %arg9[%select_n3A_516, %mul3A_534] : memref<2x1024xi32, #tpu.memory_space<vmem>> -> memref<1x128xi32, #tpu.memory_space<vmem>>
        %dma_start3A_543 = tpu.memref_squeeze %dma_start3A_542 : memref<1x128xi32, #tpu.memory_space<vmem>> -> memref<128xi32, #tpu.memory_space<vmem>>
        %dma_start3A_544 = arith.constant 0 : i32
        %dma_start3A_545 = arith.constant 0 : i32
        %dma_start3A_546 = tpu.memref_slice %arg14[%dma_start3A_544, %dma_start3A_545] : memref<50304x32xf32, #tpu.memory_space<vmem_shared>> -> memref<50304x32xf32, #tpu.memory_space<vmem_shared>>
        tpu.enqueue_indirect_dma source(%arg13 : memref<128x32xf32, #tpu.memory_space<vmem>>) target(%dma_start3A_546 : memref<50304x32xf32, #tpu.memory_space<vmem_shared>>) offsets(%dma_start3A_543 : memref<128xi32, #tpu.memory_space<vmem>>) semaphore(%run_scoped3A : memref<!tpu.dma_semaphore, #tpu.memory_space<semaphore_mem>>) {add = true}
        %dma_wait3A_547 = tpu.memref_slice %arg9[%select_n3A_516, %mul3A_534] : memref<2x1024xi32, #tpu.memory_space<vmem>> -> memref<1x128xi32, #tpu.memory_space<vmem>>
        %dma_wait3A_548 = tpu.memref_squeeze %dma_wait3A_547 : memref<1x128xi32, #tpu.memory_space<vmem>> -> memref<128xi32, #tpu.memory_space<vmem>>
        %dma_wait3A_549 = arith.constant 0 : i32
        %dma_wait3A_550 = arith.constant 0 : i32
        %dma_wait3A_551 = tpu.memref_slice %arg14[%dma_wait3A_549, %dma_wait3A_550] : memref<50304x32xf32, #tpu.memory_space<vmem_shared>> -> memref<50304x32xf32, #tpu.memory_space<vmem_shared>>
        tpu.wait_indirect_dma semaphore(%run_scoped3A : memref<!tpu.dma_semaphore, #tpu.memory_space<semaphore_mem>>) src(%arg13 : memref<128x32xf32, #tpu.memory_space<vmem>>) dst(%dma_wait3A_551 : memref<50304x32xf32, #tpu.memory_space<vmem_shared>>)
        tpu.yield
      }) : () -> ()
      %add3A_535 = arith.constant 4 : i32
      %add3A_536 = arith.addi %add3A_469, %add3A_535 : i32
      %lt3A_537 = arith.constant 200 : i32
      %lt3A_538 = arith.cmpi slt, %add3A_536, %lt3A_537 : i32
      %convert_element_type3A_539 = arith.extui %lt3A_538 : i1 to i32
      %cond3A_540 = arith.constant 0 : i32
      %cond3A_541 = arith.cmpi ne, %convert_element_type3A_539, %cond3A_540 : i32
      scf.if %cond3A_541 {
        %jit3A_542 = arith.constant 8 : i32
        %div3A_543 = arith.divsi %add3A_536, %jit3A_542 : i32
        %sign3A_544 = arith.constant 0 : i32
        %sign3A_545 = arith.cmpi sgt, %add3A_536, %sign3A_544 : i32
        %sign3A_546 = arith.extui %sign3A_545 : i1 to i32
        %sign3A_547 = arith.constant 0 : i32
        %sign3A_548 = arith.cmpi slt, %add3A_536, %sign3A_547 : i32
        %sign3A_549 = arith.extui %sign3A_548 : i1 to i32
        %sign3A_550 = arith.subi %sign3A_546, %sign3A_549 : i32
        %sign3A_551 = arith.constant 0 : i32
        %sign3A_552 = arith.cmpi sgt, %jit3A_542, %sign3A_551 : i32
        %sign3A_553 = arith.extui %sign3A_552 : i1 to i32
        %sign3A_554 = arith.constant 0 : i32
        %sign3A_555 = arith.cmpi slt, %jit3A_542, %sign3A_554 : i32
        %sign3A_556 = arith.extui %sign3A_555 : i1 to i32
        %sign3A_557 = arith.subi %sign3A_553, %sign3A_556 : i32
        %ne3A_558 = arith.cmpi ne, %sign3A_550, %sign3A_557 : i32
        %rem3A_559 = arith.remsi %add3A_536, %jit3A_542 : i32
        %ne3A_560 = arith.constant 0 : i32
        %ne3A_561 = arith.cmpi ne, %rem3A_559, %ne3A_560 : i32
        %and3A_562 = arith.andi %ne3A_558, %ne3A_561 : i1
        %sub3A_563 = arith.constant 1 : i32
        %sub3A_564 = arith.subi %div3A_543, %sub3A_563 : i32
        %select_n3A_565 = arith.select %and3A_562, %sub3A_564, %div3A_543 : i32
        %jit3A_566 = arith.constant 2 : i32
        %eq3A_567 = arith.constant 0 : i32
        %eq3A_568 = arith.cmpi eq, %jit3A_566, %eq3A_567 : i32
        %jit3A_569 = arith.constant 1 : i32
        %select_n3A_570 = arith.select %eq3A_568, %jit3A_569, %jit3A_566 : i32
        %rem3A_571 = arith.remsi %select_n3A_565, %select_n3A_570 : i32
        %ne3A_572 = arith.constant 0 : i32
        %ne3A_573 = arith.cmpi ne, %rem3A_571, %ne3A_572 : i32
        %lt3A_574 = arith.constant 0 : i32
        %lt3A_575 = arith.cmpi slt, %rem3A_571, %lt3A_574 : i32
        %lt3A_576 = arith.constant 0 : i32
        %lt3A_577 = arith.cmpi slt, %select_n3A_570, %lt3A_576 : i32
        %ne3A_578 = arith.xori %lt3A_575, %lt3A_577 : i1
        %and3A_579 = arith.andi %ne3A_578, %ne3A_573 : i1
        %add3A_580 = arith.addi %rem3A_571, %select_n3A_570 : i32
        %select_n3A_581 = arith.select %and3A_579, %add3A_580, %rem3A_571 : i32
        %jit3A_582 = arith.constant 8 : i32
        %eq3A_583 = arith.constant 0 : i32
        %eq3A_584 = arith.cmpi eq, %jit3A_582, %eq3A_583 : i32
        %jit3A_585 = arith.constant 1 : i32
        %select_n3A_586 = arith.select %eq3A_584, %jit3A_585, %jit3A_582 : i32
        %rem3A_587 = arith.remsi %add3A_536, %select_n3A_586 : i32
        %ne3A_588 = arith.constant 0 : i32
        %ne3A_589 = arith.cmpi ne, %rem3A_587, %ne3A_588 : i32
        %lt3A_590 = arith.constant 0 : i32
        %lt3A_591 = arith.cmpi slt, %rem3A_587, %lt3A_590 : i32
        %lt3A_592 = arith.constant 0 : i32
        %lt3A_593 = arith.cmpi slt, %select_n3A_586, %lt3A_592 : i32
        %ne3A_594 = arith.xori %lt3A_591, %lt3A_593 : i1
        %and3A_595 = arith.andi %ne3A_594, %ne3A_589 : i1
        %add3A_596 = arith.addi %rem3A_587, %select_n3A_586 : i32
        %select_n3A_597 = arith.select %and3A_595, %add3A_596, %rem3A_587 : i32
        %mul3A_598 = arith.constant 128 : i32
        %mul3A_599 = arith.muli %select_n3A_597, %mul3A_598 : i32
        %eq3A_600 = arith.constant 0 : i32
        %eq3A_601 = arith.cmpi eq, %arg0, %eq3A_600 : i32
        %convert_element_type3A_602 = arith.extui %eq3A_601 : i1 to i32
        %cond3A_603 = arith.constant 0 : i32
        %cond3A_604 = arith.cmpi ne, %convert_element_type3A_602, %cond3A_603 : i32
        scf.if %cond3A_604 {
          %dma_start3A_610 = tpu.memref_slice %arg8[%select_n3A_581, %mul3A_599] : memref<2x1024xi32, #tpu.memory_space<vmem>> -> memref<1x128xi32, #tpu.memory_space<vmem>>
          %dma_start3A_611 = tpu.memref_squeeze %dma_start3A_610 : memref<1x128xi32, #tpu.memory_space<vmem>> -> memref<128xi32, #tpu.memory_space<vmem>>
          %dma_start3A_612 = arith.constant 0 : i32
          %dma_start3A_613 = arith.constant 0 : i32
          %dma_start3A_614 = tpu.memref_slice %arg2[%dma_start3A_612, %dma_start3A_613] : memref<50000x32xf32, #tpu.memory_space<hbm>> -> memref<50000x32xf32, #tpu.memory_space<hbm>>
          tpu.enqueue_indirect_dma source(%dma_start3A_614 : memref<50000x32xf32, #tpu.memory_space<hbm>>) target(%arg13 : memref<128x32xf32, #tpu.memory_space<vmem>>) offsets(%dma_start3A_611 : memref<128xi32, #tpu.memory_space<vmem>>) semaphore(%arg18 : memref<!tpu.dma_semaphore, #tpu.memory_space<semaphore_mem>>)
        } else {
        }
        %eq3A_605 = arith.constant 1 : i32
        %eq3A_606 = arith.cmpi eq, %arg0, %eq3A_605 : i32
        %convert_element_type3A_607 = arith.extui %eq3A_606 : i1 to i32
        %cond3A_608 = arith.constant 0 : i32
        %cond3A_609 = arith.cmpi ne, %convert_element_type3A_607, %cond3A_608 : i32
        scf.if %cond3A_609 {
          %dma_start3A_610 = tpu.memref_slice %arg8[%select_n3A_581, %mul3A_599] : memref<2x1024xi32, #tpu.memory_space<vmem>> -> memref<1x128xi32, #tpu.memory_space<vmem>>
          %dma_start3A_611 = tpu.memref_squeeze %dma_start3A_610 : memref<1x128xi32, #tpu.memory_space<vmem>> -> memref<128xi32, #tpu.memory_space<vmem>>
          %dma_start3A_612 = arith.constant 0 : i32
          %dma_start3A_613 = arith.constant 0 : i32
          %dma_start3A_614 = tpu.memref_slice %arg3[%dma_start3A_612, %dma_start3A_613] : memref<50000x32xf32, #tpu.memory_space<hbm>> -> memref<50000x32xf32, #tpu.memory_space<hbm>>
          tpu.enqueue_indirect_dma source(%dma_start3A_614 : memref<50000x32xf32, #tpu.memory_space<hbm>>) target(%arg13 : memref<128x32xf32, #tpu.memory_space<vmem>>) offsets(%dma_start3A_611 : memref<128xi32, #tpu.memory_space<vmem>>) semaphore(%arg18 : memref<!tpu.dma_semaphore, #tpu.memory_space<semaphore_mem>>)
        } else {
        }
      } else {
      }
    }
    %scan3A_139 = arith.constant 50 : i32
    %barrier3A_140 = arith.constant 0 : index
    tpu.barrier barrier_id(%barrier3A_140)
    %eq3A_141 = arith.constant 0 : i32
    %eq3A_142 = arith.cmpi eq, %arg0, %eq3A_141 : i32
    %lt3A_143 = arith.constant 15 : i32
    %lt3A_144 = arith.cmpi slt, %arg1, %lt3A_143 : i32
    %and3A = arith.andi %eq3A_142, %lt3A_144 : i1
    %convert_element_type3A_145 = arith.extui %and3A : i1 to i32
    %cond3A_146 = arith.constant 0 : i32
    %cond3A_147 = arith.cmpi ne, %convert_element_type3A_145, %cond3A_146 : i32
    scf.if %cond3A_147 {
      %mul3A_172 = arith.constant 3128 : i32
      %mul3A_173 = arith.muli %arg1, %mul3A_172 : i32
      %mul3A_174 = arith.constant 3128 : i32
      %mul3A_175 = arith.muli %arg1, %mul3A_174 : i32
      "tpu.region"() ({
        %run_scoped3A = tpu.sem_alloc : memref<!tpu.dma_semaphore, #tpu.memory_space<semaphore_mem>>
        %dma_start3A_176 = arith.constant 0 : i32
        %dma_start3A_177 = tpu.memref_slice %arg6[%mul3A_175, %dma_start3A_176] : memref<50000x32xf32, #tpu.memory_space<hbm>> -> memref<3128x32xf32, #tpu.memory_space<hbm>>
        %dma_start3A_178 = arith.constant 0 : i32
        %dma_start3A_179 = tpu.memref_slice %arg14[%mul3A_173, %dma_start3A_178] : memref<50304x32xf32, #tpu.memory_space<vmem_shared>> -> memref<3128x32xf32, #tpu.memory_space<vmem_shared>>
        tpu.enqueue_dma source(%dma_start3A_179 : memref<3128x32xf32, #tpu.memory_space<vmem_shared>>) target(%dma_start3A_177 : memref<3128x32xf32, #tpu.memory_space<hbm>>) target_semaphore(%run_scoped3A : memref<!tpu.dma_semaphore, #tpu.memory_space<semaphore_mem>>)
        %dma_wait3A_180 = arith.constant 0 : i32
        %dma_wait3A_181 = tpu.memref_slice %arg6[%mul3A_175, %dma_wait3A_180] : memref<50000x32xf32, #tpu.memory_space<hbm>> -> memref<3128x32xf32, #tpu.memory_space<hbm>>
        %dma_wait3A_182 = arith.constant 0 : i32
        %dma_wait3A_183 = tpu.memref_slice %arg14[%mul3A_173, %dma_wait3A_182] : memref<50304x32xf32, #tpu.memory_space<vmem_shared>> -> memref<3128x32xf32, #tpu.memory_space<vmem_shared>>
        tpu.wait_dma2 semaphore(%run_scoped3A : memref<!tpu.dma_semaphore, #tpu.memory_space<semaphore_mem>>) src(%dma_wait3A_183 : memref<3128x32xf32, #tpu.memory_space<vmem_shared>>) dst(%dma_wait3A_181 : memref<3128x32xf32, #tpu.memory_space<hbm>>)
        tpu.yield
      }) : () -> ()
    } else {
    }
    %eq3A_148 = arith.constant 0 : i32
    %eq3A_149 = arith.cmpi eq, %arg0, %eq3A_148 : i32
    %eq3A_150 = arith.constant 15 : i32
    %eq3A_151 = arith.cmpi eq, %arg1, %eq3A_150 : i32
    %and3A_152 = arith.andi %eq3A_149, %eq3A_151 : i1
    %convert_element_type3A_153 = arith.extui %and3A_152 : i1 to i32
    %cond3A_154 = arith.constant 0 : i32
    %cond3A_155 = arith.cmpi ne, %convert_element_type3A_153, %cond3A_154 : i32
    scf.if %cond3A_155 {
      %mul3A_172 = arith.constant 3128 : i32
      %mul3A_173 = arith.muli %arg1, %mul3A_172 : i32
      %mul3A_174 = arith.constant 3128 : i32
      %mul3A_175 = arith.muli %arg1, %mul3A_174 : i32
      "tpu.region"() ({
        %run_scoped3A = tpu.sem_alloc : memref<!tpu.dma_semaphore, #tpu.memory_space<semaphore_mem>>
        %dma_start3A_176 = arith.constant 0 : i32
        %dma_start3A_177 = tpu.memref_slice %arg6[%mul3A_175, %dma_start3A_176] : memref<50000x32xf32, #tpu.memory_space<hbm>> -> memref<3080x32xf32, #tpu.memory_space<hbm>>
        %dma_start3A_178 = arith.constant 0 : i32
        %dma_start3A_179 = tpu.memref_slice %arg14[%mul3A_173, %dma_start3A_178] : memref<50304x32xf32, #tpu.memory_space<vmem_shared>> -> memref<3080x32xf32, #tpu.memory_space<vmem_shared>>
        tpu.enqueue_dma source(%dma_start3A_179 : memref<3080x32xf32, #tpu.memory_space<vmem_shared>>) target(%dma_start3A_177 : memref<3080x32xf32, #tpu.memory_space<hbm>>) target_semaphore(%run_scoped3A : memref<!tpu.dma_semaphore, #tpu.memory_space<semaphore_mem>>)
        %dma_wait3A_180 = arith.constant 0 : i32
        %dma_wait3A_181 = tpu.memref_slice %arg6[%mul3A_175, %dma_wait3A_180] : memref<50000x32xf32, #tpu.memory_space<hbm>> -> memref<3080x32xf32, #tpu.memory_space<hbm>>
        %dma_wait3A_182 = arith.constant 0 : i32
        %dma_wait3A_183 = tpu.memref_slice %arg14[%mul3A_173, %dma_wait3A_182] : memref<50304x32xf32, #tpu.memory_space<vmem_shared>> -> memref<3080x32xf32, #tpu.memory_space<vmem_shared>>
        tpu.wait_dma2 semaphore(%run_scoped3A : memref<!tpu.dma_semaphore, #tpu.memory_space<semaphore_mem>>) src(%dma_wait3A_183 : memref<3080x32xf32, #tpu.memory_space<vmem_shared>>) dst(%dma_wait3A_181 : memref<3080x32xf32, #tpu.memory_space<hbm>>)
        tpu.yield
      }) : () -> ()
    } else {
    }
    %eq3A_156 = arith.constant 1 : i32
    %eq3A_157 = arith.cmpi eq, %arg0, %eq3A_156 : i32
    %lt3A_158 = arith.constant 15 : i32
    %lt3A_159 = arith.cmpi slt, %arg1, %lt3A_158 : i32
    %and3A_160 = arith.andi %eq3A_157, %lt3A_159 : i1
    %convert_element_type3A_161 = arith.extui %and3A_160 : i1 to i32
    %cond3A_162 = arith.constant 0 : i32
    %cond3A_163 = arith.cmpi ne, %convert_element_type3A_161, %cond3A_162 : i32
    scf.if %cond3A_163 {
      %mul3A_172 = arith.constant 3128 : i32
      %mul3A_173 = arith.muli %arg1, %mul3A_172 : i32
      %mul3A_174 = arith.constant 3128 : i32
      %mul3A_175 = arith.muli %arg1, %mul3A_174 : i32
      "tpu.region"() ({
        %run_scoped3A = tpu.sem_alloc : memref<!tpu.dma_semaphore, #tpu.memory_space<semaphore_mem>>
        %dma_start3A_176 = arith.constant 0 : i32
        %dma_start3A_177 = tpu.memref_slice %arg7[%mul3A_175, %dma_start3A_176] : memref<50000x32xf32, #tpu.memory_space<hbm>> -> memref<3128x32xf32, #tpu.memory_space<hbm>>
        %dma_start3A_178 = arith.constant 0 : i32
        %dma_start3A_179 = tpu.memref_slice %arg14[%mul3A_173, %dma_start3A_178] : memref<50304x32xf32, #tpu.memory_space<vmem_shared>> -> memref<3128x32xf32, #tpu.memory_space<vmem_shared>>
        tpu.enqueue_dma source(%dma_start3A_179 : memref<3128x32xf32, #tpu.memory_space<vmem_shared>>) target(%dma_start3A_177 : memref<3128x32xf32, #tpu.memory_space<hbm>>) target_semaphore(%run_scoped3A : memref<!tpu.dma_semaphore, #tpu.memory_space<semaphore_mem>>)
        %dma_wait3A_180 = arith.constant 0 : i32
        %dma_wait3A_181 = tpu.memref_slice %arg7[%mul3A_175, %dma_wait3A_180] : memref<50000x32xf32, #tpu.memory_space<hbm>> -> memref<3128x32xf32, #tpu.memory_space<hbm>>
        %dma_wait3A_182 = arith.constant 0 : i32
        %dma_wait3A_183 = tpu.memref_slice %arg14[%mul3A_173, %dma_wait3A_182] : memref<50304x32xf32, #tpu.memory_space<vmem_shared>> -> memref<3128x32xf32, #tpu.memory_space<vmem_shared>>
        tpu.wait_dma2 semaphore(%run_scoped3A : memref<!tpu.dma_semaphore, #tpu.memory_space<semaphore_mem>>) src(%dma_wait3A_183 : memref<3128x32xf32, #tpu.memory_space<vmem_shared>>) dst(%dma_wait3A_181 : memref<3128x32xf32, #tpu.memory_space<hbm>>)
        tpu.yield
      }) : () -> ()
    } else {
    }
    %eq3A_164 = arith.constant 1 : i32
    %eq3A_165 = arith.cmpi eq, %arg0, %eq3A_164 : i32
    %eq3A_166 = arith.constant 15 : i32
    %eq3A_167 = arith.cmpi eq, %arg1, %eq3A_166 : i32
    %and3A_168 = arith.andi %eq3A_165, %eq3A_167 : i1
    %convert_element_type3A_169 = arith.extui %and3A_168 : i1 to i32
    %cond3A_170 = arith.constant 0 : i32
    %cond3A_171 = arith.cmpi ne, %convert_element_type3A_169, %cond3A_170 : i32
    scf.if %cond3A_171 {
      %mul3A_172 = arith.constant 3128 : i32
      %mul3A_173 = arith.muli %arg1, %mul3A_172 : i32
      %mul3A_174 = arith.constant 3128 : i32
      %mul3A_175 = arith.muli %arg1, %mul3A_174 : i32
      "tpu.region"() ({
        %run_scoped3A = tpu.sem_alloc : memref<!tpu.dma_semaphore, #tpu.memory_space<semaphore_mem>>
        %dma_start3A_176 = arith.constant 0 : i32
        %dma_start3A_177 = tpu.memref_slice %arg7[%mul3A_175, %dma_start3A_176] : memref<50000x32xf32, #tpu.memory_space<hbm>> -> memref<3080x32xf32, #tpu.memory_space<hbm>>
        %dma_start3A_178 = arith.constant 0 : i32
        %dma_start3A_179 = tpu.memref_slice %arg14[%mul3A_173, %dma_start3A_178] : memref<50304x32xf32, #tpu.memory_space<vmem_shared>> -> memref<3080x32xf32, #tpu.memory_space<vmem_shared>>
        tpu.enqueue_dma source(%dma_start3A_179 : memref<3080x32xf32, #tpu.memory_space<vmem_shared>>) target(%dma_start3A_177 : memref<3080x32xf32, #tpu.memory_space<hbm>>) target_semaphore(%run_scoped3A : memref<!tpu.dma_semaphore, #tpu.memory_space<semaphore_mem>>)
        %dma_wait3A_180 = arith.constant 0 : i32
        %dma_wait3A_181 = tpu.memref_slice %arg7[%mul3A_175, %dma_wait3A_180] : memref<50000x32xf32, #tpu.memory_space<hbm>> -> memref<3080x32xf32, #tpu.memory_space<hbm>>
        %dma_wait3A_182 = arith.constant 0 : i32
        %dma_wait3A_183 = tpu.memref_slice %arg14[%mul3A_173, %dma_wait3A_182] : memref<50304x32xf32, #tpu.memory_space<vmem_shared>> -> memref<3080x32xf32, #tpu.memory_space<vmem_shared>>
        tpu.wait_dma2 semaphore(%run_scoped3A : memref<!tpu.dma_semaphore, #tpu.memory_space<semaphore_mem>>) src(%dma_wait3A_183 : memref<3080x32xf32, #tpu.memory_space<vmem_shared>>) dst(%dma_wait3A_181 : memref<3080x32xf32, #tpu.memory_space<hbm>>)
        tpu.yield
      }) : () -> ()
    } else {
    }
    return
  }
}

#map = affine_map<(d0, d1) -> (0, 0)>
#map1 = affine_map<(d0, d1) -> (0)>
module attributes {stable_mosaic.version = 14 : i64} {
  func.func @body(%arg0: i32, %arg1: i32, %arg2: memref<50000x32xf32, #tpu.memory_space<hbm>>, %arg3: memref<50000x32xf32, #tpu.memory_space<hbm>>, %arg4: memref<819200xi32, #tpu.memory_space<hbm>>, %arg5: memref<819200xi32, #tpu.memory_space<hbm>>, %arg6: memref<50000x32xf32, #tpu.memory_space<hbm>>, %arg7: memref<50000x32xf32, #tpu.memory_space<hbm>>, %arg8: memref<2x1024xi32, #tpu.memory_space<vmem>>, %arg9: memref<2x1024xi32, #tpu.memory_space<vmem>>, %arg10: memref<128x32xf32, #tpu.memory_space<vmem>>, %arg11: memref<128x32xf32, #tpu.memory_space<vmem>>, %arg12: memref<128x32xf32, #tpu.memory_space<vmem>>, %arg13: memref<128x32xf32, #tpu.memory_space<vmem>>, %arg14: memref<50304x32xf32, #tpu.memory_space<vmem_shared>>, %arg15: memref<!tpu.dma_semaphore, #tpu.memory_space<semaphore_mem>>, %arg16: memref<!tpu.dma_semaphore, #tpu.memory_space<semaphore_mem>>, %arg17: memref<!tpu.dma_semaphore, #tpu.memory_space<semaphore_mem>>, %arg18: memref<!tpu.dma_semaphore, #tpu.memory_space<semaphore_mem>>, %arg19: memref<!tpu.dma_semaphore, #tpu.memory_space<semaphore_mem>>) attributes {dimension_semantics = [#tpu.dimension_semantics<core_parallel>, #tpu.dimension_semantics<subcore_parallel>], iteration_bounds = array<i64: 2, 16>, scalar_prefetch = 0 : i64, scratch_operands = 12 : i64, tpu.core_type = #tpu.core_type<sc_vector_subcore>, window_params = [{transform_indices = #map}, {transform_indices = #map}, {transform_indices = #map1}, {transform_indices = #map1}, {transform_indices = #map}, {transform_indices = #map}]} {
    %scan3A = arith.constant 0 : i32
    %scan3A_0 = arith.constant 0 : i32
    %scan3A_1 = arith.constant 128 : i32
    %scan3A_2 = arith.addi %scan3A_0, %scan3A_1 : i32
    %scan3A_3 = arith.constant 1 : i32
    scf.for %scan3A_172 = %scan3A_0 to %scan3A_2 step %scan3A_3  : i32 {
      %broadcast_in_dim3A = arith.constant 0.000000e+00 : f32
      %broadcast_in_dim3A_173 = vector.broadcast %broadcast_in_dim3A : f32 to vector<16xf32>
      %swap3A = arith.index_cast %scan3A_172 : i32 to index
      %swap3A_174 = arith.constant 0 : index
      %swap3A_175 = tpu.vector_load %arg10[%swap3A, %swap3A_174] {strides = array<i32>} : memref<128x32xf32, #tpu.memory_space<vmem>>, vector<1x16xf32>,
      %swap3A_176 = vector.shape_cast %swap3A_175 : vector<1x16xf32> to vector<16xf32>
      %swap3A_177 = vector.shape_cast %broadcast_in_dim3A_173 : vector<16xf32> to vector<1x16xf32>
      tpu.vector_store %arg10[%swap3A, %swap3A_174], %swap3A_177 {strides = array<i32>} : memref<128x32xf32, #tpu.memory_space<vmem>>, vector<1x16xf32>,
      %broadcast_in_dim3A_178 = arith.constant 0.000000e+00 : f32
      %broadcast_in_dim3A_179 = vector.broadcast %broadcast_in_dim3A_178 : f32 to vector<16xf32>
      %swap3A_180 = arith.index_cast %scan3A_172 : i32 to index
      %swap3A_181 = arith.constant 16 : index
      %swap3A_182 = tpu.vector_load %arg10[%swap3A_180, %swap3A_181] {strides = array<i32>} : memref<128x32xf32, #tpu.memory_space<vmem>>, vector<1x16xf32>,
      %swap3A_183 = vector.shape_cast %swap3A_182 : vector<1x16xf32> to vector<16xf32>
      %swap3A_184 = vector.shape_cast %broadcast_in_dim3A_179 : vector<16xf32> to vector<1x16xf32>
      tpu.vector_store %arg10[%swap3A_180, %swap3A_181], %swap3A_184 {strides = array<i32>} : memref<128x32xf32, #tpu.memory_space<vmem>>, vector<1x16xf32>,
    }
    %scan3A_4 = arith.constant 128 : i32
    %lt3A = arith.constant 9 : i32
    %lt3A_5 = arith.cmpi slt, %arg1, %lt3A : i32
    %jit3A = arith.constant 25 : i32
    %jit3A_6 = arith.constant 24 : i32
    %select_n3A = arith.select %lt3A_5, %jit3A, %jit3A_6 : i32
    %mul3A = arith.constant 24 : i32
    %mul3A_7 = arith.muli %mul3A, %arg1 : i32
    %min3A = arith.constant 9 : i32
    %min3A_8 = arith.minsi %arg1, %min3A : i32
    %add3A = arith.addi %mul3A_7, %min3A_8 : i32
    %mul3A_9 = arith.constant 0 : i32
    %mul3A_10 = arith.muli %arg0, %mul3A_9 : i32
    %mul3A_11 = arith.constant 400 : i32
    %mul3A_12 = arith.muli %arg1, %mul3A_11 : i32
    %add3A_13 = arith.addi %mul3A_10, %mul3A_12 : i32
    %mul3A_14 = arith.constant 128 : i32
    %mul3A_15 = arith.muli %add3A_13, %mul3A_14 : i32
    %dma_start3A = arith.constant 0 : i32
    %dma_start3A_16 = arith.constant 0 : i32
    %dma_start3A_17 = tpu.memref_slice %arg8[%dma_start3A, %dma_start3A_16] : memref<2x1024xi32, #tpu.memory_space<vmem>> -> memref<1x1024xi32, #tpu.memory_space<vmem>>
    %dma_start3A_18 = tpu.memref_squeeze %dma_start3A_17 : memref<1x1024xi32, #tpu.memory_space<vmem>> -> memref<1024xi32, #tpu.memory_space<vmem>>
    %dma_start3A_19 = tpu.memref_slice %arg4[%mul3A_15] : memref<819200xi32, #tpu.memory_space<hbm>> -> memref<1024xi32, #tpu.memory_space<hbm>>
    %dma_start3A_20 = arith.constant 0 : i32
    %dma_start3A_21 = tpu.memref_slice %arg8[%dma_start3A, %dma_start3A_20] : memref<2x1024xi32, #tpu.memory_space<vmem>> -> memref<1x1024xi32, #tpu.memory_space<vmem>>
    %dma_start3A_22 = tpu.memref_squeeze %dma_start3A_21 : memref<1x1024xi32, #tpu.memory_space<vmem>> -> memref<1024xi32, #tpu.memory_space<vmem>>
    %dma_start3A_23 = tpu.memref_slice %arg4[%mul3A_15] : memref<819200xi32, #tpu.memory_space<hbm>> -> memref<1024xi32, #tpu.memory_space<hbm>>
    tpu.enqueue_dma source(%dma_start3A_23 : memref<1024xi32, #tpu.memory_space<hbm>>) target(%dma_start3A_22 : memref<1024xi32, #tpu.memory_space<vmem>>) target_semaphore(%arg15 : memref<!tpu.dma_semaphore, #tpu.memory_space<semaphore_mem>>)
    %dma_start3A_24 = arith.constant 0 : i32
    %dma_start3A_25 = arith.constant 0 : i32
    %dma_start3A_26 = tpu.memref_slice %arg9[%dma_start3A_24, %dma_start3A_25] : memref<2x1024xi32, #tpu.memory_space<vmem>> -> memref<1x1024xi32, #tpu.memory_space<vmem>>
    %dma_start3A_27 = tpu.memref_squeeze %dma_start3A_26 : memref<1x1024xi32, #tpu.memory_space<vmem>> -> memref<1024xi32, #tpu.memory_space<vmem>>
    %dma_start3A_28 = tpu.memref_slice %arg5[%mul3A_15] : memref<819200xi32, #tpu.memory_space<hbm>> -> memref<1024xi32, #tpu.memory_space<hbm>>
    %dma_start3A_29 = arith.constant 0 : i32
    %dma_start3A_30 = tpu.memref_slice %arg9[%dma_start3A_24, %dma_start3A_29] : memref<2x1024xi32, #tpu.memory_space<vmem>> -> memref<1x1024xi32, #tpu.memory_space<vmem>>
    %dma_start3A_31 = tpu.memref_squeeze %dma_start3A_30 : memref<1x1024xi32, #tpu.memory_space<vmem>> -> memref<1024xi32, #tpu.memory_space<vmem>>
    %dma_start3A_32 = tpu.memref_slice %arg5[%mul3A_15] : memref<819200xi32, #tpu.memory_space<hbm>> -> memref<1024xi32, #tpu.memory_space<hbm>>
    tpu.enqueue_dma source(%dma_start3A_32 : memref<1024xi32, #tpu.memory_space<hbm>>) target(%dma_start3A_31 : memref<1024xi32, #tpu.memory_space<vmem>>) target_semaphore(%arg15 : memref<!tpu.dma_semaphore, #tpu.memory_space<semaphore_mem>>)
    %while3A = arith.constant 0 : i32
    %while3A_33 = arith.constant 0 : i32
    %while3A_34 = arith.subi %select_n3A, %while3A_33 : i32
    %while3A_35 = arith.addi %while3A_33, %while3A_34 : i32
    %while3A_36 = arith.constant 1 : i32
    %while3A_37 = arith.divsi %while3A_34, %while3A_36 : i32
    %while3A_38 = arith.muli %while3A_37, %while3A_36 : i32
    %while3A_39 = arith.addi %while3A_33, %while3A_38 : i32
    %while3A_40 = arith.constant 1 : i32
    scf.for %while3A_172 = %while3A_33 to %while3A_39 step %while3A_40  : i32 {
      %add3A_173 = arith.addi %add3A, %while3A_172 : i32
      %mul3A_174 = arith.constant 128 : i32
      %mul3A_175 = arith.muli %add3A_173, %mul3A_174 : i32
      %dma_start3A_176 = arith.constant 0 : i32
      %dma_start3A_177 = tpu.memref_slice %arg14[%mul3A_175, %dma_start3A_176] : memref<50304x32xf32, #tpu.memory_space<vmem_shared>> -> memref<128x32xf32, #tpu.memory_space<vmem_shared>>
      %dma_start3A_178 = arith.constant 0 : i32
      %dma_start3A_179 = tpu.memref_slice %arg14[%mul3A_175, %dma_start3A_178] : memref<50304x32xf32, #tpu.memory_space<vmem_shared>> -> memref<128x32xf32, #tpu.memory_space<vmem_shared>>
      tpu.enqueue_dma source(%arg10 : memref<128x32xf32, #tpu.memory_space<vmem>>) target(%dma_start3A_179 : memref<128x32xf32, #tpu.memory_space<vmem_shared>>) target_semaphore(%arg19 : memref<!tpu.dma_semaphore, #tpu.memory_space<semaphore_mem>>)
    }
    %while3A_41 = arith.constant 1 : i32
    scf.for %while3A_172 = %while3A_39 to %while3A_35 step %while3A_41  : i32 {
      %add3A_173 = arith.addi %add3A, %while3A_172 : i32
      %mul3A_174 = arith.constant 128 : i32
      %mul3A_175 = arith.muli %add3A_173, %mul3A_174 : i32
      %dma_start3A_176 = arith.constant 0 : i32
      %dma_start3A_177 = tpu.memref_slice %arg14[%mul3A_175, %dma_start3A_176] : memref<50304x32xf32, #tpu.memory_space<vmem_shared>> -> memref<128x32xf32, #tpu.memory_space<vmem_shared>>
      %dma_start3A_178 = arith.constant 0 : i32
      %dma_start3A_179 = tpu.memref_slice %arg14[%mul3A_175, %dma_start3A_178] : memref<50304x32xf32, #tpu.memory_space<vmem_shared>> -> memref<128x32xf32, #tpu.memory_space<vmem_shared>>
      tpu.enqueue_dma source(%arg10 : memref<128x32xf32, #tpu.memory_space<vmem>>) target(%dma_start3A_179 : memref<128x32xf32, #tpu.memory_space<vmem_shared>>) target_semaphore(%arg19 : memref<!tpu.dma_semaphore, #tpu.memory_space<semaphore_mem>>)
    }
    %while3A_42 = arith.constant 0 : i32
    %while3A_43 = arith.constant 0 : i32
    %while3A_44 = arith.subi %select_n3A, %while3A_43 : i32
    %while3A_45 = arith.addi %while3A_43, %while3A_44 : i32
    %while3A_46 = arith.constant 1 : i32
    %while3A_47 = arith.divsi %while3A_44, %while3A_46 : i32
    %while3A_48 = arith.muli %while3A_47, %while3A_46 : i32
    %while3A_49 = arith.addi %while3A_43, %while3A_48 : i32
    %while3A_50 = arith.constant 1 : i32
    scf.for %while3A_172 = %while3A_43 to %while3A_49 step %while3A_50  : i32 {
      %mul3A_173 = arith.constant 128 : i32
      %mul3A_174 = arith.muli %add3A, %mul3A_173 : i32
      %dma_wait3A_175 = arith.constant 0 : i32
      %dma_wait3A_176 = tpu.memref_slice %arg14[%mul3A_174, %dma_wait3A_175] : memref<50304x32xf32, #tpu.memory_space<vmem_shared>> -> memref<128x32xf32, #tpu.memory_space<vmem_shared>>
      %dma_wait3A_177 = arith.constant 0 : i32
      %dma_wait3A_178 = tpu.memref_slice %arg14[%mul3A_174, %dma_wait3A_177] : memref<50304x32xf32, #tpu.memory_space<vmem_shared>> -> memref<128x32xf32, #tpu.memory_space<vmem_shared>>
      tpu.wait_dma2 semaphore(%arg19 : memref<!tpu.dma_semaphore, #tpu.memory_space<semaphore_mem>>) src(%arg10 : memref<128x32xf32, #tpu.memory_space<vmem>>) dst(%dma_wait3A_178 : memref<128x32xf32, #tpu.memory_space<vmem_shared>>)
    }
    %while3A_51 = arith.constant 1 : i32
    scf.for %while3A_172 = %while3A_49 to %while3A_45 step %while3A_51  : i32 {
      %mul3A_173 = arith.constant 128 : i32
      %mul3A_174 = arith.muli %add3A, %mul3A_173 : i32
      %dma_wait3A_175 = arith.constant 0 : i32
      %dma_wait3A_176 = tpu.memref_slice %arg14[%mul3A_174, %dma_wait3A_175] : memref<50304x32xf32, #tpu.memory_space<vmem_shared>> -> memref<128x32xf32, #tpu.memory_space<vmem_shared>>
      %dma_wait3A_177 = arith.constant 0 : i32
      %dma_wait3A_178 = tpu.memref_slice %arg14[%mul3A_174, %dma_wait3A_177] : memref<50304x32xf32, #tpu.memory_space<vmem_shared>> -> memref<128x32xf32, #tpu.memory_space<vmem_shared>>
      tpu.wait_dma2 semaphore(%arg19 : memref<!tpu.dma_semaphore, #tpu.memory_space<semaphore_mem>>) src(%arg10 : memref<128x32xf32, #tpu.memory_space<vmem>>) dst(%dma_wait3A_178 : memref<128x32xf32, #tpu.memory_space<vmem_shared>>)
    }
    %dma_wait3A = arith.constant 0 : i32
    %dma_wait3A_52 = arith.constant 0 : i32
    %dma_wait3A_53 = tpu.memref_slice %arg8[%dma_wait3A, %dma_wait3A_52] : memref<2x1024xi32, #tpu.memory_space<vmem>> -> memref<1x1024xi32, #tpu.memory_space<vmem>>
    %dma_wait3A_54 = tpu.memref_squeeze %dma_wait3A_53 : memref<1x1024xi32, #tpu.memory_space<vmem>> -> memref<1024xi32, #tpu.memory_space<vmem>>
    %dma_wait3A_55 = tpu.memref_slice %arg4[%mul3A_15] : memref<819200xi32, #tpu.memory_space<hbm>> -> memref<1024xi32, #tpu.memory_space<hbm>>
    %dma_wait3A_56 = arith.constant 0 : i32
    %dma_wait3A_57 = tpu.memref_slice %arg8[%dma_wait3A, %dma_wait3A_56] : memref<2x1024xi32, #tpu.memory_space<vmem>> -> memref<1x1024xi32, #tpu.memory_space<vmem>>
    %dma_wait3A_58 = tpu.memref_squeeze %dma_wait3A_57 : memref<1x1024xi32, #tpu.memory_space<vmem>> -> memref<1024xi32, #tpu.memory_space<vmem>>
    %dma_wait3A_59 = tpu.memref_slice %arg4[%mul3A_15] : memref<819200xi32, #tpu.memory_space<hbm>> -> memref<1024xi32, #tpu.memory_space<hbm>>
    tpu.wait_dma2 semaphore(%arg15 : memref<!tpu.dma_semaphore, #tpu.memory_space<semaphore_mem>>) src(%dma_wait3A_59 : memref<1024xi32, #tpu.memory_space<hbm>>) dst(%dma_wait3A_58 : memref<1024xi32, #tpu.memory_space<vmem>>)
    %dma_wait3A_60 = arith.constant 0 : i32
    %dma_wait3A_61 = arith.constant 0 : i32
    %dma_wait3A_62 = tpu.memref_slice %arg8[%dma_wait3A_60, %dma_wait3A_61] : memref<2x1024xi32, #tpu.memory_space<vmem>> -> memref<1x1024xi32, #tpu.memory_space<vmem>>
    %dma_wait3A_63 = tpu.memref_squeeze %dma_wait3A_62 : memref<1x1024xi32, #tpu.memory_space<vmem>> -> memref<1024xi32, #tpu.memory_space<vmem>>
    %dma_wait3A_64 = tpu.memref_slice %arg4[%mul3A_15] : memref<819200xi32, #tpu.memory_space<hbm>> -> memref<1024xi32, #tpu.memory_space<hbm>>
    %dma_wait3A_65 = arith.constant 0 : i32
    %dma_wait3A_66 = tpu.memref_slice %arg8[%dma_wait3A_60, %dma_wait3A_65] : memref<2x1024xi32, #tpu.memory_space<vmem>> -> memref<1x1024xi32, #tpu.memory_space<vmem>>
    %dma_wait3A_67 = tpu.memref_squeeze %dma_wait3A_66 : memref<1x1024xi32, #tpu.memory_space<vmem>> -> memref<1024xi32, #tpu.memory_space<vmem>>
    %dma_wait3A_68 = tpu.memref_slice %arg4[%mul3A_15] : memref<819200xi32, #tpu.memory_space<hbm>> -> memref<1024xi32, #tpu.memory_space<hbm>>
    tpu.wait_dma2 semaphore(%arg15 : memref<!tpu.dma_semaphore, #tpu.memory_space<semaphore_mem>>) src(%dma_wait3A_68 : memref<1024xi32, #tpu.memory_space<hbm>>) dst(%dma_wait3A_67 : memref<1024xi32, #tpu.memory_space<vmem>>)
    %add3A_69 = arith.constant 1024 : i32
    %add3A_70 = arith.addi %mul3A_15, %add3A_69 : i32
    %dma_start3A_71 = arith.constant 1 : i32
    %dma_start3A_72 = arith.constant 0 : i32
    %dma_start3A_73 = tpu.memref_slice %arg8[%dma_start3A_71, %dma_start3A_72] : memref<2x1024xi32, #tpu.memory_space<vmem>> -> memref<1x1024xi32, #tpu.memory_space<vmem>>
    %dma_start3A_74 = tpu.memref_squeeze %dma_start3A_73 : memref<1x1024xi32, #tpu.memory_space<vmem>> -> memref<1024xi32, #tpu.memory_space<vmem>>
    %dma_start3A_75 = tpu.memref_slice %arg4[%add3A_70] : memref<819200xi32, #tpu.memory_space<hbm>> -> memref<1024xi32, #tpu.memory_space<hbm>>
    %dma_start3A_76 = arith.constant 0 : i32
    %dma_start3A_77 = tpu.memref_slice %arg8[%dma_start3A_71, %dma_start3A_76] : memref<2x1024xi32, #tpu.memory_space<vmem>> -> memref<1x1024xi32, #tpu.memory_space<vmem>>
    %dma_start3A_78 = tpu.memref_squeeze %dma_start3A_77 : memref<1x1024xi32, #tpu.memory_space<vmem>> -> memref<1024xi32, #tpu.memory_space<vmem>>
    %dma_start3A_79 = tpu.memref_slice %arg4[%add3A_70] : memref<819200xi32, #tpu.memory_space<hbm>> -> memref<1024xi32, #tpu.memory_space<hbm>>
    tpu.enqueue_dma source(%dma_start3A_79 : memref<1024xi32, #tpu.memory_space<hbm>>) target(%dma_start3A_78 : memref<1024xi32, #tpu.memory_space<vmem>>) target_semaphore(%arg19 : memref<!tpu.dma_semaphore, #tpu.memory_space<semaphore_mem>>)
    %dma_start3A_80 = arith.constant 1 : i32
    %dma_start3A_81 = arith.constant 0 : i32
    %dma_start3A_82 = tpu.memref_slice %arg9[%dma_start3A_80, %dma_start3A_81] : memref<2x1024xi32, #tpu.memory_space<vmem>> -> memref<1x1024xi32, #tpu.memory_space<vmem>>
    %dma_start3A_83 = tpu.memref_squeeze %dma_start3A_82 : memref<1x1024xi32, #tpu.memory_space<vmem>> -> memref<1024xi32, #tpu.memory_space<vmem>>
    %dma_start3A_84 = tpu.memref_slice %arg5[%add3A_70] : memref<819200xi32, #tpu.memory_space<hbm>> -> memref<1024xi32, #tpu.memory_space<hbm>>
    %dma_start3A_85 = arith.constant 0 : i32
    %dma_start3A_86 = tpu.memref_slice %arg9[%dma_start3A_80, %dma_start3A_85] : memref<2x1024xi32, #tpu.memory_space<vmem>> -> memref<1x1024xi32, #tpu.memory_space<vmem>>
    %dma_start3A_87 = tpu.memref_squeeze %dma_start3A_86 : memref<1x1024xi32, #tpu.memory_space<vmem>> -> memref<1024xi32, #tpu.memory_space<vmem>>
    %dma_start3A_88 = tpu.memref_slice %arg5[%add3A_70] : memref<819200xi32, #tpu.memory_space<hbm>> -> memref<1024xi32, #tpu.memory_space<hbm>>
    tpu.enqueue_dma source(%dma_start3A_88 : memref<1024xi32, #tpu.memory_space<hbm>>) target(%dma_start3A_87 : memref<1024xi32, #tpu.memory_space<vmem>>) target_semaphore(%arg19 : memref<!tpu.dma_semaphore, #tpu.memory_space<semaphore_mem>>)
    %eq3A = arith.constant 0 : i32
    %eq3A_89 = arith.cmpi eq, %arg0, %eq3A : i32
    %convert_element_type3A = arith.extui %eq3A_89 : i1 to i32
    %cond3A = arith.constant 0 : i32
    %cond3A_90 = arith.constant 0 : i32
    %cond3A_91 = arith.cmpi ne, %convert_element_type3A, %cond3A_90 : i32
    scf.if %cond3A_91 {
      %dma_start3A_172 = arith.constant 0 : i32
      %dma_start3A_173 = tpu.memref_slice %arg8[%cond3A, %dma_start3A_172] : memref<2x1024xi32, #tpu.memory_space<vmem>> -> memref<1x128xi32, #tpu.memory_space<vmem>>
      %dma_start3A_174 = tpu.memref_squeeze %dma_start3A_173 : memref<1x128xi32, #tpu.memory_space<vmem>> -> memref<128xi32, #tpu.memory_space<vmem>>
      %dma_start3A_175 = arith.constant 0 : i32
      %dma_start3A_176 = arith.constant 0 : i32
      %dma_start3A_177 = tpu.memref_slice %arg2[%dma_start3A_175, %dma_start3A_176] : memref<50000x32xf32, #tpu.memory_space<hbm>> -> memref<50000x32xf32, #tpu.memory_space<hbm>>
      tpu.enqueue_indirect_dma source(%dma_start3A_177 : memref<50000x32xf32, #tpu.memory_space<hbm>>) target(%arg10 : memref<128x32xf32, #tpu.memory_space<vmem>>) offsets(%dma_start3A_174 : memref<128xi32, #tpu.memory_space<vmem>>) semaphore(%arg15 : memref<!tpu.dma_semaphore, #tpu.memory_space<semaphore_mem>>)
    } else {
    }
    %eq3A_92 = arith.constant 1 : i32
    %eq3A_93 = arith.cmpi eq, %arg0, %eq3A_92 : i32
    %convert_element_type3A_94 = arith.extui %eq3A_93 : i1 to i32
    %cond3A_95 = arith.constant 0 : i32
    %cond3A_96 = arith.constant 0 : i32
    %cond3A_97 = arith.cmpi ne, %convert_element_type3A_94, %cond3A_96 : i32
    scf.if %cond3A_97 {
      %dma_start3A_172 = arith.constant 0 : i32
      %dma_start3A_173 = tpu.memref_slice %arg8[%cond3A_95, %dma_start3A_172] : memref<2x1024xi32, #tpu.memory_space<vmem>> -> memref<1x128xi32, #tpu.memory_space<vmem>>
      %dma_start3A_174 = tpu.memref_squeeze %dma_start3A_173 : memref<1x128xi32, #tpu.memory_space<vmem>> -> memref<128xi32, #tpu.memory_space<vmem>>
      %dma_start3A_175 = arith.constant 0 : i32
      %dma_start3A_176 = arith.constant 0 : i32
      %dma_start3A_177 = tpu.memref_slice %arg3[%dma_start3A_175, %dma_start3A_176] : memref<50000x32xf32, #tpu.memory_space<hbm>> -> memref<50000x32xf32, #tpu.memory_space<hbm>>
      tpu.enqueue_indirect_dma source(%dma_start3A_177 : memref<50000x32xf32, #tpu.memory_space<hbm>>) target(%arg10 : memref<128x32xf32, #tpu.memory_space<vmem>>) offsets(%dma_start3A_174 : memref<128xi32, #tpu.memory_space<vmem>>) semaphore(%arg15 : memref<!tpu.dma_semaphore, #tpu.memory_space<semaphore_mem>>)
    } else {
    }
    %eq3A_98 = arith.constant 0 : i32
    %eq3A_99 = arith.cmpi eq, %arg0, %eq3A_98 : i32
    %convert_element_type3A_100 = arith.extui %eq3A_99 : i1 to i32
    %cond3A_101 = arith.constant 0 : i32
    %cond3A_102 = arith.constant 0 : i32
    %cond3A_103 = arith.cmpi ne, %convert_element_type3A_100, %cond3A_102 : i32
    scf.if %cond3A_103 {
      %dma_start3A_172 = arith.constant 128 : i32
      %dma_start3A_173 = tpu.memref_slice %arg8[%cond3A_101, %dma_start3A_172] : memref<2x1024xi32, #tpu.memory_space<vmem>> -> memref<1x128xi32, #tpu.memory_space<vmem>>
      %dma_start3A_174 = tpu.memref_squeeze %dma_start3A_173 : memref<1x128xi32, #tpu.memory_space<vmem>> -> memref<128xi32, #tpu.memory_space<vmem>>
      %dma_start3A_175 = arith.constant 0 : i32
      %dma_start3A_176 = arith.constant 0 : i32
      %dma_start3A_177 = tpu.memref_slice %arg2[%dma_start3A_175, %dma_start3A_176] : memref<50000x32xf32, #tpu.memory_space<hbm>> -> memref<50000x32xf32, #tpu.memory_space<hbm>>
      tpu.enqueue_indirect_dma source(%dma_start3A_177 : memref<50000x32xf32, #tpu.memory_space<hbm>>) target(%arg11 : memref<128x32xf32, #tpu.memory_space<vmem>>) offsets(%dma_start3A_174 : memref<128xi32, #tpu.memory_space<vmem>>) semaphore(%arg16 : memref<!tpu.dma_semaphore, #tpu.memory_space<semaphore_mem>>)
    } else {
    }
    %eq3A_104 = arith.constant 1 : i32
    %eq3A_105 = arith.cmpi eq, %arg0, %eq3A_104 : i32
    %convert_element_type3A_106 = arith.extui %eq3A_105 : i1 to i32
    %cond3A_107 = arith.constant 0 : i32
    %cond3A_108 = arith.constant 0 : i32
    %cond3A_109 = arith.cmpi ne, %convert_element_type3A_106, %cond3A_108 : i32
    scf.if %cond3A_109 {
      %dma_start3A_172 = arith.constant 128 : i32
      %dma_start3A_173 = tpu.memref_slice %arg8[%cond3A_107, %dma_start3A_172] : memref<2x1024xi32, #tpu.memory_space<vmem>> -> memref<1x128xi32, #tpu.memory_space<vmem>>
      %dma_start3A_174 = tpu.memref_squeeze %dma_start3A_173 : memref<1x128xi32, #tpu.memory_space<vmem>> -> memref<128xi32, #tpu.memory_space<vmem>>
      %dma_start3A_175 = arith.constant 0 : i32
      %dma_start3A_176 = arith.constant 0 : i32
      %dma_start3A_177 = tpu.memref_slice %arg3[%dma_start3A_175, %dma_start3A_176] : memref<50000x32xf32, #tpu.memory_space<hbm>> -> memref<50000x32xf32, #tpu.memory_space<hbm>>
      tpu.enqueue_indirect_dma source(%dma_start3A_177 : memref<50000x32xf32, #tpu.memory_space<hbm>>) target(%arg11 : memref<128x32xf32, #tpu.memory_space<vmem>>) offsets(%dma_start3A_174 : memref<128xi32, #tpu.memory_space<vmem>>) semaphore(%arg16 : memref<!tpu.dma_semaphore, #tpu.memory_space<semaphore_mem>>)
    } else {
    }
    %eq3A_110 = arith.constant 0 : i32
    %eq3A_111 = arith.cmpi eq, %arg0, %eq3A_110 : i32
    %convert_element_type3A_112 = arith.extui %eq3A_111 : i1 to i32
    %cond3A_113 = arith.constant 0 : i32
    %cond3A_114 = arith.constant 0 : i32
    %cond3A_115 = arith.cmpi ne, %convert_element_type3A_112, %cond3A_114 : i32
    scf.if %cond3A_115 {
      %dma_start3A_172 = arith.constant 256 : i32
      %dma_start3A_173 = tpu.memref_slice %arg8[%cond3A_113, %dma_start3A_172] : memref<2x1024xi32, #tpu.memory_space<vmem>> -> memref<1x128xi32, #tpu.memory_space<vmem>>
      %dma_start3A_174 = tpu.memref_squeeze %dma_start3A_173 : memref<1x128xi32, #tpu.memory_space<vmem>> -> memref<128xi32, #tpu.memory_space<vmem>>
      %dma_start3A_175 = arith.constant 0 : i32
      %dma_start3A_176 = arith.constant 0 : i32
      %dma_start3A_177 = tpu.memref_slice %arg2[%dma_start3A_175, %dma_start3A_176] : memref<50000x32xf32, #tpu.memory_space<hbm>> -> memref<50000x32xf32, #tpu.memory_space<hbm>>
      tpu.enqueue_indirect_dma source(%dma_start3A_177 : memref<50000x32xf32, #tpu.memory_space<hbm>>) target(%arg12 : memref<128x32xf32, #tpu.memory_space<vmem>>) offsets(%dma_start3A_174 : memref<128xi32, #tpu.memory_space<vmem>>) semaphore(%arg17 : memref<!tpu.dma_semaphore, #tpu.memory_space<semaphore_mem>>)
    } else {
    }
    %eq3A_116 = arith.constant 1 : i32
    %eq3A_117 = arith.cmpi eq, %arg0, %eq3A_116 : i32
    %convert_element_type3A_118 = arith.extui %eq3A_117 : i1 to i32
    %cond3A_119 = arith.constant 0 : i32
    %cond3A_120 = arith.constant 0 : i32
    %cond3A_121 = arith.cmpi ne, %convert_element_type3A_118, %cond3A_120 : i32
    scf.if %cond3A_121 {
      %dma_start3A_172 = arith.constant 256 : i32
      %dma_start3A_173 = tpu.memref_slice %arg8[%cond3A_119, %dma_start3A_172] : memref<2x1024xi32, #tpu.memory_space<vmem>> -> memref<1x128xi32, #tpu.memory_space<vmem>>
      %dma_start3A_174 = tpu.memref_squeeze %dma_start3A_173 : memref<1x128xi32, #tpu.memory_space<vmem>> -> memref<128xi32, #tpu.memory_space<vmem>>
      %dma_start3A_175 = arith.constant 0 : i32
      %dma_start3A_176 = arith.constant 0 : i32
      %dma_start3A_177 = tpu.memref_slice %arg3[%dma_start3A_175, %dma_start3A_176] : memref<50000x32xf32, #tpu.memory_space<hbm>> -> memref<50000x32xf32, #tpu.memory_space<hbm>>
      tpu.enqueue_indirect_dma source(%dma_start3A_177 : memref<50000x32xf32, #tpu.memory_space<hbm>>) target(%arg12 : memref<128x32xf32, #tpu.memory_space<vmem>>) offsets(%dma_start3A_174 : memref<128xi32, #tpu.memory_space<vmem>>) semaphore(%arg17 : memref<!tpu.dma_semaphore, #tpu.memory_space<semaphore_mem>>)
    } else {
    }
    %eq3A_122 = arith.constant 0 : i32
    %eq3A_123 = arith.cmpi eq, %arg0, %eq3A_122 : i32
    %convert_element_type3A_124 = arith.extui %eq3A_123 : i1 to i32
    %cond3A_125 = arith.constant 0 : i32
    %cond3A_126 = arith.constant 0 : i32
    %cond3A_127 = arith.cmpi ne, %convert_element_type3A_124, %cond3A_126 : i32
    scf.if %cond3A_127 {
      %dma_start3A_172 = arith.constant 384 : i32
      %dma_start3A_173 = tpu.memref_slice %arg8[%cond3A_125, %dma_start3A_172] : memref<2x1024xi32, #tpu.memory_space<vmem>> -> memref<1x128xi32, #tpu.memory_space<vmem>>
      %dma_start3A_174 = tpu.memref_squeeze %dma_start3A_173 : memref<1x128xi32, #tpu.memory_space<vmem>> -> memref<128xi32, #tpu.memory_space<vmem>>
      %dma_start3A_175 = arith.constant 0 : i32
      %dma_start3A_176 = arith.constant 0 : i32
      %dma_start3A_177 = tpu.memref_slice %arg2[%dma_start3A_175, %dma_start3A_176] : memref<50000x32xf32, #tpu.memory_space<hbm>> -> memref<50000x32xf32, #tpu.memory_space<hbm>>
      tpu.enqueue_indirect_dma source(%dma_start3A_177 : memref<50000x32xf32, #tpu.memory_space<hbm>>) target(%arg13 : memref<128x32xf32, #tpu.memory_space<vmem>>) offsets(%dma_start3A_174 : memref<128xi32, #tpu.memory_space<vmem>>) semaphore(%arg18 : memref<!tpu.dma_semaphore, #tpu.memory_space<semaphore_mem>>)
    } else {
    }
    %eq3A_128 = arith.constant 1 : i32
    %eq3A_129 = arith.cmpi eq, %arg0, %eq3A_128 : i32
    %convert_element_type3A_130 = arith.extui %eq3A_129 : i1 to i32
    %cond3A_131 = arith.constant 0 : i32
    %cond3A_132 = arith.constant 0 : i32
    %cond3A_133 = arith.cmpi ne, %convert_element_type3A_130, %cond3A_132 : i32
    scf.if %cond3A_133 {
      %dma_start3A_172 = arith.constant 384 : i32
      %dma_start3A_173 = tpu.memref_slice %arg8[%cond3A_131, %dma_start3A_172] : memref<2x1024xi32, #tpu.memory_space<vmem>> -> memref<1x128xi32, #tpu.memory_space<vmem>>
      %dma_start3A_174 = tpu.memref_squeeze %dma_start3A_173 : memref<1x128xi32, #tpu.memory_space<vmem>> -> memref<128xi32, #tpu.memory_space<vmem>>
      %dma_start3A_175 = arith.constant 0 : i32
      %dma_start3A_176 = arith.constant 0 : i32
      %dma_start3A_177 = tpu.memref_slice %arg3[%dma_start3A_175, %dma_start3A_176] : memref<50000x32xf32, #tpu.memory_space<hbm>> -> memref<50000x32xf32, #tpu.memory_space<hbm>>
      tpu.enqueue_indirect_dma source(%dma_start3A_177 : memref<50000x32xf32, #tpu.memory_space<hbm>>) target(%arg13 : memref<128x32xf32, #tpu.memory_space<vmem>>) offsets(%dma_start3A_174 : memref<128xi32, #tpu.memory_space<vmem>>) semaphore(%arg18 : memref<!tpu.dma_semaphore, #tpu.memory_space<semaphore_mem>>)
    } else {
    }
    %barrier3A = arith.constant 0 : index
    tpu.barrier barrier_id(%barrier3A)
    %scan3A_134 = arith.constant 0 : i32
    %scan3A_135 = arith.constant 0 : i32
    %scan3A_136 = arith.constant 100 : i32
    %scan3A_137 = arith.addi %scan3A_135, %scan3A_136 : i32
    %scan3A_138 = arith.constant 1 : i32
    scf.for %scan3A_172 = %scan3A_135 to %scan3A_137 step %scan3A_138  : i32 {
      %mul3A_173 = arith.constant 4 : i32
      %mul3A_174 = arith.muli %scan3A_172, %mul3A_173 : i32
      %add3A_175 = arith.constant 0 : i32
      %add3A_176 = arith.addi %mul3A_174, %add3A_175 : i32
      %dma_wait3A_177 = arith.constant 0 : i32
      %dma_wait3A_178 = arith.constant 0 : i32
      %dma_wait3A_179 = tpu.memref_slice %arg8[%dma_wait3A_177, %dma_wait3A_178] : memref<2x1024xi32, #tpu.memory_space<vmem>> -> memref<1x128xi32, #tpu.memory_space<vmem>>
      %dma_wait3A_180 = tpu.memref_squeeze %dma_wait3A_179 : memref<1x128xi32, #tpu.memory_space<vmem>> -> memref<128xi32, #tpu.memory_space<vmem>>
      %dma_wait3A_181 = arith.constant 0 : i32
      %dma_wait3A_182 = arith.constant 0 : i32
      %dma_wait3A_183 = tpu.memref_slice %arg2[%dma_wait3A_181, %dma_wait3A_182] : memref<50000x32xf32, #tpu.memory_space<hbm>> -> memref<50000x32xf32, #tpu.memory_space<hbm>>
      tpu.wait_indirect_dma semaphore(%arg15 : memref<!tpu.dma_semaphore, #tpu.memory_space<semaphore_mem>>) src(%dma_wait3A_183 : memref<50000x32xf32, #tpu.memory_space<hbm>>) dst(%arg10 : memref<128x32xf32, #tpu.memory_space<vmem>>)
      %jit3A_184 = arith.constant 8 : i32
      %div3A = arith.divsi %add3A_176, %jit3A_184 : i32
      %sign3A = arith.constant 0 : i32
      %sign3A_185 = arith.cmpi sgt, %add3A_176, %sign3A : i32
      %sign3A_186 = arith.extui %sign3A_185 : i1 to i32
      %sign3A_187 = arith.constant 0 : i32
      %sign3A_188 = arith.cmpi slt, %add3A_176, %sign3A_187 : i32
      %sign3A_189 = arith.extui %sign3A_188 : i1 to i32
      %sign3A_190 = arith.subi %sign3A_186, %sign3A_189 : i32
      %sign3A_191 = arith.constant 0 : i32
      %sign3A_192 = arith.cmpi sgt, %jit3A_184, %sign3A_191 : i32
      %sign3A_193 = arith.extui %sign3A_192 : i1 to i32
      %sign3A_194 = arith.constant 0 : i32
      %sign3A_195 = arith.cmpi slt, %jit3A_184, %sign3A_194 : i32
      %sign3A_196 = arith.extui %sign3A_195 : i1 to i32
      %sign3A_197 = arith.subi %sign3A_193, %sign3A_196 : i32
      %ne3A = arith.cmpi ne, %sign3A_190, %sign3A_197 : i32
      %rem3A = arith.remsi %add3A_176, %jit3A_184 : i32
      %ne3A_198 = arith.constant 0 : i32
      %ne3A_199 = arith.cmpi ne, %rem3A, %ne3A_198 : i32
      %and3A_200 = arith.andi %ne3A, %ne3A_199 : i1
      %sub3A = arith.constant 1 : i32
      %sub3A_201 = arith.subi %div3A, %sub3A : i32
      %select_n3A_202 = arith.select %and3A_200, %sub3A_201, %div3A : i32
      %jit3A_203 = arith.constant 2 : i32
      %eq3A_204 = arith.constant 0 : i32
      %eq3A_205 = arith.cmpi eq, %jit3A_203, %eq3A_204 : i32
      %jit3A_206 = arith.constant 1 : i32
      %select_n3A_207 = arith.select %eq3A_205, %jit3A_206, %jit3A_203 : i32
      %rem3A_208 = arith.remsi %select_n3A_202, %select_n3A_207 : i32
      %ne3A_209 = arith.constant 0 : i32
      %ne3A_210 = arith.cmpi ne, %rem3A_208, %ne3A_209 : i32
      %lt3A_211 = arith.constant 0 : i32
      %lt3A_212 = arith.cmpi slt, %rem3A_208, %lt3A_211 : i32
      %lt3A_213 = arith.constant 0 : i32
      %lt3A_214 = arith.cmpi slt, %select_n3A_207, %lt3A_213 : i32
      %ne3A_215 = arith.xori %lt3A_212, %lt3A_214 : i1
      %and3A_216 = arith.andi %ne3A_215, %ne3A_210 : i1
      %add3A_217 = arith.addi %rem3A_208, %select_n3A_207 : i32
      %select_n3A_218 = arith.select %and3A_216, %add3A_217, %rem3A_208 : i32
      %jit3A_219 = arith.constant 8 : i32
      %eq3A_220 = arith.constant 0 : i32
      %eq3A_221 = arith.cmpi eq, %jit3A_219, %eq3A_220 : i32
      %jit3A_222 = arith.constant 1 : i32
      %select_n3A_223 = arith.select %eq3A_221, %jit3A_222, %jit3A_219 : i32
      %rem3A_224 = arith.remsi %add3A_176, %select_n3A_223 : i32
      %ne3A_225 = arith.constant 0 : i32
      %ne3A_226 = arith.cmpi ne, %rem3A_224, %ne3A_225 : i32
      %lt3A_227 = arith.constant 0 : i32
      %lt3A_228 = arith.cmpi slt, %rem3A_224, %lt3A_227 : i32
      %lt3A_229 = arith.constant 0 : i32
      %lt3A_230 = arith.cmpi slt, %select_n3A_223, %lt3A_229 : i32
      %ne3A_231 = arith.xori %lt3A_228, %lt3A_230 : i1
      %and3A_232 = arith.andi %ne3A_231, %ne3A_226 : i1
      %add3A_233 = arith.addi %rem3A_224, %select_n3A_223 : i32
      %select_n3A_234 = arith.select %and3A_232, %add3A_233, %rem3A_224 : i32
      %mul3A_235 = arith.constant 128 : i32
      %mul3A_236 = arith.muli %select_n3A_234, %mul3A_235 : i32
      "tpu.region"() ({
        %run_scoped3A = tpu.sem_alloc : memref<!tpu.dma_semaphore, #tpu.memory_space<semaphore_mem>>
        %dma_start3A_542 = tpu.memref_slice %arg9[%select_n3A_218, %mul3A_236] : memref<2x1024xi32, #tpu.memory_space<vmem>> -> memref<1x128xi32, #tpu.memory_space<vmem>>
        %dma_start3A_543 = tpu.memref_squeeze %dma_start3A_542 : memref<1x128xi32, #tpu.memory_space<vmem>> -> memref<128xi32, #tpu.memory_space<vmem>>
        %dma_start3A_544 = arith.constant 0 : i32
        %dma_start3A_545 = arith.constant 0 : i32
        %dma_start3A_546 = tpu.memref_slice %arg14[%dma_start3A_544, %dma_start3A_545] : memref<50304x32xf32, #tpu.memory_space<vmem_shared>> -> memref<50304x32xf32, #tpu.memory_space<vmem_shared>>
        tpu.enqueue_indirect_dma source(%arg10 : memref<128x32xf32, #tpu.memory_space<vmem>>) target(%dma_start3A_546 : memref<50304x32xf32, #tpu.memory_space<vmem_shared>>) offsets(%dma_start3A_543 : memref<128xi32, #tpu.memory_space<vmem>>) semaphore(%run_scoped3A : memref<!tpu.dma_semaphore, #tpu.memory_space<semaphore_mem>>) {add = true}
        %dma_wait3A_547 = tpu.memref_slice %arg9[%select_n3A_218, %mul3A_236] : memref<2x1024xi32, #tpu.memory_space<vmem>> -> memref<1x128xi32, #tpu.memory_space<vmem>>
        %dma_wait3A_548 = tpu.memref_squeeze %dma_wait3A_547 : memref<1x128xi32, #tpu.memory_space<vmem>> -> memref<128xi32, #tpu.memory_space<vmem>>
        %dma_wait3A_549 = arith.constant 0 : i32
        %dma_wait3A_550 = arith.constant 0 : i32
        %dma_wait3A_551 = tpu.memref_slice %arg14[%dma_wait3A_549, %dma_wait3A_550] : memref<50304x32xf32, #tpu.memory_space<vmem_shared>> -> memref<50304x32xf32, #tpu.memory_space<vmem_shared>>
        tpu.wait_indirect_dma semaphore(%run_scoped3A : memref<!tpu.dma_semaphore, #tpu.memory_space<semaphore_mem>>) src(%arg10 : memref<128x32xf32, #tpu.memory_space<vmem>>) dst(%dma_wait3A_551 : memref<50304x32xf32, #tpu.memory_space<vmem_shared>>)
        tpu.yield
      }) : () -> ()
      %add3A_237 = arith.constant 4 : i32
      %add3A_238 = arith.addi %add3A_176, %add3A_237 : i32
      %jit3A_239 = arith.constant 8 : i32
      %div3A_240 = arith.divsi %add3A_176, %jit3A_239 : i32
      %sign3A_241 = arith.constant 0 : i32
      %sign3A_242 = arith.cmpi sgt, %add3A_176, %sign3A_241 : i32
      %sign3A_243 = arith.extui %sign3A_242 : i1 to i32
      %sign3A_244 = arith.constant 0 : i32
      %sign3A_245 = arith.cmpi slt, %add3A_176, %sign3A_244 : i32
      %sign3A_246 = arith.extui %sign3A_245 : i1 to i32
      %sign3A_247 = arith.subi %sign3A_243, %sign3A_246 : i32
      %sign3A_248 = arith.constant 0 : i32
      %sign3A_249 = arith.cmpi sgt, %jit3A_239, %sign3A_248 : i32
      %sign3A_250 = arith.extui %sign3A_249 : i1 to i32
      %sign3A_251 = arith.constant 0 : i32
      %sign3A_252 = arith.cmpi slt, %jit3A_239, %sign3A_251 : i32
      %sign3A_253 = arith.extui %sign3A_252 : i1 to i32
      %sign3A_254 = arith.subi %sign3A_250, %sign3A_253 : i32
      %ne3A_255 = arith.cmpi ne, %sign3A_247, %sign3A_254 : i32
      %rem3A_256 = arith.remsi %add3A_176, %jit3A_239 : i32
      %ne3A_257 = arith.constant 0 : i32
      %ne3A_258 = arith.cmpi ne, %rem3A_256, %ne3A_257 : i32
      %and3A_259 = arith.andi %ne3A_255, %ne3A_258 : i1
      %sub3A_260 = arith.constant 1 : i32
      %sub3A_261 = arith.subi %div3A_240, %sub3A_260 : i32
      %select_n3A_262 = arith.select %and3A_259, %sub3A_261, %div3A_240 : i32
      %jit3A_263 = arith.constant 8 : i32
      %eq3A_264 = arith.constant 0 : i32
      %eq3A_265 = arith.cmpi eq, %jit3A_263, %eq3A_264 : i32
      %jit3A_266 = arith.constant 1 : i32
      %select_n3A_267 = arith.select %eq3A_265, %jit3A_266, %jit3A_263 : i32
      %rem3A_268 = arith.remsi %add3A_176, %select_n3A_267 : i32
      %ne3A_269 = arith.constant 0 : i32
      %ne3A_270 = arith.cmpi ne, %rem3A_268, %ne3A_269 : i32
      %lt3A_271 = arith.constant 0 : i32
      %lt3A_272 = arith.cmpi slt, %rem3A_268, %lt3A_271 : i32
      %lt3A_273 = arith.constant 0 : i32
      %lt3A_274 = arith.cmpi slt, %select_n3A_267, %lt3A_273 : i32
      %ne3A_275 = arith.xori %lt3A_272, %lt3A_274 : i1
      %and3A_276 = arith.andi %ne3A_275, %ne3A_270 : i1
      %add3A_277 = arith.addi %rem3A_268, %select_n3A_267 : i32
      %select_n3A_278 = arith.select %and3A_276, %add3A_277, %rem3A_268 : i32
      %eq3A_279 = arith.constant 0 : i32
      %eq3A_280 = arith.cmpi eq, %select_n3A_278, %eq3A_279 : i32
      %gt3A = arith.constant 0 : i32
      %gt3A_281 = arith.cmpi sgt, %add3A_176, %gt3A : i32
      %add3A_282 = arith.constant 1 : i32
      %add3A_283 = arith.addi %select_n3A_262, %add3A_282 : i32
      %lt3A_284 = arith.constant 50 : i32
      %lt3A_285 = arith.cmpi slt, %add3A_283, %lt3A_284 : i32
      %and3A_286 = arith.andi %gt3A_281, %lt3A_285 : i1
      %and3A_287 = arith.andi %eq3A_280, %and3A_286 : i1
      %convert_element_type3A_288 = arith.extui %and3A_287 : i1 to i32
      %cond3A_289 = arith.constant 0 : i32
      %cond3A_290 = arith.cmpi ne, %convert_element_type3A_288, %cond3A_289 : i32
      scf.if %cond3A_290 {
        %add3A_542 = arith.constant 1 : i32
        %add3A_543 = arith.addi %select_n3A_262, %add3A_542 : i32
        %mul3A_544 = arith.constant 8 : i32
        %mul3A_545 = arith.muli %add3A_543, %mul3A_544 : i32
        %mul3A_546 = arith.constant 128 : i32
        %mul3A_547 = arith.muli %mul3A_545, %mul3A_546 : i32
        %add3A_548 = arith.addi %mul3A_15, %mul3A_547 : i32
        %jit3A_549 = arith.constant 2 : i32
        %eq3A_550 = arith.constant 0 : i32
        %eq3A_551 = arith.cmpi eq, %jit3A_549, %eq3A_550 : i32
        %jit3A_552 = arith.constant 1 : i32
        %select_n3A_553 = arith.select %eq3A_551, %jit3A_552, %jit3A_549 : i32
        %rem3A_554 = arith.remsi %add3A_543, %select_n3A_553 : i32
        %ne3A_555 = arith.constant 0 : i32
        %ne3A_556 = arith.cmpi ne, %rem3A_554, %ne3A_555 : i32
        %lt3A_557 = arith.constant 0 : i32
        %lt3A_558 = arith.cmpi slt, %rem3A_554, %lt3A_557 : i32
        %lt3A_559 = arith.constant 0 : i32
        %lt3A_560 = arith.cmpi slt, %select_n3A_553, %lt3A_559 : i32
        %ne3A_561 = arith.xori %lt3A_558, %lt3A_560 : i1
        %and3A_562 = arith.andi %ne3A_561, %ne3A_556 : i1
        %add3A_563 = arith.addi %rem3A_554, %select_n3A_553 : i32
        %select_n3A_564 = arith.select %and3A_562, %add3A_563, %rem3A_554 : i32
        %dma_start3A_565 = arith.constant 0 : i32
        %dma_start3A_566 = tpu.memref_slice %arg8[%select_n3A_564, %dma_start3A_565] : memref<2x1024xi32, #tpu.memory_space<vmem>> -> memref<1x1024xi32, #tpu.memory_space<vmem>>
        %dma_start3A_567 = tpu.memref_squeeze %dma_start3A_566 : memref<1x1024xi32, #tpu.memory_space<vmem>> -> memref<1024xi32, #tpu.memory_space<vmem>>
        %dma_start3A_568 = tpu.memref_slice %arg4[%add3A_548] : memref<819200xi32, #tpu.memory_space<hbm>> -> memref<1024xi32, #tpu.memory_space<hbm>>
        %dma_start3A_569 = arith.constant 0 : i32
        %dma_start3A_570 = tpu.memref_slice %arg8[%select_n3A_564, %dma_start3A_569] : memref<2x1024xi32, #tpu.memory_space<vmem>> -> memref<1x1024xi32, #tpu.memory_space<vmem>>
        %dma_start3A_571 = tpu.memref_squeeze %dma_start3A_570 : memref<1x1024xi32, #tpu.memory_space<vmem>> -> memref<1024xi32, #tpu.memory_space<vmem>>
        %dma_start3A_572 = tpu.memref_slice %arg4[%add3A_548] : memref<819200xi32, #tpu.memory_space<hbm>> -> memref<1024xi32, #tpu.memory_space<hbm>>
        tpu.enqueue_dma source(%dma_start3A_572 : memref<1024xi32, #tpu.memory_space<hbm>>) target(%dma_start3A_571 : memref<1024xi32, #tpu.memory_space<vmem>>) target_semaphore(%arg19 : memref<!tpu.dma_semaphore, #tpu.memory_space<semaphore_mem>>)
        %jit3A_573 = arith.constant 2 : i32
        %eq3A_574 = arith.constant 0 : i32
        %eq3A_575 = arith.cmpi eq, %jit3A_573, %eq3A_574 : i32
        %jit3A_576 = arith.constant 1 : i32
        %select_n3A_577 = arith.select %eq3A_575, %jit3A_576, %jit3A_573 : i32
        %rem3A_578 = arith.remsi %add3A_543, %select_n3A_577 : i32
        %ne3A_579 = arith.constant 0 : i32
        %ne3A_580 = arith.cmpi ne, %rem3A_578, %ne3A_579 : i32
        %lt3A_581 = arith.constant 0 : i32
        %lt3A_582 = arith.cmpi slt, %rem3A_578, %lt3A_581 : i32
        %lt3A_583 = arith.constant 0 : i32
        %lt3A_584 = arith.cmpi slt, %select_n3A_577, %lt3A_583 : i32
        %ne3A_585 = arith.xori %lt3A_582, %lt3A_584 : i1
        %and3A_586 = arith.andi %ne3A_585, %ne3A_580 : i1
        %add3A_587 = arith.addi %rem3A_578, %select_n3A_577 : i32
        %select_n3A_588 = arith.select %and3A_586, %add3A_587, %rem3A_578 : i32
        %dma_start3A_589 = arith.constant 0 : i32
        %dma_start3A_590 = tpu.memref_slice %arg9[%select_n3A_588, %dma_start3A_589] : memref<2x1024xi32, #tpu.memory_space<vmem>> -> memref<1x1024xi32, #tpu.memory_space<vmem>>
        %dma_start3A_591 = tpu.memref_squeeze %dma_start3A_590 : memref<1x1024xi32, #tpu.memory_space<vmem>> -> memref<1024xi32, #tpu.memory_space<vmem>>
        %dma_start3A_592 = tpu.memref_slice %arg5[%add3A_548] : memref<819200xi32, #tpu.memory_space<hbm>> -> memref<1024xi32, #tpu.memory_space<hbm>>
        %dma_start3A_593 = arith.constant 0 : i32
        %dma_start3A_594 = tpu.memref_slice %arg9[%select_n3A_588, %dma_start3A_593] : memref<2x1024xi32, #tpu.memory_space<vmem>> -> memref<1x1024xi32, #tpu.memory_space<vmem>>
        %dma_start3A_595 = tpu.memref_squeeze %dma_start3A_594 : memref<1x1024xi32, #tpu.memory_space<vmem>> -> memref<1024xi32, #tpu.memory_space<vmem>>
        %dma_start3A_596 = tpu.memref_slice %arg5[%add3A_548] : memref<819200xi32, #tpu.memory_space<hbm>> -> memref<1024xi32, #tpu.memory_space<hbm>>
        tpu.enqueue_dma source(%dma_start3A_596 : memref<1024xi32, #tpu.memory_space<hbm>>) target(%dma_start3A_595 : memref<1024xi32, #tpu.memory_space<vmem>>) target_semaphore(%arg19 : memref<!tpu.dma_semaphore, #tpu.memory_space<semaphore_mem>>)
      } else {
      }
      %jit3A_291 = arith.constant 8 : i32
      %eq3A_292 = arith.constant 0 : i32
      %eq3A_293 = arith.cmpi eq, %jit3A_291, %eq3A_292 : i32
      %jit3A_294 = arith.constant 1 : i32
      %select_n3A_295 = arith.select %eq3A_293, %jit3A_294, %jit3A_291 : i32
      %rem3A_296 = arith.remsi %add3A_176, %select_n3A_295 : i32
      %ne3A_297 = arith.constant 0 : i32
      %ne3A_298 = arith.cmpi ne, %rem3A_296, %ne3A_297 : i32
      %lt3A_299 = arith.constant 0 : i32
      %lt3A_300 = arith.cmpi slt, %rem3A_296, %lt3A_299 : i32
      %lt3A_301 = arith.constant 0 : i32
      %lt3A_302 = arith.cmpi slt, %select_n3A_295, %lt3A_301 : i32
      %ne3A_303 = arith.xori %lt3A_300, %lt3A_302 : i1
      %and3A_304 = arith.andi %ne3A_303, %ne3A_298 : i1
      %add3A_305 = arith.addi %rem3A_296, %select_n3A_295 : i32
      %select_n3A_306 = arith.select %and3A_304, %add3A_305, %rem3A_296 : i32
      %eq3A_307 = arith.constant 4 : i32
      %eq3A_308 = arith.cmpi eq, %select_n3A_306, %eq3A_307 : i32
      %lt3A_309 = arith.constant 400 : i32
      %lt3A_310 = arith.cmpi slt, %add3A_238, %lt3A_309 : i32
      %and3A_311 = arith.andi %eq3A_308, %lt3A_310 : i1
      %convert_element_type3A_312 = arith.extui %and3A_311 : i1 to i32
      %cond3A_313 = arith.constant 0 : i32
      %cond3A_314 = arith.cmpi ne, %convert_element_type3A_312, %cond3A_313 : i32
      scf.if %cond3A_314 {
        %dma_wait3A_542 = arith.constant 0 : i32
        %dma_wait3A_543 = arith.constant 0 : i32
        %dma_wait3A_544 = tpu.memref_slice %arg8[%dma_wait3A_542, %dma_wait3A_543] : memref<2x1024xi32, #tpu.memory_space<vmem>> -> memref<1x1024xi32, #tpu.memory_space<vmem>>
        %dma_wait3A_545 = tpu.memref_squeeze %dma_wait3A_544 : memref<1x1024xi32, #tpu.memory_space<vmem>> -> memref<1024xi32, #tpu.memory_space<vmem>>
        %dma_wait3A_546 = arith.constant 0 : i32
        %dma_wait3A_547 = tpu.memref_slice %arg4[%dma_wait3A_546] : memref<819200xi32, #tpu.memory_space<hbm>> -> memref<1024xi32, #tpu.memory_space<hbm>>
        %dma_wait3A_548 = arith.constant 0 : i32
        %dma_wait3A_549 = tpu.memref_slice %arg8[%dma_wait3A_542, %dma_wait3A_548] : memref<2x1024xi32, #tpu.memory_space<vmem>> -> memref<1x1024xi32, #tpu.memory_space<vmem>>
        %dma_wait3A_550 = tpu.memref_squeeze %dma_wait3A_549 : memref<1x1024xi32, #tpu.memory_space<vmem>> -> memref<1024xi32, #tpu.memory_space<vmem>>
        %dma_wait3A_551 = arith.constant 0 : i32
        %dma_wait3A_552 = tpu.memref_slice %arg4[%dma_wait3A_551] : memref<819200xi32, #tpu.memory_space<hbm>> -> memref<1024xi32, #tpu.memory_space<hbm>>
        tpu.wait_dma2 semaphore(%arg19 : memref<!tpu.dma_semaphore, #tpu.memory_space<semaphore_mem>>) src(%dma_wait3A_552 : memref<1024xi32, #tpu.memory_space<hbm>>) dst(%dma_wait3A_550 : memref<1024xi32, #tpu.memory_space<vmem>>)
        %dma_wait3A_553 = arith.constant 0 : i32
        %dma_wait3A_554 = arith.constant 0 : i32
        %dma_wait3A_555 = tpu.memref_slice %arg8[%dma_wait3A_553, %dma_wait3A_554] : memref<2x1024xi32, #tpu.memory_space<vmem>> -> memref<1x1024xi32, #tpu.memory_space<vmem>>
        %dma_wait3A_556 = tpu.memref_squeeze %dma_wait3A_555 : memref<1x1024xi32, #tpu.memory_space<vmem>> -> memref<1024xi32, #tpu.memory_space<vmem>>
        %dma_wait3A_557 = arith.constant 0 : i32
        %dma_wait3A_558 = tpu.memref_slice %arg4[%dma_wait3A_557] : memref<819200xi32, #tpu.memory_space<hbm>> -> memref<1024xi32, #tpu.memory_space<hbm>>
        %dma_wait3A_559 = arith.constant 0 : i32
        %dma_wait3A_560 = tpu.memref_slice %arg8[%dma_wait3A_553, %dma_wait3A_559] : memref<2x1024xi32, #tpu.memory_space<vmem>> -> memref<1x1024xi32, #tpu.memory_space<vmem>>
        %dma_wait3A_561 = tpu.memref_squeeze %dma_wait3A_560 : memref<1x1024xi32, #tpu.memory_space<vmem>> -> memref<1024xi32, #tpu.memory_space<vmem>>
        %dma_wait3A_562 = arith.constant 0 : i32
        %dma_wait3A_563 = tpu.memref_slice %arg4[%dma_wait3A_562] : memref<819200xi32, #tpu.memory_space<hbm>> -> memref<1024xi32, #tpu.memory_space<hbm>>
        tpu.wait_dma2 semaphore(%arg19 : memref<!tpu.dma_semaphore, #tpu.memory_space<semaphore_mem>>) src(%dma_wait3A_563 : memref<1024xi32, #tpu.memory_space<hbm>>) dst(%dma_wait3A_561 : memref<1024xi32, #tpu.memory_space<vmem>>)
      } else {
      }
      %lt3A_315 = arith.constant 400 : i32
      %lt3A_316 = arith.cmpi slt, %add3A_238, %lt3A_315 : i32
      %convert_element_type3A_317 = arith.extui %lt3A_316 : i1 to i32
      %cond3A_318 = arith.constant 0 : i32
      %cond3A_319 = arith.cmpi ne, %convert_element_type3A_317, %cond3A_318 : i32
      scf.if %cond3A_319 {
        %jit3A_542 = arith.constant 8 : i32
        %div3A_543 = arith.divsi %add3A_238, %jit3A_542 : i32
        %sign3A_544 = arith.constant 0 : i32
        %sign3A_545 = arith.cmpi sgt, %add3A_238, %sign3A_544 : i32
        %sign3A_546 = arith.extui %sign3A_545 : i1 to i32
        %sign3A_547 = arith.constant 0 : i32
        %sign3A_548 = arith.cmpi slt, %add3A_238, %sign3A_547 : i32
        %sign3A_549 = arith.extui %sign3A_548 : i1 to i32
        %sign3A_550 = arith.subi %sign3A_546, %sign3A_549 : i32
        %sign3A_551 = arith.constant 0 : i32
        %sign3A_552 = arith.cmpi sgt, %jit3A_542, %sign3A_551 : i32
        %sign3A_553 = arith.extui %sign3A_552 : i1 to i32
        %sign3A_554 = arith.constant 0 : i32
        %sign3A_555 = arith.cmpi slt, %jit3A_542, %sign3A_554 : i32
        %sign3A_556 = arith.extui %sign3A_555 : i1 to i32
        %sign3A_557 = arith.subi %sign3A_553, %sign3A_556 : i32
        %ne3A_558 = arith.cmpi ne, %sign3A_550, %sign3A_557 : i32
        %rem3A_559 = arith.remsi %add3A_238, %jit3A_542 : i32
        %ne3A_560 = arith.constant 0 : i32
        %ne3A_561 = arith.cmpi ne, %rem3A_559, %ne3A_560 : i32
        %and3A_562 = arith.andi %ne3A_558, %ne3A_561 : i1
        %sub3A_563 = arith.constant 1 : i32
        %sub3A_564 = arith.subi %div3A_543, %sub3A_563 : i32
        %select_n3A_565 = arith.select %and3A_562, %sub3A_564, %div3A_543 : i32
        %jit3A_566 = arith.constant 2 : i32
        %eq3A_567 = arith.constant 0 : i32
        %eq3A_568 = arith.cmpi eq, %jit3A_566, %eq3A_567 : i32
        %jit3A_569 = arith.constant 1 : i32
        %select_n3A_570 = arith.select %eq3A_568, %jit3A_569, %jit3A_566 : i32
        %rem3A_571 = arith.remsi %select_n3A_565, %select_n3A_570 : i32
        %ne3A_572 = arith.constant 0 : i32
        %ne3A_573 = arith.cmpi ne, %rem3A_571, %ne3A_572 : i32
        %lt3A_574 = arith.constant 0 : i32
        %lt3A_575 = arith.cmpi slt, %rem3A_571, %lt3A_574 : i32
        %lt3A_576 = arith.constant 0 : i32
        %lt3A_577 = arith.cmpi slt, %select_n3A_570, %lt3A_576 : i32
        %ne3A_578 = arith.xori %lt3A_575, %lt3A_577 : i1
        %and3A_579 = arith.andi %ne3A_578, %ne3A_573 : i1
        %add3A_580 = arith.addi %rem3A_571, %select_n3A_570 : i32
        %select_n3A_581 = arith.select %and3A_579, %add3A_580, %rem3A_571 : i32
        %jit3A_582 = arith.constant 8 : i32
        %eq3A_583 = arith.constant 0 : i32
        %eq3A_584 = arith.cmpi eq, %jit3A_582, %eq3A_583 : i32
        %jit3A_585 = arith.constant 1 : i32
        %select_n3A_586 = arith.select %eq3A_584, %jit3A_585, %jit3A_582 : i32
        %rem3A_587 = arith.remsi %add3A_238, %select_n3A_586 : i32
        %ne3A_588 = arith.constant 0 : i32
        %ne3A_589 = arith.cmpi ne, %rem3A_587, %ne3A_588 : i32
        %lt3A_590 = arith.constant 0 : i32
        %lt3A_591 = arith.cmpi slt, %rem3A_587, %lt3A_590 : i32
        %lt3A_592 = arith.constant 0 : i32
        %lt3A_593 = arith.cmpi slt, %select_n3A_586, %lt3A_592 : i32
        %ne3A_594 = arith.xori %lt3A_591, %lt3A_593 : i1
        %and3A_595 = arith.andi %ne3A_594, %ne3A_589 : i1
        %add3A_596 = arith.addi %rem3A_587, %select_n3A_586 : i32
        %select_n3A_597 = arith.select %and3A_595, %add3A_596, %rem3A_587 : i32
        %mul3A_598 = arith.constant 128 : i32
        %mul3A_599 = arith.muli %select_n3A_597, %mul3A_598 : i32
        %eq3A_600 = arith.constant 0 : i32
        %eq3A_601 = arith.cmpi eq, %arg0, %eq3A_600 : i32
        %convert_element_type3A_602 = arith.extui %eq3A_601 : i1 to i32
        %cond3A_603 = arith.constant 0 : i32
        %cond3A_604 = arith.cmpi ne, %convert_element_type3A_602, %cond3A_603 : i32
        scf.if %cond3A_604 {
          %dma_start3A_610 = tpu.memref_slice %arg8[%select_n3A_581, %mul3A_599] : memref<2x1024xi32, #tpu.memory_space<vmem>> -> memref<1x128xi32, #tpu.memory_space<vmem>>
          %dma_start3A_611 = tpu.memref_squeeze %dma_start3A_610 : memref<1x128xi32, #tpu.memory_space<vmem>> -> memref<128xi32, #tpu.memory_space<vmem>>
          %dma_start3A_612 = arith.constant 0 : i32
          %dma_start3A_613 = arith.constant 0 : i32
          %dma_start3A_614 = tpu.memref_slice %arg2[%dma_start3A_612, %dma_start3A_613] : memref<50000x32xf32, #tpu.memory_space<hbm>> -> memref<50000x32xf32, #tpu.memory_space<hbm>>
          tpu.enqueue_indirect_dma source(%dma_start3A_614 : memref<50000x32xf32, #tpu.memory_space<hbm>>) target(%arg10 : memref<128x32xf32, #tpu.memory_space<vmem>>) offsets(%dma_start3A_611 : memref<128xi32, #tpu.memory_space<vmem>>) semaphore(%arg15 : memref<!tpu.dma_semaphore, #tpu.memory_space<semaphore_mem>>)
        } else {
        }
        %eq3A_605 = arith.constant 1 : i32
        %eq3A_606 = arith.cmpi eq, %arg0, %eq3A_605 : i32
        %convert_element_type3A_607 = arith.extui %eq3A_606 : i1 to i32
        %cond3A_608 = arith.constant 0 : i32
        %cond3A_609 = arith.cmpi ne, %convert_element_type3A_607, %cond3A_608 : i32
        scf.if %cond3A_609 {
          %dma_start3A_610 = tpu.memref_slice %arg8[%select_n3A_581, %mul3A_599] : memref<2x1024xi32, #tpu.memory_space<vmem>> -> memref<1x128xi32, #tpu.memory_space<vmem>>
          %dma_start3A_611 = tpu.memref_squeeze %dma_start3A_610 : memref<1x128xi32, #tpu.memory_space<vmem>> -> memref<128xi32, #tpu.memory_space<vmem>>
          %dma_start3A_612 = arith.constant 0 : i32
          %dma_start3A_613 = arith.constant 0 : i32
          %dma_start3A_614 = tpu.memref_slice %arg3[%dma_start3A_612, %dma_start3A_613] : memref<50000x32xf32, #tpu.memory_space<hbm>> -> memref<50000x32xf32, #tpu.memory_space<hbm>>
          tpu.enqueue_indirect_dma source(%dma_start3A_614 : memref<50000x32xf32, #tpu.memory_space<hbm>>) target(%arg10 : memref<128x32xf32, #tpu.memory_space<vmem>>) offsets(%dma_start3A_611 : memref<128xi32, #tpu.memory_space<vmem>>) semaphore(%arg15 : memref<!tpu.dma_semaphore, #tpu.memory_space<semaphore_mem>>)
        } else {
        }
      } else {
      }
      %add3A_320 = arith.constant 1 : i32
      %add3A_321 = arith.addi %mul3A_174, %add3A_320 : i32
      %dma_wait3A_322 = arith.constant 0 : i32
      %dma_wait3A_323 = arith.constant 0 : i32
      %dma_wait3A_324 = tpu.memref_slice %arg8[%dma_wait3A_322, %dma_wait3A_323] : memref<2x1024xi32, #tpu.memory_space<vmem>> -> memref<1x128xi32, #tpu.memory_space<vmem>>
      %dma_wait3A_325 = tpu.memref_squeeze %dma_wait3A_324 : memref<1x128xi32, #tpu.memory_space<vmem>> -> memref<128xi32, #tpu.memory_space<vmem>>
      %dma_wait3A_326 = arith.constant 0 : i32
      %dma_wait3A_327 = arith.constant 0 : i32
      %dma_wait3A_328 = tpu.memref_slice %arg2[%dma_wait3A_326, %dma_wait3A_327] : memref<50000x32xf32, #tpu.memory_space<hbm>> -> memref<50000x32xf32, #tpu.memory_space<hbm>>
      tpu.wait_indirect_dma semaphore(%arg16 : memref<!tpu.dma_semaphore, #tpu.memory_space<semaphore_mem>>) src(%dma_wait3A_328 : memref<50000x32xf32, #tpu.memory_space<hbm>>) dst(%arg11 : memref<128x32xf32, #tpu.memory_space<vmem>>)
      %jit3A_329 = arith.constant 8 : i32
      %div3A_330 = arith.divsi %add3A_321, %jit3A_329 : i32
      %sign3A_331 = arith.constant 0 : i32
      %sign3A_332 = arith.cmpi sgt, %add3A_321, %sign3A_331 : i32
      %sign3A_333 = arith.extui %sign3A_332 : i1 to i32
      %sign3A_334 = arith.constant 0 : i32
      %sign3A_335 = arith.cmpi slt, %add3A_321, %sign3A_334 : i32
      %sign3A_336 = arith.extui %sign3A_335 : i1 to i32
      %sign3A_337 = arith.subi %sign3A_333, %sign3A_336 : i32
      %sign3A_338 = arith.constant 0 : i32
      %sign3A_339 = arith.cmpi sgt, %jit3A_329, %sign3A_338 : i32
      %sign3A_340 = arith.extui %sign3A_339 : i1 to i32
      %sign3A_341 = arith.constant 0 : i32
      %sign3A_342 = arith.cmpi slt, %jit3A_329, %sign3A_341 : i32
      %sign3A_343 = arith.extui %sign3A_342 : i1 to i32
      %sign3A_344 = arith.subi %sign3A_340, %sign3A_343 : i32
      %ne3A_345 = arith.cmpi ne, %sign3A_337, %sign3A_344 : i32
      %rem3A_346 = arith.remsi %add3A_321, %jit3A_329 : i32
      %ne3A_347 = arith.constant 0 : i32
      %ne3A_348 = arith.cmpi ne, %rem3A_346, %ne3A_347 : i32
      %and3A_349 = arith.andi %ne3A_345, %ne3A_348 : i1
      %sub3A_350 = arith.constant 1 : i32
      %sub3A_351 = arith.subi %div3A_330, %sub3A_350 : i32
      %select_n3A_352 = arith.select %and3A_349, %sub3A_351, %div3A_330 : i32
      %jit3A_353 = arith.constant 2 : i32
      %eq3A_354 = arith.constant 0 : i32
      %eq3A_355 = arith.cmpi eq, %jit3A_353, %eq3A_354 : i32
      %jit3A_356 = arith.constant 1 : i32
      %select_n3A_357 = arith.select %eq3A_355, %jit3A_356, %jit3A_353 : i32
      %rem3A_358 = arith.remsi %select_n3A_352, %select_n3A_357 : i32
      %ne3A_359 = arith.constant 0 : i32
      %ne3A_360 = arith.cmpi ne, %rem3A_358, %ne3A_359 : i32
      %lt3A_361 = arith.constant 0 : i32
      %lt3A_362 = arith.cmpi slt, %rem3A_358, %lt3A_361 : i32
      %lt3A_363 = arith.constant 0 : i32
      %lt3A_364 = arith.cmpi slt, %select_n3A_357, %lt3A_363 : i32
      %ne3A_365 = arith.xori %lt3A_362, %lt3A_364 : i1
      %and3A_366 = arith.andi %ne3A_365, %ne3A_360 : i1
      %add3A_367 = arith.addi %rem3A_358, %select_n3A_357 : i32
      %select_n3A_368 = arith.select %and3A_366, %add3A_367, %rem3A_358 : i32
      %jit3A_369 = arith.constant 8 : i32
      %eq3A_370 = arith.constant 0 : i32
      %eq3A_371 = arith.cmpi eq, %jit3A_369, %eq3A_370 : i32
      %jit3A_372 = arith.constant 1 : i32
      %select_n3A_373 = arith.select %eq3A_371, %jit3A_372, %jit3A_369 : i32
      %rem3A_374 = arith.remsi %add3A_321, %select_n3A_373 : i32
      %ne3A_375 = arith.constant 0 : i32
      %ne3A_376 = arith.cmpi ne, %rem3A_374, %ne3A_375 : i32
      %lt3A_377 = arith.constant 0 : i32
      %lt3A_378 = arith.cmpi slt, %rem3A_374, %lt3A_377 : i32
      %lt3A_379 = arith.constant 0 : i32
      %lt3A_380 = arith.cmpi slt, %select_n3A_373, %lt3A_379 : i32
      %ne3A_381 = arith.xori %lt3A_378, %lt3A_380 : i1
      %and3A_382 = arith.andi %ne3A_381, %ne3A_376 : i1
      %add3A_383 = arith.addi %rem3A_374, %select_n3A_373 : i32
      %select_n3A_384 = arith.select %and3A_382, %add3A_383, %rem3A_374 : i32
      %mul3A_385 = arith.constant 128 : i32
      %mul3A_386 = arith.muli %select_n3A_384, %mul3A_385 : i32
      "tpu.region"() ({
        %run_scoped3A = tpu.sem_alloc : memref<!tpu.dma_semaphore, #tpu.memory_space<semaphore_mem>>
        %dma_start3A_542 = tpu.memref_slice %arg9[%select_n3A_368, %mul3A_386] : memref<2x1024xi32, #tpu.memory_space<vmem>> -> memref<1x128xi32, #tpu.memory_space<vmem>>
        %dma_start3A_543 = tpu.memref_squeeze %dma_start3A_542 : memref<1x128xi32, #tpu.memory_space<vmem>> -> memref<128xi32, #tpu.memory_space<vmem>>
        %dma_start3A_544 = arith.constant 0 : i32
        %dma_start3A_545 = arith.constant 0 : i32
        %dma_start3A_546 = tpu.memref_slice %arg14[%dma_start3A_544, %dma_start3A_545] : memref<50304x32xf32, #tpu.memory_space<vmem_shared>> -> memref<50304x32xf32, #tpu.memory_space<vmem_shared>>
        tpu.enqueue_indirect_dma source(%arg11 : memref<128x32xf32, #tpu.memory_space<vmem>>) target(%dma_start3A_546 : memref<50304x32xf32, #tpu.memory_space<vmem_shared>>) offsets(%dma_start3A_543 : memref<128xi32, #tpu.memory_space<vmem>>) semaphore(%run_scoped3A : memref<!tpu.dma_semaphore, #tpu.memory_space<semaphore_mem>>) {add = true}
        %dma_wait3A_547 = tpu.memref_slice %arg9[%select_n3A_368, %mul3A_386] : memref<2x1024xi32, #tpu.memory_space<vmem>> -> memref<1x128xi32, #tpu.memory_space<vmem>>
        %dma_wait3A_548 = tpu.memref_squeeze %dma_wait3A_547 : memref<1x128xi32, #tpu.memory_space<vmem>> -> memref<128xi32, #tpu.memory_space<vmem>>
        %dma_wait3A_549 = arith.constant 0 : i32
        %dma_wait3A_550 = arith.constant 0 : i32
        %dma_wait3A_551 = tpu.memref_slice %arg14[%dma_wait3A_549, %dma_wait3A_550] : memref<50304x32xf32, #tpu.memory_space<vmem_shared>> -> memref<50304x32xf32, #tpu.memory_space<vmem_shared>>
        tpu.wait_indirect_dma semaphore(%run_scoped3A : memref<!tpu.dma_semaphore, #tpu.memory_space<semaphore_mem>>) src(%arg11 : memref<128x32xf32, #tpu.memory_space<vmem>>) dst(%dma_wait3A_551 : memref<50304x32xf32, #tpu.memory_space<vmem_shared>>)
        tpu.yield
      }) : () -> ()
      %add3A_387 = arith.constant 4 : i32
      %add3A_388 = arith.addi %add3A_321, %add3A_387 : i32
      %lt3A_389 = arith.constant 400 : i32
      %lt3A_390 = arith.cmpi slt, %add3A_388, %lt3A_389 : i32
      %convert_element_type3A_391 = arith.extui %lt3A_390 : i1 to i32
      %cond3A_392 = arith.constant 0 : i32
      %cond3A_393 = arith.cmpi ne, %convert_element_type3A_391, %cond3A_392 : i32
      scf.if %cond3A_393 {
        %jit3A_542 = arith.constant 8 : i32
        %div3A_543 = arith.divsi %add3A_388, %jit3A_542 : i32
        %sign3A_544 = arith.constant 0 : i32
        %sign3A_545 = arith.cmpi sgt, %add3A_388, %sign3A_544 : i32
        %sign3A_546 = arith.extui %sign3A_545 : i1 to i32
        %sign3A_547 = arith.constant 0 : i32
        %sign3A_548 = arith.cmpi slt, %add3A_388, %sign3A_547 : i32
        %sign3A_549 = arith.extui %sign3A_548 : i1 to i32
        %sign3A_550 = arith.subi %sign3A_546, %sign3A_549 : i32
        %sign3A_551 = arith.constant 0 : i32
        %sign3A_552 = arith.cmpi sgt, %jit3A_542, %sign3A_551 : i32
        %sign3A_553 = arith.extui %sign3A_552 : i1 to i32
        %sign3A_554 = arith.constant 0 : i32
        %sign3A_555 = arith.cmpi slt, %jit3A_542, %sign3A_554 : i32
        %sign3A_556 = arith.extui %sign3A_555 : i1 to i32
        %sign3A_557 = arith.subi %sign3A_553, %sign3A_556 : i32
        %ne3A_558 = arith.cmpi ne, %sign3A_550, %sign3A_557 : i32
        %rem3A_559 = arith.remsi %add3A_388, %jit3A_542 : i32
        %ne3A_560 = arith.constant 0 : i32
        %ne3A_561 = arith.cmpi ne, %rem3A_559, %ne3A_560 : i32
        %and3A_562 = arith.andi %ne3A_558, %ne3A_561 : i1
        %sub3A_563 = arith.constant 1 : i32
        %sub3A_564 = arith.subi %div3A_543, %sub3A_563 : i32
        %select_n3A_565 = arith.select %and3A_562, %sub3A_564, %div3A_543 : i32
        %jit3A_566 = arith.constant 2 : i32
        %eq3A_567 = arith.constant 0 : i32
        %eq3A_568 = arith.cmpi eq, %jit3A_566, %eq3A_567 : i32
        %jit3A_569 = arith.constant 1 : i32
        %select_n3A_570 = arith.select %eq3A_568, %jit3A_569, %jit3A_566 : i32
        %rem3A_571 = arith.remsi %select_n3A_565, %select_n3A_570 : i32
        %ne3A_572 = arith.constant 0 : i32
        %ne3A_573 = arith.cmpi ne, %rem3A_571, %ne3A_572 : i32
        %lt3A_574 = arith.constant 0 : i32
        %lt3A_575 = arith.cmpi slt, %rem3A_571, %lt3A_574 : i32
        %lt3A_576 = arith.constant 0 : i32
        %lt3A_577 = arith.cmpi slt, %select_n3A_570, %lt3A_576 : i32
        %ne3A_578 = arith.xori %lt3A_575, %lt3A_577 : i1
        %and3A_579 = arith.andi %ne3A_578, %ne3A_573 : i1
        %add3A_580 = arith.addi %rem3A_571, %select_n3A_570 : i32
        %select_n3A_581 = arith.select %and3A_579, %add3A_580, %rem3A_571 : i32
        %jit3A_582 = arith.constant 8 : i32
        %eq3A_583 = arith.constant 0 : i32
        %eq3A_584 = arith.cmpi eq, %jit3A_582, %eq3A_583 : i32
        %jit3A_585 = arith.constant 1 : i32
        %select_n3A_586 = arith.select %eq3A_584, %jit3A_585, %jit3A_582 : i32
        %rem3A_587 = arith.remsi %add3A_388, %select_n3A_586 : i32
        %ne3A_588 = arith.constant 0 : i32
        %ne3A_589 = arith.cmpi ne, %rem3A_587, %ne3A_588 : i32
        %lt3A_590 = arith.constant 0 : i32
        %lt3A_591 = arith.cmpi slt, %rem3A_587, %lt3A_590 : i32
        %lt3A_592 = arith.constant 0 : i32
        %lt3A_593 = arith.cmpi slt, %select_n3A_586, %lt3A_592 : i32
        %ne3A_594 = arith.xori %lt3A_591, %lt3A_593 : i1
        %and3A_595 = arith.andi %ne3A_594, %ne3A_589 : i1
        %add3A_596 = arith.addi %rem3A_587, %select_n3A_586 : i32
        %select_n3A_597 = arith.select %and3A_595, %add3A_596, %rem3A_587 : i32
        %mul3A_598 = arith.constant 128 : i32
        %mul3A_599 = arith.muli %select_n3A_597, %mul3A_598 : i32
        %eq3A_600 = arith.constant 0 : i32
        %eq3A_601 = arith.cmpi eq, %arg0, %eq3A_600 : i32
        %convert_element_type3A_602 = arith.extui %eq3A_601 : i1 to i32
        %cond3A_603 = arith.constant 0 : i32
        %cond3A_604 = arith.cmpi ne, %convert_element_type3A_602, %cond3A_603 : i32
        scf.if %cond3A_604 {
          %dma_start3A_610 = tpu.memref_slice %arg8[%select_n3A_581, %mul3A_599] : memref<2x1024xi32, #tpu.memory_space<vmem>> -> memref<1x128xi32, #tpu.memory_space<vmem>>
          %dma_start3A_611 = tpu.memref_squeeze %dma_start3A_610 : memref<1x128xi32, #tpu.memory_space<vmem>> -> memref<128xi32, #tpu.memory_space<vmem>>
          %dma_start3A_612 = arith.constant 0 : i32
          %dma_start3A_613 = arith.constant 0 : i32
          %dma_start3A_614 = tpu.memref_slice %arg2[%dma_start3A_612, %dma_start3A_613] : memref<50000x32xf32, #tpu.memory_space<hbm>> -> memref<50000x32xf32, #tpu.memory_space<hbm>>
          tpu.enqueue_indirect_dma source(%dma_start3A_614 : memref<50000x32xf32, #tpu.memory_space<hbm>>) target(%arg11 : memref<128x32xf32, #tpu.memory_space<vmem>>) offsets(%dma_start3A_611 : memref<128xi32, #tpu.memory_space<vmem>>) semaphore(%arg16 : memref<!tpu.dma_semaphore, #tpu.memory_space<semaphore_mem>>)
        } else {
        }
        %eq3A_605 = arith.constant 1 : i32
        %eq3A_606 = arith.cmpi eq, %arg0, %eq3A_605 : i32
        %convert_element_type3A_607 = arith.extui %eq3A_606 : i1 to i32
        %cond3A_608 = arith.constant 0 : i32
        %cond3A_609 = arith.cmpi ne, %convert_element_type3A_607, %cond3A_608 : i32
        scf.if %cond3A_609 {
          %dma_start3A_610 = tpu.memref_slice %arg8[%select_n3A_581, %mul3A_599] : memref<2x1024xi32, #tpu.memory_space<vmem>> -> memref<1x128xi32, #tpu.memory_space<vmem>>
          %dma_start3A_611 = tpu.memref_squeeze %dma_start3A_610 : memref<1x128xi32, #tpu.memory_space<vmem>> -> memref<128xi32, #tpu.memory_space<vmem>>
          %dma_start3A_612 = arith.constant 0 : i32
          %dma_start3A_613 = arith.constant 0 : i32
          %dma_start3A_614 = tpu.memref_slice %arg3[%dma_start3A_612, %dma_start3A_613] : memref<50000x32xf32, #tpu.memory_space<hbm>> -> memref<50000x32xf32, #tpu.memory_space<hbm>>
          tpu.enqueue_indirect_dma source(%dma_start3A_614 : memref<50000x32xf32, #tpu.memory_space<hbm>>) target(%arg11 : memref<128x32xf32, #tpu.memory_space<vmem>>) offsets(%dma_start3A_611 : memref<128xi32, #tpu.memory_space<vmem>>) semaphore(%arg16 : memref<!tpu.dma_semaphore, #tpu.memory_space<semaphore_mem>>)
        } else {
        }
      } else {
      }
      %add3A_394 = arith.constant 2 : i32
      %add3A_395 = arith.addi %mul3A_174, %add3A_394 : i32
      %dma_wait3A_396 = arith.constant 0 : i32
      %dma_wait3A_397 = arith.constant 0 : i32
      %dma_wait3A_398 = tpu.memref_slice %arg8[%dma_wait3A_396, %dma_wait3A_397] : memref<2x1024xi32, #tpu.memory_space<vmem>> -> memref<1x128xi32, #tpu.memory_space<vmem>>
      %dma_wait3A_399 = tpu.memref_squeeze %dma_wait3A_398 : memref<1x128xi32, #tpu.memory_space<vmem>> -> memref<128xi32, #tpu.memory_space<vmem>>
      %dma_wait3A_400 = arith.constant 0 : i32
      %dma_wait3A_401 = arith.constant 0 : i32
      %dma_wait3A_402 = tpu.memref_slice %arg2[%dma_wait3A_400, %dma_wait3A_401] : memref<50000x32xf32, #tpu.memory_space<hbm>> -> memref<50000x32xf32, #tpu.memory_space<hbm>>
      tpu.wait_indirect_dma semaphore(%arg17 : memref<!tpu.dma_semaphore, #tpu.memory_space<semaphore_mem>>) src(%dma_wait3A_402 : memref<50000x32xf32, #tpu.memory_space<hbm>>) dst(%arg12 : memref<128x32xf32, #tpu.memory_space<vmem>>)
      %jit3A_403 = arith.constant 8 : i32
      %div3A_404 = arith.divsi %add3A_395, %jit3A_403 : i32
      %sign3A_405 = arith.constant 0 : i32
      %sign3A_406 = arith.cmpi sgt, %add3A_395, %sign3A_405 : i32
      %sign3A_407 = arith.extui %sign3A_406 : i1 to i32
      %sign3A_408 = arith.constant 0 : i32
      %sign3A_409 = arith.cmpi slt, %add3A_395, %sign3A_408 : i32
      %sign3A_410 = arith.extui %sign3A_409 : i1 to i32
      %sign3A_411 = arith.subi %sign3A_407, %sign3A_410 : i32
      %sign3A_412 = arith.constant 0 : i32
      %sign3A_413 = arith.cmpi sgt, %jit3A_403, %sign3A_412 : i32
      %sign3A_414 = arith.extui %sign3A_413 : i1 to i32
      %sign3A_415 = arith.constant 0 : i32
      %sign3A_416 = arith.cmpi slt, %jit3A_403, %sign3A_415 : i32
      %sign3A_417 = arith.extui %sign3A_416 : i1 to i32
      %sign3A_418 = arith.subi %sign3A_414, %sign3A_417 : i32
      %ne3A_419 = arith.cmpi ne, %sign3A_411, %sign3A_418 : i32
      %rem3A_420 = arith.remsi %add3A_395, %jit3A_403 : i32
      %ne3A_421 = arith.constant 0 : i32
      %ne3A_422 = arith.cmpi ne, %rem3A_420, %ne3A_421 : i32
      %and3A_423 = arith.andi %ne3A_419, %ne3A_422 : i1
      %sub3A_424 = arith.constant 1 : i32
      %sub3A_425 = arith.subi %div3A_404, %sub3A_424 : i32
      %select_n3A_426 = arith.select %and3A_423, %sub3A_425, %div3A_404 : i32
      %jit3A_427 = arith.constant 2 : i32
      %eq3A_428 = arith.constant 0 : i32
      %eq3A_429 = arith.cmpi eq, %jit3A_427, %eq3A_428 : i32
      %jit3A_430 = arith.constant 1 : i32
      %select_n3A_431 = arith.select %eq3A_429, %jit3A_430, %jit3A_427 : i32
      %rem3A_432 = arith.remsi %select_n3A_426, %select_n3A_431 : i32
      %ne3A_433 = arith.constant 0 : i32
      %ne3A_434 = arith.cmpi ne, %rem3A_432, %ne3A_433 : i32
      %lt3A_435 = arith.constant 0 : i32
      %lt3A_436 = arith.cmpi slt, %rem3A_432, %lt3A_435 : i32
      %lt3A_437 = arith.constant 0 : i32
      %lt3A_438 = arith.cmpi slt, %select_n3A_431, %lt3A_437 : i32
      %ne3A_439 = arith.xori %lt3A_436, %lt3A_438 : i1
      %and3A_440 = arith.andi %ne3A_439, %ne3A_434 : i1
      %add3A_441 = arith.addi %rem3A_432, %select_n3A_431 : i32
      %select_n3A_442 = arith.select %and3A_440, %add3A_441, %rem3A_432 : i32
      %jit3A_443 = arith.constant 8 : i32
      %eq3A_444 = arith.constant 0 : i32
      %eq3A_445 = arith.cmpi eq, %jit3A_443, %eq3A_444 : i32
      %jit3A_446 = arith.constant 1 : i32
      %select_n3A_447 = arith.select %eq3A_445, %jit3A_446, %jit3A_443 : i32
      %rem3A_448 = arith.remsi %add3A_395, %select_n3A_447 : i32
      %ne3A_449 = arith.constant 0 : i32
      %ne3A_450 = arith.cmpi ne, %rem3A_448, %ne3A_449 : i32
      %lt3A_451 = arith.constant 0 : i32
      %lt3A_452 = arith.cmpi slt, %rem3A_448, %lt3A_451 : i32
      %lt3A_453 = arith.constant 0 : i32
      %lt3A_454 = arith.cmpi slt, %select_n3A_447, %lt3A_453 : i32
      %ne3A_455 = arith.xori %lt3A_452, %lt3A_454 : i1
      %and3A_456 = arith.andi %ne3A_455, %ne3A_450 : i1
      %add3A_457 = arith.addi %rem3A_448, %select_n3A_447 : i32
      %select_n3A_458 = arith.select %and3A_456, %add3A_457, %rem3A_448 : i32
      %mul3A_459 = arith.constant 128 : i32
      %mul3A_460 = arith.muli %select_n3A_458, %mul3A_459 : i32
      "tpu.region"() ({
        %run_scoped3A = tpu.sem_alloc : memref<!tpu.dma_semaphore, #tpu.memory_space<semaphore_mem>>
        %dma_start3A_542 = tpu.memref_slice %arg9[%select_n3A_442, %mul3A_460] : memref<2x1024xi32, #tpu.memory_space<vmem>> -> memref<1x128xi32, #tpu.memory_space<vmem>>
        %dma_start3A_543 = tpu.memref_squeeze %dma_start3A_542 : memref<1x128xi32, #tpu.memory_space<vmem>> -> memref<128xi32, #tpu.memory_space<vmem>>
        %dma_start3A_544 = arith.constant 0 : i32
        %dma_start3A_545 = arith.constant 0 : i32
        %dma_start3A_546 = tpu.memref_slice %arg14[%dma_start3A_544, %dma_start3A_545] : memref<50304x32xf32, #tpu.memory_space<vmem_shared>> -> memref<50304x32xf32, #tpu.memory_space<vmem_shared>>
        tpu.enqueue_indirect_dma source(%arg12 : memref<128x32xf32, #tpu.memory_space<vmem>>) target(%dma_start3A_546 : memref<50304x32xf32, #tpu.memory_space<vmem_shared>>) offsets(%dma_start3A_543 : memref<128xi32, #tpu.memory_space<vmem>>) semaphore(%run_scoped3A : memref<!tpu.dma_semaphore, #tpu.memory_space<semaphore_mem>>) {add = true}
        %dma_wait3A_547 = tpu.memref_slice %arg9[%select_n3A_442, %mul3A_460] : memref<2x1024xi32, #tpu.memory_space<vmem>> -> memref<1x128xi32, #tpu.memory_space<vmem>>
        %dma_wait3A_548 = tpu.memref_squeeze %dma_wait3A_547 : memref<1x128xi32, #tpu.memory_space<vmem>> -> memref<128xi32, #tpu.memory_space<vmem>>
        %dma_wait3A_549 = arith.constant 0 : i32
        %dma_wait3A_550 = arith.constant 0 : i32
        %dma_wait3A_551 = tpu.memref_slice %arg14[%dma_wait3A_549, %dma_wait3A_550] : memref<50304x32xf32, #tpu.memory_space<vmem_shared>> -> memref<50304x32xf32, #tpu.memory_space<vmem_shared>>
        tpu.wait_indirect_dma semaphore(%run_scoped3A : memref<!tpu.dma_semaphore, #tpu.memory_space<semaphore_mem>>) src(%arg12 : memref<128x32xf32, #tpu.memory_space<vmem>>) dst(%dma_wait3A_551 : memref<50304x32xf32, #tpu.memory_space<vmem_shared>>)
        tpu.yield
      }) : () -> ()
      %add3A_461 = arith.constant 4 : i32
      %add3A_462 = arith.addi %add3A_395, %add3A_461 : i32
      %lt3A_463 = arith.constant 400 : i32
      %lt3A_464 = arith.cmpi slt, %add3A_462, %lt3A_463 : i32
      %convert_element_type3A_465 = arith.extui %lt3A_464 : i1 to i32
      %cond3A_466 = arith.constant 0 : i32
      %cond3A_467 = arith.cmpi ne, %convert_element_type3A_465, %cond3A_466 : i32
      scf.if %cond3A_467 {
        %jit3A_542 = arith.constant 8 : i32
        %div3A_543 = arith.divsi %add3A_462, %jit3A_542 : i32
        %sign3A_544 = arith.constant 0 : i32
        %sign3A_545 = arith.cmpi sgt, %add3A_462, %sign3A_544 : i32
        %sign3A_546 = arith.extui %sign3A_545 : i1 to i32
        %sign3A_547 = arith.constant 0 : i32
        %sign3A_548 = arith.cmpi slt, %add3A_462, %sign3A_547 : i32
        %sign3A_549 = arith.extui %sign3A_548 : i1 to i32
        %sign3A_550 = arith.subi %sign3A_546, %sign3A_549 : i32
        %sign3A_551 = arith.constant 0 : i32
        %sign3A_552 = arith.cmpi sgt, %jit3A_542, %sign3A_551 : i32
        %sign3A_553 = arith.extui %sign3A_552 : i1 to i32
        %sign3A_554 = arith.constant 0 : i32
        %sign3A_555 = arith.cmpi slt, %jit3A_542, %sign3A_554 : i32
        %sign3A_556 = arith.extui %sign3A_555 : i1 to i32
        %sign3A_557 = arith.subi %sign3A_553, %sign3A_556 : i32
        %ne3A_558 = arith.cmpi ne, %sign3A_550, %sign3A_557 : i32
        %rem3A_559 = arith.remsi %add3A_462, %jit3A_542 : i32
        %ne3A_560 = arith.constant 0 : i32
        %ne3A_561 = arith.cmpi ne, %rem3A_559, %ne3A_560 : i32
        %and3A_562 = arith.andi %ne3A_558, %ne3A_561 : i1
        %sub3A_563 = arith.constant 1 : i32
        %sub3A_564 = arith.subi %div3A_543, %sub3A_563 : i32
        %select_n3A_565 = arith.select %and3A_562, %sub3A_564, %div3A_543 : i32
        %jit3A_566 = arith.constant 2 : i32
        %eq3A_567 = arith.constant 0 : i32
        %eq3A_568 = arith.cmpi eq, %jit3A_566, %eq3A_567 : i32
        %jit3A_569 = arith.constant 1 : i32
        %select_n3A_570 = arith.select %eq3A_568, %jit3A_569, %jit3A_566 : i32
        %rem3A_571 = arith.remsi %select_n3A_565, %select_n3A_570 : i32
        %ne3A_572 = arith.constant 0 : i32
        %ne3A_573 = arith.cmpi ne, %rem3A_571, %ne3A_572 : i32
        %lt3A_574 = arith.constant 0 : i32
        %lt3A_575 = arith.cmpi slt, %rem3A_571, %lt3A_574 : i32
        %lt3A_576 = arith.constant 0 : i32
        %lt3A_577 = arith.cmpi slt, %select_n3A_570, %lt3A_576 : i32
        %ne3A_578 = arith.xori %lt3A_575, %lt3A_577 : i1
        %and3A_579 = arith.andi %ne3A_578, %ne3A_573 : i1
        %add3A_580 = arith.addi %rem3A_571, %select_n3A_570 : i32
        %select_n3A_581 = arith.select %and3A_579, %add3A_580, %rem3A_571 : i32
        %jit3A_582 = arith.constant 8 : i32
        %eq3A_583 = arith.constant 0 : i32
        %eq3A_584 = arith.cmpi eq, %jit3A_582, %eq3A_583 : i32
        %jit3A_585 = arith.constant 1 : i32
        %select_n3A_586 = arith.select %eq3A_584, %jit3A_585, %jit3A_582 : i32
        %rem3A_587 = arith.remsi %add3A_462, %select_n3A_586 : i32
        %ne3A_588 = arith.constant 0 : i32
        %ne3A_589 = arith.cmpi ne, %rem3A_587, %ne3A_588 : i32
        %lt3A_590 = arith.constant 0 : i32
        %lt3A_591 = arith.cmpi slt, %rem3A_587, %lt3A_590 : i32
        %lt3A_592 = arith.constant 0 : i32
        %lt3A_593 = arith.cmpi slt, %select_n3A_586, %lt3A_592 : i32
        %ne3A_594 = arith.xori %lt3A_591, %lt3A_593 : i1
        %and3A_595 = arith.andi %ne3A_594, %ne3A_589 : i1
        %add3A_596 = arith.addi %rem3A_587, %select_n3A_586 : i32
        %select_n3A_597 = arith.select %and3A_595, %add3A_596, %rem3A_587 : i32
        %mul3A_598 = arith.constant 128 : i32
        %mul3A_599 = arith.muli %select_n3A_597, %mul3A_598 : i32
        %eq3A_600 = arith.constant 0 : i32
        %eq3A_601 = arith.cmpi eq, %arg0, %eq3A_600 : i32
        %convert_element_type3A_602 = arith.extui %eq3A_601 : i1 to i32
        %cond3A_603 = arith.constant 0 : i32
        %cond3A_604 = arith.cmpi ne, %convert_element_type3A_602, %cond3A_603 : i32
        scf.if %cond3A_604 {
          %dma_start3A_610 = tpu.memref_slice %arg8[%select_n3A_581, %mul3A_599] : memref<2x1024xi32, #tpu.memory_space<vmem>> -> memref<1x128xi32, #tpu.memory_space<vmem>>
          %dma_start3A_611 = tpu.memref_squeeze %dma_start3A_610 : memref<1x128xi32, #tpu.memory_space<vmem>> -> memref<128xi32, #tpu.memory_space<vmem>>
          %dma_start3A_612 = arith.constant 0 : i32
          %dma_start3A_613 = arith.constant 0 : i32
          %dma_start3A_614 = tpu.memref_slice %arg2[%dma_start3A_612, %dma_start3A_613] : memref<50000x32xf32, #tpu.memory_space<hbm>> -> memref<50000x32xf32, #tpu.memory_space<hbm>>
          tpu.enqueue_indirect_dma source(%dma_start3A_614 : memref<50000x32xf32, #tpu.memory_space<hbm>>) target(%arg12 : memref<128x32xf32, #tpu.memory_space<vmem>>) offsets(%dma_start3A_611 : memref<128xi32, #tpu.memory_space<vmem>>) semaphore(%arg17 : memref<!tpu.dma_semaphore, #tpu.memory_space<semaphore_mem>>)
        } else {
        }
        %eq3A_605 = arith.constant 1 : i32
        %eq3A_606 = arith.cmpi eq, %arg0, %eq3A_605 : i32
        %convert_element_type3A_607 = arith.extui %eq3A_606 : i1 to i32
        %cond3A_608 = arith.constant 0 : i32
        %cond3A_609 = arith.cmpi ne, %convert_element_type3A_607, %cond3A_608 : i32
        scf.if %cond3A_609 {
          %dma_start3A_610 = tpu.memref_slice %arg8[%select_n3A_581, %mul3A_599] : memref<2x1024xi32, #tpu.memory_space<vmem>> -> memref<1x128xi32, #tpu.memory_space<vmem>>
          %dma_start3A_611 = tpu.memref_squeeze %dma_start3A_610 : memref<1x128xi32, #tpu.memory_space<vmem>> -> memref<128xi32, #tpu.memory_space<vmem>>
          %dma_start3A_612 = arith.constant 0 : i32
          %dma_start3A_613 = arith.constant 0 : i32
          %dma_start3A_614 = tpu.memref_slice %arg3[%dma_start3A_612, %dma_start3A_613] : memref<50000x32xf32, #tpu.memory_space<hbm>> -> memref<50000x32xf32, #tpu.memory_space<hbm>>
          tpu.enqueue_indirect_dma source(%dma_start3A_614 : memref<50000x32xf32, #tpu.memory_space<hbm>>) target(%arg12 : memref<128x32xf32, #tpu.memory_space<vmem>>) offsets(%dma_start3A_611 : memref<128xi32, #tpu.memory_space<vmem>>) semaphore(%arg17 : memref<!tpu.dma_semaphore, #tpu.memory_space<semaphore_mem>>)
        } else {
        }
      } else {
      }
      %add3A_468 = arith.constant 3 : i32
      %add3A_469 = arith.addi %mul3A_174, %add3A_468 : i32
      %dma_wait3A_470 = arith.constant 0 : i32
      %dma_wait3A_471 = arith.constant 0 : i32
      %dma_wait3A_472 = tpu.memref_slice %arg8[%dma_wait3A_470, %dma_wait3A_471] : memref<2x1024xi32, #tpu.memory_space<vmem>> -> memref<1x128xi32, #tpu.memory_space<vmem>>
      %dma_wait3A_473 = tpu.memref_squeeze %dma_wait3A_472 : memref<1x128xi32, #tpu.memory_space<vmem>> -> memref<128xi32, #tpu.memory_space<vmem>>
      %dma_wait3A_474 = arith.constant 0 : i32
      %dma_wait3A_475 = arith.constant 0 : i32
      %dma_wait3A_476 = tpu.memref_slice %arg2[%dma_wait3A_474, %dma_wait3A_475] : memref<50000x32xf32, #tpu.memory_space<hbm>> -> memref<50000x32xf32, #tpu.memory_space<hbm>>
      tpu.wait_indirect_dma semaphore(%arg18 : memref<!tpu.dma_semaphore, #tpu.memory_space<semaphore_mem>>) src(%dma_wait3A_476 : memref<50000x32xf32, #tpu.memory_space<hbm>>) dst(%arg13 : memref<128x32xf32, #tpu.memory_space<vmem>>)
      %jit3A_477 = arith.constant 8 : i32
      %div3A_478 = arith.divsi %add3A_469, %jit3A_477 : i32
      %sign3A_479 = arith.constant 0 : i32
      %sign3A_480 = arith.cmpi sgt, %add3A_469, %sign3A_479 : i32
      %sign3A_481 = arith.extui %sign3A_480 : i1 to i32
      %sign3A_482 = arith.constant 0 : i32
      %sign3A_483 = arith.cmpi slt, %add3A_469, %sign3A_482 : i32
      %sign3A_484 = arith.extui %sign3A_483 : i1 to i32
      %sign3A_485 = arith.subi %sign3A_481, %sign3A_484 : i32
      %sign3A_486 = arith.constant 0 : i32
      %sign3A_487 = arith.cmpi sgt, %jit3A_477, %sign3A_486 : i32
      %sign3A_488 = arith.extui %sign3A_487 : i1 to i32
      %sign3A_489 = arith.constant 0 : i32
      %sign3A_490 = arith.cmpi slt, %jit3A_477, %sign3A_489 : i32
      %sign3A_491 = arith.extui %sign3A_490 : i1 to i32
      %sign3A_492 = arith.subi %sign3A_488, %sign3A_491 : i32
      %ne3A_493 = arith.cmpi ne, %sign3A_485, %sign3A_492 : i32
      %rem3A_494 = arith.remsi %add3A_469, %jit3A_477 : i32
      %ne3A_495 = arith.constant 0 : i32
      %ne3A_496 = arith.cmpi ne, %rem3A_494, %ne3A_495 : i32
      %and3A_497 = arith.andi %ne3A_493, %ne3A_496 : i1
      %sub3A_498 = arith.constant 1 : i32
      %sub3A_499 = arith.subi %div3A_478, %sub3A_498 : i32
      %select_n3A_500 = arith.select %and3A_497, %sub3A_499, %div3A_478 : i32
      %jit3A_501 = arith.constant 2 : i32
      %eq3A_502 = arith.constant 0 : i32
      %eq3A_503 = arith.cmpi eq, %jit3A_501, %eq3A_502 : i32
      %jit3A_504 = arith.constant 1 : i32
      %select_n3A_505 = arith.select %eq3A_503, %jit3A_504, %jit3A_501 : i32
      %rem3A_506 = arith.remsi %select_n3A_500, %select_n3A_505 : i32
      %ne3A_507 = arith.constant 0 : i32
      %ne3A_508 = arith.cmpi ne, %rem3A_506, %ne3A_507 : i32
      %lt3A_509 = arith.constant 0 : i32
      %lt3A_510 = arith.cmpi slt, %rem3A_506, %lt3A_509 : i32
      %lt3A_511 = arith.constant 0 : i32
      %lt3A_512 = arith.cmpi slt, %select_n3A_505, %lt3A_511 : i32
      %ne3A_513 = arith.xori %lt3A_510, %lt3A_512 : i1
      %and3A_514 = arith.andi %ne3A_513, %ne3A_508 : i1
      %add3A_515 = arith.addi %rem3A_506, %select_n3A_505 : i32
      %select_n3A_516 = arith.select %and3A_514, %add3A_515, %rem3A_506 : i32
      %jit3A_517 = arith.constant 8 : i32
      %eq3A_518 = arith.constant 0 : i32
      %eq3A_519 = arith.cmpi eq, %jit3A_517, %eq3A_518 : i32
      %jit3A_520 = arith.constant 1 : i32
      %select_n3A_521 = arith.select %eq3A_519, %jit3A_520, %jit3A_517 : i32
      %rem3A_522 = arith.remsi %add3A_469, %select_n3A_521 : i32
      %ne3A_523 = arith.constant 0 : i32
      %ne3A_524 = arith.cmpi ne, %rem3A_522, %ne3A_523 : i32
      %lt3A_525 = arith.constant 0 : i32
      %lt3A_526 = arith.cmpi slt, %rem3A_522, %lt3A_525 : i32
      %lt3A_527 = arith.constant 0 : i32
      %lt3A_528 = arith.cmpi slt, %select_n3A_521, %lt3A_527 : i32
      %ne3A_529 = arith.xori %lt3A_526, %lt3A_528 : i1
      %and3A_530 = arith.andi %ne3A_529, %ne3A_524 : i1
      %add3A_531 = arith.addi %rem3A_522, %select_n3A_521 : i32
      %select_n3A_532 = arith.select %and3A_530, %add3A_531, %rem3A_522 : i32
      %mul3A_533 = arith.constant 128 : i32
      %mul3A_534 = arith.muli %select_n3A_532, %mul3A_533 : i32
      "tpu.region"() ({
        %run_scoped3A = tpu.sem_alloc : memref<!tpu.dma_semaphore, #tpu.memory_space<semaphore_mem>>
        %dma_start3A_542 = tpu.memref_slice %arg9[%select_n3A_516, %mul3A_534] : memref<2x1024xi32, #tpu.memory_space<vmem>> -> memref<1x128xi32, #tpu.memory_space<vmem>>
        %dma_start3A_543 = tpu.memref_squeeze %dma_start3A_542 : memref<1x128xi32, #tpu.memory_space<vmem>> -> memref<128xi32, #tpu.memory_space<vmem>>
        %dma_start3A_544 = arith.constant 0 : i32
        %dma_start3A_545 = arith.constant 0 : i32
        %dma_start3A_546 = tpu.memref_slice %arg14[%dma_start3A_544, %dma_start3A_545] : memref<50304x32xf32, #tpu.memory_space<vmem_shared>> -> memref<50304x32xf32, #tpu.memory_space<vmem_shared>>
        tpu.enqueue_indirect_dma source(%arg13 : memref<128x32xf32, #tpu.memory_space<vmem>>) target(%dma_start3A_546 : memref<50304x32xf32, #tpu.memory_space<vmem_shared>>) offsets(%dma_start3A_543 : memref<128xi32, #tpu.memory_space<vmem>>) semaphore(%run_scoped3A : memref<!tpu.dma_semaphore, #tpu.memory_space<semaphore_mem>>) {add = true}
        %dma_wait3A_547 = tpu.memref_slice %arg9[%select_n3A_516, %mul3A_534] : memref<2x1024xi32, #tpu.memory_space<vmem>> -> memref<1x128xi32, #tpu.memory_space<vmem>>
        %dma_wait3A_548 = tpu.memref_squeeze %dma_wait3A_547 : memref<1x128xi32, #tpu.memory_space<vmem>> -> memref<128xi32, #tpu.memory_space<vmem>>
        %dma_wait3A_549 = arith.constant 0 : i32
        %dma_wait3A_550 = arith.constant 0 : i32
        %dma_wait3A_551 = tpu.memref_slice %arg14[%dma_wait3A_549, %dma_wait3A_550] : memref<50304x32xf32, #tpu.memory_space<vmem_shared>> -> memref<50304x32xf32, #tpu.memory_space<vmem_shared>>
        tpu.wait_indirect_dma semaphore(%run_scoped3A : memref<!tpu.dma_semaphore, #tpu.memory_space<semaphore_mem>>) src(%arg13 : memref<128x32xf32, #tpu.memory_space<vmem>>) dst(%dma_wait3A_551 : memref<50304x32xf32, #tpu.memory_space<vmem_shared>>)
        tpu.yield
      }) : () -> ()
      %add3A_535 = arith.constant 4 : i32
      %add3A_536 = arith.addi %add3A_469, %add3A_535 : i32
      %lt3A_537 = arith.constant 400 : i32
      %lt3A_538 = arith.cmpi slt, %add3A_536, %lt3A_537 : i32
      %convert_element_type3A_539 = arith.extui %lt3A_538 : i1 to i32
      %cond3A_540 = arith.constant 0 : i32
      %cond3A_541 = arith.cmpi ne, %convert_element_type3A_539, %cond3A_540 : i32
      scf.if %cond3A_541 {
        %jit3A_542 = arith.constant 8 : i32
        %div3A_543 = arith.divsi %add3A_536, %jit3A_542 : i32
        %sign3A_544 = arith.constant 0 : i32
        %sign3A_545 = arith.cmpi sgt, %add3A_536, %sign3A_544 : i32
        %sign3A_546 = arith.extui %sign3A_545 : i1 to i32
        %sign3A_547 = arith.constant 0 : i32
        %sign3A_548 = arith.cmpi slt, %add3A_536, %sign3A_547 : i32
        %sign3A_549 = arith.extui %sign3A_548 : i1 to i32
        %sign3A_550 = arith.subi %sign3A_546, %sign3A_549 : i32
        %sign3A_551 = arith.constant 0 : i32
        %sign3A_552 = arith.cmpi sgt, %jit3A_542, %sign3A_551 : i32
        %sign3A_553 = arith.extui %sign3A_552 : i1 to i32
        %sign3A_554 = arith.constant 0 : i32
        %sign3A_555 = arith.cmpi slt, %jit3A_542, %sign3A_554 : i32
        %sign3A_556 = arith.extui %sign3A_555 : i1 to i32
        %sign3A_557 = arith.subi %sign3A_553, %sign3A_556 : i32
        %ne3A_558 = arith.cmpi ne, %sign3A_550, %sign3A_557 : i32
        %rem3A_559 = arith.remsi %add3A_536, %jit3A_542 : i32
        %ne3A_560 = arith.constant 0 : i32
        %ne3A_561 = arith.cmpi ne, %rem3A_559, %ne3A_560 : i32
        %and3A_562 = arith.andi %ne3A_558, %ne3A_561 : i1
        %sub3A_563 = arith.constant 1 : i32
        %sub3A_564 = arith.subi %div3A_543, %sub3A_563 : i32
        %select_n3A_565 = arith.select %and3A_562, %sub3A_564, %div3A_543 : i32
        %jit3A_566 = arith.constant 2 : i32
        %eq3A_567 = arith.constant 0 : i32
        %eq3A_568 = arith.cmpi eq, %jit3A_566, %eq3A_567 : i32
        %jit3A_569 = arith.constant 1 : i32
        %select_n3A_570 = arith.select %eq3A_568, %jit3A_569, %jit3A_566 : i32
        %rem3A_571 = arith.remsi %select_n3A_565, %select_n3A_570 : i32
        %ne3A_572 = arith.constant 0 : i32
        %ne3A_573 = arith.cmpi ne, %rem3A_571, %ne3A_572 : i32
        %lt3A_574 = arith.constant 0 : i32
        %lt3A_575 = arith.cmpi slt, %rem3A_571, %lt3A_574 : i32
        %lt3A_576 = arith.constant 0 : i32
        %lt3A_577 = arith.cmpi slt, %select_n3A_570, %lt3A_576 : i32
        %ne3A_578 = arith.xori %lt3A_575, %lt3A_577 : i1
        %and3A_579 = arith.andi %ne3A_578, %ne3A_573 : i1
        %add3A_580 = arith.addi %rem3A_571, %select_n3A_570 : i32
        %select_n3A_581 = arith.select %and3A_579, %add3A_580, %rem3A_571 : i32
        %jit3A_582 = arith.constant 8 : i32
        %eq3A_583 = arith.constant 0 : i32
        %eq3A_584 = arith.cmpi eq, %jit3A_582, %eq3A_583 : i32
        %jit3A_585 = arith.constant 1 : i32
        %select_n3A_586 = arith.select %eq3A_584, %jit3A_585, %jit3A_582 : i32
        %rem3A_587 = arith.remsi %add3A_536, %select_n3A_586 : i32
        %ne3A_588 = arith.constant 0 : i32
        %ne3A_589 = arith.cmpi ne, %rem3A_587, %ne3A_588 : i32
        %lt3A_590 = arith.constant 0 : i32
        %lt3A_591 = arith.cmpi slt, %rem3A_587, %lt3A_590 : i32
        %lt3A_592 = arith.constant 0 : i32
        %lt3A_593 = arith.cmpi slt, %select_n3A_586, %lt3A_592 : i32
        %ne3A_594 = arith.xori %lt3A_591, %lt3A_593 : i1
        %and3A_595 = arith.andi %ne3A_594, %ne3A_589 : i1
        %add3A_596 = arith.addi %rem3A_587, %select_n3A_586 : i32
        %select_n3A_597 = arith.select %and3A_595, %add3A_596, %rem3A_587 : i32
        %mul3A_598 = arith.constant 128 : i32
        %mul3A_599 = arith.muli %select_n3A_597, %mul3A_598 : i32
        %eq3A_600 = arith.constant 0 : i32
        %eq3A_601 = arith.cmpi eq, %arg0, %eq3A_600 : i32
        %convert_element_type3A_602 = arith.extui %eq3A_601 : i1 to i32
        %cond3A_603 = arith.constant 0 : i32
        %cond3A_604 = arith.cmpi ne, %convert_element_type3A_602, %cond3A_603 : i32
        scf.if %cond3A_604 {
          %dma_start3A_610 = tpu.memref_slice %arg8[%select_n3A_581, %mul3A_599] : memref<2x1024xi32, #tpu.memory_space<vmem>> -> memref<1x128xi32, #tpu.memory_space<vmem>>
          %dma_start3A_611 = tpu.memref_squeeze %dma_start3A_610 : memref<1x128xi32, #tpu.memory_space<vmem>> -> memref<128xi32, #tpu.memory_space<vmem>>
          %dma_start3A_612 = arith.constant 0 : i32
          %dma_start3A_613 = arith.constant 0 : i32
          %dma_start3A_614 = tpu.memref_slice %arg2[%dma_start3A_612, %dma_start3A_613] : memref<50000x32xf32, #tpu.memory_space<hbm>> -> memref<50000x32xf32, #tpu.memory_space<hbm>>
          tpu.enqueue_indirect_dma source(%dma_start3A_614 : memref<50000x32xf32, #tpu.memory_space<hbm>>) target(%arg13 : memref<128x32xf32, #tpu.memory_space<vmem>>) offsets(%dma_start3A_611 : memref<128xi32, #tpu.memory_space<vmem>>) semaphore(%arg18 : memref<!tpu.dma_semaphore, #tpu.memory_space<semaphore_mem>>)
        } else {
        }
        %eq3A_605 = arith.constant 1 : i32
        %eq3A_606 = arith.cmpi eq, %arg0, %eq3A_605 : i32
        %convert_element_type3A_607 = arith.extui %eq3A_606 : i1 to i32
        %cond3A_608 = arith.constant 0 : i32
        %cond3A_609 = arith.cmpi ne, %convert_element_type3A_607, %cond3A_608 : i32
        scf.if %cond3A_609 {
          %dma_start3A_610 = tpu.memref_slice %arg8[%select_n3A_581, %mul3A_599] : memref<2x1024xi32, #tpu.memory_space<vmem>> -> memref<1x128xi32, #tpu.memory_space<vmem>>
          %dma_start3A_611 = tpu.memref_squeeze %dma_start3A_610 : memref<1x128xi32, #tpu.memory_space<vmem>> -> memref<128xi32, #tpu.memory_space<vmem>>
          %dma_start3A_612 = arith.constant 0 : i32
          %dma_start3A_613 = arith.constant 0 : i32
          %dma_start3A_614 = tpu.memref_slice %arg3[%dma_start3A_612, %dma_start3A_613] : memref<50000x32xf32, #tpu.memory_space<hbm>> -> memref<50000x32xf32, #tpu.memory_space<hbm>>
          tpu.enqueue_indirect_dma source(%dma_start3A_614 : memref<50000x32xf32, #tpu.memory_space<hbm>>) target(%arg13 : memref<128x32xf32, #tpu.memory_space<vmem>>) offsets(%dma_start3A_611 : memref<128xi32, #tpu.memory_space<vmem>>) semaphore(%arg18 : memref<!tpu.dma_semaphore, #tpu.memory_space<semaphore_mem>>)
        } else {
        }
      } else {
      }
    }
    %scan3A_139 = arith.constant 100 : i32
    %barrier3A_140 = arith.constant 0 : index
    tpu.barrier barrier_id(%barrier3A_140)
    %eq3A_141 = arith.constant 0 : i32
    %eq3A_142 = arith.cmpi eq, %arg0, %eq3A_141 : i32
    %lt3A_143 = arith.constant 15 : i32
    %lt3A_144 = arith.cmpi slt, %arg1, %lt3A_143 : i32
    %and3A = arith.andi %eq3A_142, %lt3A_144 : i1
    %convert_element_type3A_145 = arith.extui %and3A : i1 to i32
    %cond3A_146 = arith.constant 0 : i32
    %cond3A_147 = arith.cmpi ne, %convert_element_type3A_145, %cond3A_146 : i32
    scf.if %cond3A_147 {
      %mul3A_172 = arith.constant 3128 : i32
      %mul3A_173 = arith.muli %arg1, %mul3A_172 : i32
      %mul3A_174 = arith.constant 3128 : i32
      %mul3A_175 = arith.muli %arg1, %mul3A_174 : i32
      "tpu.region"() ({
        %run_scoped3A = tpu.sem_alloc : memref<!tpu.dma_semaphore, #tpu.memory_space<semaphore_mem>>
        %dma_start3A_176 = arith.constant 0 : i32
        %dma_start3A_177 = tpu.memref_slice %arg6[%mul3A_175, %dma_start3A_176] : memref<50000x32xf32, #tpu.memory_space<hbm>> -> memref<3128x32xf32, #tpu.memory_space<hbm>>
        %dma_start3A_178 = arith.constant 0 : i32
        %dma_start3A_179 = tpu.memref_slice %arg14[%mul3A_173, %dma_start3A_178] : memref<50304x32xf32, #tpu.memory_space<vmem_shared>> -> memref<3128x32xf32, #tpu.memory_space<vmem_shared>>
        tpu.enqueue_dma source(%dma_start3A_179 : memref<3128x32xf32, #tpu.memory_space<vmem_shared>>) target(%dma_start3A_177 : memref<3128x32xf32, #tpu.memory_space<hbm>>) target_semaphore(%run_scoped3A : memref<!tpu.dma_semaphore, #tpu.memory_space<semaphore_mem>>)
        %dma_wait3A_180 = arith.constant 0 : i32
        %dma_wait3A_181 = tpu.memref_slice %arg6[%mul3A_175, %dma_wait3A_180] : memref<50000x32xf32, #tpu.memory_space<hbm>> -> memref<3128x32xf32, #tpu.memory_space<hbm>>
        %dma_wait3A_182 = arith.constant 0 : i32
        %dma_wait3A_183 = tpu.memref_slice %arg14[%mul3A_173, %dma_wait3A_182] : memref<50304x32xf32, #tpu.memory_space<vmem_shared>> -> memref<3128x32xf32, #tpu.memory_space<vmem_shared>>
        tpu.wait_dma2 semaphore(%run_scoped3A : memref<!tpu.dma_semaphore, #tpu.memory_space<semaphore_mem>>) src(%dma_wait3A_183 : memref<3128x32xf32, #tpu.memory_space<vmem_shared>>) dst(%dma_wait3A_181 : memref<3128x32xf32, #tpu.memory_space<hbm>>)
        tpu.yield
      }) : () -> ()
    } else {
    }
    %eq3A_148 = arith.constant 0 : i32
    %eq3A_149 = arith.cmpi eq, %arg0, %eq3A_148 : i32
    %eq3A_150 = arith.constant 15 : i32
    %eq3A_151 = arith.cmpi eq, %arg1, %eq3A_150 : i32
    %and3A_152 = arith.andi %eq3A_149, %eq3A_151 : i1
    %convert_element_type3A_153 = arith.extui %and3A_152 : i1 to i32
    %cond3A_154 = arith.constant 0 : i32
    %cond3A_155 = arith.cmpi ne, %convert_element_type3A_153, %cond3A_154 : i32
    scf.if %cond3A_155 {
      %mul3A_172 = arith.constant 3128 : i32
      %mul3A_173 = arith.muli %arg1, %mul3A_172 : i32
      %mul3A_174 = arith.constant 3128 : i32
      %mul3A_175 = arith.muli %arg1, %mul3A_174 : i32
      "tpu.region"() ({
        %run_scoped3A = tpu.sem_alloc : memref<!tpu.dma_semaphore, #tpu.memory_space<semaphore_mem>>
        %dma_start3A_176 = arith.constant 0 : i32
        %dma_start3A_177 = tpu.memref_slice %arg6[%mul3A_175, %dma_start3A_176] : memref<50000x32xf32, #tpu.memory_space<hbm>> -> memref<3080x32xf32, #tpu.memory_space<hbm>>
        %dma_start3A_178 = arith.constant 0 : i32
        %dma_start3A_179 = tpu.memref_slice %arg14[%mul3A_173, %dma_start3A_178] : memref<50304x32xf32, #tpu.memory_space<vmem_shared>> -> memref<3080x32xf32, #tpu.memory_space<vmem_shared>>
        tpu.enqueue_dma source(%dma_start3A_179 : memref<3080x32xf32, #tpu.memory_space<vmem_shared>>) target(%dma_start3A_177 : memref<3080x32xf32, #tpu.memory_space<hbm>>) target_semaphore(%run_scoped3A : memref<!tpu.dma_semaphore, #tpu.memory_space<semaphore_mem>>)
        %dma_wait3A_180 = arith.constant 0 : i32
        %dma_wait3A_181 = tpu.memref_slice %arg6[%mul3A_175, %dma_wait3A_180] : memref<50000x32xf32, #tpu.memory_space<hbm>> -> memref<3080x32xf32, #tpu.memory_space<hbm>>
        %dma_wait3A_182 = arith.constant 0 : i32
        %dma_wait3A_183 = tpu.memref_slice %arg14[%mul3A_173, %dma_wait3A_182] : memref<50304x32xf32, #tpu.memory_space<vmem_shared>> -> memref<3080x32xf32, #tpu.memory_space<vmem_shared>>
        tpu.wait_dma2 semaphore(%run_scoped3A : memref<!tpu.dma_semaphore, #tpu.memory_space<semaphore_mem>>) src(%dma_wait3A_183 : memref<3080x32xf32, #tpu.memory_space<vmem_shared>>) dst(%dma_wait3A_181 : memref<3080x32xf32, #tpu.memory_space<hbm>>)
        tpu.yield
      }) : () -> ()
    } else {
    }
    %eq3A_156 = arith.constant 1 : i32
    %eq3A_157 = arith.cmpi eq, %arg0, %eq3A_156 : i32
    %lt3A_158 = arith.constant 15 : i32
    %lt3A_159 = arith.cmpi slt, %arg1, %lt3A_158 : i32
    %and3A_160 = arith.andi %eq3A_157, %lt3A_159 : i1
    %convert_element_type3A_161 = arith.extui %and3A_160 : i1 to i32
    %cond3A_162 = arith.constant 0 : i32
    %cond3A_163 = arith.cmpi ne, %convert_element_type3A_161, %cond3A_162 : i32
    scf.if %cond3A_163 {
      %mul3A_172 = arith.constant 3128 : i32
      %mul3A_173 = arith.muli %arg1, %mul3A_172 : i32
      %mul3A_174 = arith.constant 3128 : i32
      %mul3A_175 = arith.muli %arg1, %mul3A_174 : i32
      "tpu.region"() ({
        %run_scoped3A = tpu.sem_alloc : memref<!tpu.dma_semaphore, #tpu.memory_space<semaphore_mem>>
        %dma_start3A_176 = arith.constant 0 : i32
        %dma_start3A_177 = tpu.memref_slice %arg7[%mul3A_175, %dma_start3A_176] : memref<50000x32xf32, #tpu.memory_space<hbm>> -> memref<3128x32xf32, #tpu.memory_space<hbm>>
        %dma_start3A_178 = arith.constant 0 : i32
        %dma_start3A_179 = tpu.memref_slice %arg14[%mul3A_173, %dma_start3A_178] : memref<50304x32xf32, #tpu.memory_space<vmem_shared>> -> memref<3128x32xf32, #tpu.memory_space<vmem_shared>>
        tpu.enqueue_dma source(%dma_start3A_179 : memref<3128x32xf32, #tpu.memory_space<vmem_shared>>) target(%dma_start3A_177 : memref<3128x32xf32, #tpu.memory_space<hbm>>) target_semaphore(%run_scoped3A : memref<!tpu.dma_semaphore, #tpu.memory_space<semaphore_mem>>)
        %dma_wait3A_180 = arith.constant 0 : i32
        %dma_wait3A_181 = tpu.memref_slice %arg7[%mul3A_175, %dma_wait3A_180] : memref<50000x32xf32, #tpu.memory_space<hbm>> -> memref<3128x32xf32, #tpu.memory_space<hbm>>
        %dma_wait3A_182 = arith.constant 0 : i32
        %dma_wait3A_183 = tpu.memref_slice %arg14[%mul3A_173, %dma_wait3A_182] : memref<50304x32xf32, #tpu.memory_space<vmem_shared>> -> memref<3128x32xf32, #tpu.memory_space<vmem_shared>>
        tpu.wait_dma2 semaphore(%run_scoped3A : memref<!tpu.dma_semaphore, #tpu.memory_space<semaphore_mem>>) src(%dma_wait3A_183 : memref<3128x32xf32, #tpu.memory_space<vmem_shared>>) dst(%dma_wait3A_181 : memref<3128x32xf32, #tpu.memory_space<hbm>>)
        tpu.yield
      }) : () -> ()
    } else {
    }
    %eq3A_164 = arith.constant 1 : i32
    %eq3A_165 = arith.cmpi eq, %arg0, %eq3A_164 : i32
    %eq3A_166 = arith.constant 15 : i32
    %eq3A_167 = arith.cmpi eq, %arg1, %eq3A_166 : i32
    %and3A_168 = arith.andi %eq3A_165, %eq3A_167 : i1
    %convert_element_type3A_169 = arith.extui %and3A_168 : i1 to i32
    %cond3A_170 = arith.constant 0 : i32
    %cond3A_171 = arith.cmpi ne, %convert_element_type3A_169, %cond3A_170 : i32
    scf.if %cond3A_171 {
      %mul3A_172 = arith.constant 3128 : i32
      %mul3A_173 = arith.muli %arg1, %mul3A_172 : i32
      %mul3A_174 = arith.constant 3128 : i32
      %mul3A_175 = arith.muli %arg1, %mul3A_174 : i32
      "tpu.region"() ({
        %run_scoped3A = tpu.sem_alloc : memref<!tpu.dma_semaphore, #tpu.memory_space<semaphore_mem>>
        %dma_start3A_176 = arith.constant 0 : i32
        %dma_start3A_177 = tpu.memref_slice %arg7[%mul3A_175, %dma_start3A_176] : memref<50000x32xf32, #tpu.memory_space<hbm>> -> memref<3080x32xf32, #tpu.memory_space<hbm>>
        %dma_start3A_178 = arith.constant 0 : i32
        %dma_start3A_179 = tpu.memref_slice %arg14[%mul3A_173, %dma_start3A_178] : memref<50304x32xf32, #tpu.memory_space<vmem_shared>> -> memref<3080x32xf32, #tpu.memory_space<vmem_shared>>
        tpu.enqueue_dma source(%dma_start3A_179 : memref<3080x32xf32, #tpu.memory_space<vmem_shared>>) target(%dma_start3A_177 : memref<3080x32xf32, #tpu.memory_space<hbm>>) target_semaphore(%run_scoped3A : memref<!tpu.dma_semaphore, #tpu.memory_space<semaphore_mem>>)
        %dma_wait3A_180 = arith.constant 0 : i32
        %dma_wait3A_181 = tpu.memref_slice %arg7[%mul3A_175, %dma_wait3A_180] : memref<50000x32xf32, #tpu.memory_space<hbm>> -> memref<3080x32xf32, #tpu.memory_space<hbm>>
        %dma_wait3A_182 = arith.constant 0 : i32
        %dma_wait3A_183 = tpu.memref_slice %arg14[%mul3A_173, %dma_wait3A_182] : memref<50304x32xf32, #tpu.memory_space<vmem_shared>> -> memref<3080x32xf32, #tpu.memory_space<vmem_shared>>
        tpu.wait_dma2 semaphore(%run_scoped3A : memref<!tpu.dma_semaphore, #tpu.memory_space<semaphore_mem>>) src(%dma_wait3A_183 : memref<3080x32xf32, #tpu.memory_space<vmem_shared>>) dst(%dma_wait3A_181 : memref<3080x32xf32, #tpu.memory_space<hbm>>)
        tpu.yield
      }) : () -> ()
    } else {
    }
    return
  }
}

module attributes {stable_mosaic.version = 14 : i64} {
  func.func @body(%arg0: i32, %arg1: memref<5000x2xi32, #tpu.memory_space<vmem>>, %arg2: memref<16x8xf32, #tpu.memory_space<vmem>>, %arg3: memref<16x8xf32, #tpu.memory_space<vmem>>, %arg4: memref<16x32xf32, #tpu.memory_space<vmem>>, %arg5: memref<1x32xf32, #tpu.memory_space<vmem>>, %arg6: memref<5000x32xf32, #tpu.memory_space<vmem>>) attributes {dimension_semantics = [#tpu.dimension_semantics<arbitrary>], iteration_bounds = array<i64: 10>, scalar_prefetch = 0 : i64, scratch_operands = 0 : i64, tpu.core_type = #tpu.core_type<tc>, window_params = [{transform_indices = @transform_0, window_bounds = array<i64: 5000, 2>}, {pipeline_mode = #tpu.pipeline_mode<synchronous>, transform_indices = @transform_1, window_bounds = array<i64: 16, 8>}, {pipeline_mode = #tpu.pipeline_mode<synchronous>, transform_indices = @transform_2, window_bounds = array<i64: 16, 8>}, {pipeline_mode = #tpu.pipeline_mode<synchronous>, transform_indices = @transform_3, window_bounds = array<i64: 16, 32>}, {pipeline_mode = #tpu.pipeline_mode<synchronous>, transform_indices = @transform_4, window_bounds = array<i64: 1, 32>}, {transform_indices = @transform_5, window_bounds = array<i64: 5000, 32>}]} {
    %iota3A = tpu.iota {dimensions = array<i32: 1>} : vector<5000x16xi32>
    %get3A = arith.constant 0 : index
    %get3A_0 = arith.constant 0 : index
    %get3A_1 = vector.load %arg1[%get3A, %get3A_0] : memref<5000x2xi32, #tpu.memory_space<vmem>>, vector<5000x1xi32>
    %eq3A = vector.broadcast %get3A_1 : vector<5000x1xi32> to vector<5000x16xi32>
    %eq3A_2 = arith.cmpi eq, %eq3A, %iota3A : vector<5000x16xi32>
    %convert_element_type3A = arith.extui %eq3A_2 : vector<5000x16xi1> to vector<5000x16xi32>
    %convert_element_type3A_3 = arith.sitofp %convert_element_type3A : vector<5000x16xi32> to vector<5000x16xf32>
    %get3A_4 = arith.constant 0 : index
    %get3A_5 = arith.constant 1 : index
    %get3A_6 = vector.load %arg1[%get3A_4, %get3A_5] : memref<5000x2xi32, #tpu.memory_space<vmem>>, vector<5000x1xi32>
    %eq3A_7 = vector.broadcast %get3A_6 : vector<5000x1xi32> to vector<5000x16xi32>
    %eq3A_8 = arith.cmpi eq, %eq3A_7, %iota3A : vector<5000x16xi32>
    %convert_element_type3A_9 = arith.extui %eq3A_8 : vector<5000x16xi1> to vector<5000x16xi32>
    %convert_element_type3A_10 = arith.sitofp %convert_element_type3A_9 : vector<5000x16xi32> to vector<5000x16xf32>
    %get3A_11 = arith.constant 0 : index
    %get3A_12 = arith.constant 0 : index
    %get3A_13 = vector.load %arg2[%get3A_11, %get3A_12] : memref<16x8xf32, #tpu.memory_space<vmem>>, vector<16x8xf32>
    %get3A_14 = arith.constant 0 : index
    %get3A_15 = arith.constant 0 : index
    %get3A_16 = vector.load %arg4[%get3A_14, %get3A_15] : memref<16x32xf32, #tpu.memory_space<vmem>>, vector<8x32xf32>
    %dot_general3A = arith.constant dense<0.000000e+00> : vector<16x32xf32>
    %dot_general3A_17 = tpu.matmul %get3A_13, %get3A_16, %dot_general3A {dimension_numbers = #tpu.dot_dimension_numbers<[1], [0], [0], [1], [0, 0, 1, 1], [], []>, transpose_lhs_hint = false} : vector<16x8xf32>, vector<8x32xf32>, vector<16x32xf32> -> vector<16x32xf32>
    %get3A_18 = arith.constant 0 : index
    %get3A_19 = arith.constant 0 : index
    %get3A_20 = vector.load %arg3[%get3A_18, %get3A_19] : memref<16x8xf32, #tpu.memory_space<vmem>>, vector<16x8xf32>
    %get3A_21 = arith.constant 8 : index
    %get3A_22 = arith.constant 0 : index
    %get3A_23 = vector.load %arg4[%get3A_21, %get3A_22] : memref<16x32xf32, #tpu.memory_space<vmem>>, vector<8x32xf32>
    %dot_general3A_24 = arith.constant dense<0.000000e+00> : vector<16x32xf32>
    %dot_general3A_25 = tpu.matmul %get3A_20, %get3A_23, %dot_general3A_24 {dimension_numbers = #tpu.dot_dimension_numbers<[1], [0], [0], [1], [0, 0, 1, 1], [], []>, transpose_lhs_hint = false} : vector<16x8xf32>, vector<8x32xf32>, vector<16x32xf32> -> vector<16x32xf32>
    %dot_general3A_26 = arith.constant dense<0.000000e+00> : vector<5000x32xf32>
    %dot_general3A_27 = tpu.matmul %convert_element_type3A_3, %dot_general3A_17, %dot_general3A_26 {dimension_numbers = #tpu.dot_dimension_numbers<[1], [0], [0], [1], [0, 0, 1, 1], [], []>, transpose_lhs_hint = false} : vector<5000x16xf32>, vector<16x32xf32>, vector<5000x32xf32> -> vector<5000x32xf32>
    %dot_general3A_28 = arith.constant dense<0.000000e+00> : vector<5000x32xf32>
    %dot_general3A_29 = tpu.matmul %convert_element_type3A_10, %dot_general3A_25, %dot_general3A_28 {dimension_numbers = #tpu.dot_dimension_numbers<[1], [0], [0], [1], [0, 0, 1, 1], [], []>, transpose_lhs_hint = false} : vector<5000x16xf32>, vector<16x32xf32>, vector<5000x32xf32> -> vector<5000x32xf32>
    %add3A = arith.addf %dot_general3A_27, %dot_general3A_29 : vector<5000x32xf32>
    %get3A_30 = arith.constant 0 : index
    %get3A_31 = arith.constant 0 : index
    %get3A_32 = vector.load %arg5[%get3A_30, %get3A_31] : memref<1x32xf32, #tpu.memory_space<vmem>>, vector<1x32xf32>
    %add3A_33 = vector.broadcast %get3A_32 : vector<1x32xf32> to vector<5000x32xf32>
    %add3A_34 = arith.addf %add3A, %add3A_33 : vector<5000x32xf32>
    %max3A = arith.constant 0.000000e+00 : f32
    %max3A_35 = vector.broadcast %max3A : f32 to vector<5000x32xf32>
    %max3A_36 = arith.maximumf %add3A_34, %max3A_35 : vector<5000x32xf32>
    %swap3A = arith.constant 0 : index
    %swap3A_37 = arith.constant 0 : index
    %swap3A_38 = vector.load %arg6[%swap3A, %swap3A_37] : memref<5000x32xf32, #tpu.memory_space<vmem>>, vector<5000x32xf32>
    tpu.vector_store %arg6[%swap3A, %swap3A_37], %max3A_36 {strides = array<i32>} : memref<5000x32xf32, #tpu.memory_space<vmem>>, vector<5000x32xf32>,
    return
  }
  func.func @transform_0(%arg0: i32) -> (i32, i32) {
    %c0_i32 = arith.constant 0 : i32
    %c0_i32_0 = arith.constant 0 : i32
    return %arg0, %c0_i32 : i32, i32
  }
  func.func @transform_1(%arg0: i32) -> (i32, i32) {
    %c0_i32 = arith.constant 0 : i32
    %c0_i32_0 = arith.constant 0 : i32
    %c0_i32_1 = arith.constant 0 : i32
    return %c0_i32, %c0_i32_0 : i32, i32
  }
  func.func @transform_2(%arg0: i32) -> (i32, i32) {
    %c0_i32 = arith.constant 0 : i32
    %c0_i32_0 = arith.constant 0 : i32
    %c0_i32_1 = arith.constant 0 : i32
    return %c0_i32, %c0_i32_0 : i32, i32
  }
  func.func @transform_3(%arg0: i32) -> (i32, i32) {
    %c0_i32 = arith.constant 0 : i32
    %c0_i32_0 = arith.constant 0 : i32
    %c0_i32_1 = arith.constant 0 : i32
    return %c0_i32, %c0_i32_0 : i32, i32
  }
  func.func @transform_4(%arg0: i32) -> (i32, i32) {
    %c0_i32 = arith.constant 0 : i32
    %c0_i32_0 = arith.constant 0 : i32
    %c0_i32_1 = arith.constant 0 : i32
    return %c0_i32, %c0_i32_0 : i32, i32
  }
  func.func @transform_5(%arg0: i32) -> (i32, i32) {
    %c0_i32 = arith.constant 0 : i32
    %c0_i32_0 = arith.constant 0 : i32
    return %arg0, %c0_i32 : i32, i32
  }
}

module attributes {stable_mosaic.version = 14 : i64} {
  func.func @body(%arg0: i32, %arg1: memref<5000x32xf32, #tpu.memory_space<vmem>>, %arg2: memref<5000x32xf32, #tpu.memory_space<vmem>>, %arg3: memref<5000x32xf32, #tpu.memory_space<vmem>>, %arg4: memref<32x64xf32, #tpu.memory_space<vmem>>, %arg5: memref<32x64xf32, #tpu.memory_space<vmem>>, %arg6: memref<1x64xf32, #tpu.memory_space<vmem>>, %arg7: memref<5000x32xf32, #tpu.memory_space<vmem>>, %arg8: memref<5000x32xf32, #tpu.memory_space<vmem>>) attributes {dimension_semantics = [#tpu.dimension_semantics<arbitrary>], iteration_bounds = array<i64: 10>, scalar_prefetch = 0 : i64, scratch_operands = 0 : i64, tpu.core_type = #tpu.core_type<tc>, window_params = [{transform_indices = @transform_0, window_bounds = array<i64: 5000, 32>}, {transform_indices = @transform_1, window_bounds = array<i64: 5000, 32>}, {transform_indices = @transform_2, window_bounds = array<i64: 5000, 32>}, {pipeline_mode = #tpu.pipeline_mode<synchronous>, transform_indices = @transform_3, window_bounds = array<i64: 32, 64>}, {pipeline_mode = #tpu.pipeline_mode<synchronous>, transform_indices = @transform_4, window_bounds = array<i64: 32, 64>}, {pipeline_mode = #tpu.pipeline_mode<synchronous>, transform_indices = @transform_5, window_bounds = array<i64: 1, 64>}, {transform_indices = @transform_6, window_bounds = array<i64: 5000, 32>}, {transform_indices = @transform_7, window_bounds = array<i64: 5000, 32>}]} {
    %get3A = arith.constant 0 : index
    %get3A_0 = arith.constant 0 : index
    %get3A_1 = vector.load %arg1[%get3A, %get3A_0] : memref<5000x32xf32, #tpu.memory_space<vmem>>, vector<5000x32xf32>
    %get3A_2 = arith.constant 0 : index
    %get3A_3 = arith.constant 0 : index
    %get3A_4 = vector.load %arg2[%get3A_2, %get3A_3] : memref<5000x32xf32, #tpu.memory_space<vmem>>, vector<5000x32xf32>
    %add3A = arith.addf %get3A_1, %get3A_4 : vector<5000x32xf32>
    %get3A_5 = arith.constant 0 : index
    %get3A_6 = arith.constant 0 : index
    %get3A_7 = vector.load %arg4[%get3A_5, %get3A_6] : memref<32x64xf32, #tpu.memory_space<vmem>>, vector<32x64xf32>
    %dot_general3A = arith.constant dense<0.000000e+00> : vector<5000x64xf32>
    %dot_general3A_8 = tpu.matmul %add3A, %get3A_7, %dot_general3A {dimension_numbers = #tpu.dot_dimension_numbers<[1], [0], [0], [1], [0, 0, 1, 1], [], []>, transpose_lhs_hint = false} : vector<5000x32xf32>, vector<32x64xf32>, vector<5000x64xf32> -> vector<5000x64xf32>
    %get3A_9 = arith.constant 0 : index
    %get3A_10 = arith.constant 0 : index
    %get3A_11 = vector.load %arg3[%get3A_9, %get3A_10] : memref<5000x32xf32, #tpu.memory_space<vmem>>, vector<5000x32xf32>
    %get3A_12 = arith.constant 0 : index
    %get3A_13 = arith.constant 0 : index
    %get3A_14 = vector.load %arg5[%get3A_12, %get3A_13] : memref<32x64xf32, #tpu.memory_space<vmem>>, vector<32x64xf32>
    %dot_general3A_15 = arith.constant dense<0.000000e+00> : vector<5000x64xf32>
    %dot_general3A_16 = tpu.matmul %get3A_11, %get3A_14, %dot_general3A_15 {dimension_numbers = #tpu.dot_dimension_numbers<[1], [0], [0], [1], [0, 0, 1, 1], [], []>, transpose_lhs_hint = false} : vector<5000x32xf32>, vector<32x64xf32>, vector<5000x64xf32> -> vector<5000x64xf32>
    %add3A_17 = arith.addf %dot_general3A_8, %dot_general3A_16 : vector<5000x64xf32>
    %get3A_18 = arith.constant 0 : index
    %get3A_19 = arith.constant 0 : index
    %get3A_20 = vector.load %arg6[%get3A_18, %get3A_19] : memref<1x64xf32, #tpu.memory_space<vmem>>, vector<1x64xf32>
    %add3A_21 = vector.broadcast %get3A_20 : vector<1x64xf32> to vector<5000x64xf32>
    %add3A_22 = arith.addf %add3A_17, %add3A_21 : vector<5000x64xf32>
    %max3A = arith.constant 0.000000e+00 : f32
    %max3A_23 = vector.broadcast %max3A : f32 to vector<5000x64xf32>
    %max3A_24 = arith.maximumf %add3A_22, %max3A_23 : vector<5000x64xf32>
    %slice3A = vector.extract_strided_slice %max3A_24 {offsets = [0, 0], sizes = [5000, 32], strides = [1, 1]} : vector<5000x64xf32> to vector<5000x32xf32>
    %swap3A = arith.constant 0 : index
    %swap3A_25 = arith.constant 0 : index
    %swap3A_26 = vector.load %arg7[%swap3A, %swap3A_25] : memref<5000x32xf32, #tpu.memory_space<vmem>>, vector<5000x32xf32>
    tpu.vector_store %arg7[%swap3A, %swap3A_25], %slice3A {strides = array<i32>} : memref<5000x32xf32, #tpu.memory_space<vmem>>, vector<5000x32xf32>,
    %slice3A_27 = vector.extract_strided_slice %max3A_24 {offsets = [0, 32], sizes = [5000, 32], strides = [1, 1]} : vector<5000x64xf32> to vector<5000x32xf32>
    %swap3A_28 = arith.constant 0 : index
    %swap3A_29 = arith.constant 0 : index
    %swap3A_30 = vector.load %arg8[%swap3A_28, %swap3A_29] : memref<5000x32xf32, #tpu.memory_space<vmem>>, vector<5000x32xf32>
    tpu.vector_store %arg8[%swap3A_28, %swap3A_29], %slice3A_27 {strides = array<i32>} : memref<5000x32xf32, #tpu.memory_space<vmem>>, vector<5000x32xf32>,
    return
  }
  func.func @transform_0(%arg0: i32) -> (i32, i32) {
    %c0_i32 = arith.constant 0 : i32
    %c0_i32_0 = arith.constant 0 : i32
    return %arg0, %c0_i32 : i32, i32
  }
  func.func @transform_1(%arg0: i32) -> (i32, i32) {
    %c0_i32 = arith.constant 0 : i32
    %c0_i32_0 = arith.constant 0 : i32
    return %arg0, %c0_i32 : i32, i32
  }
  func.func @transform_2(%arg0: i32) -> (i32, i32) {
    %c0_i32 = arith.constant 0 : i32
    %c0_i32_0 = arith.constant 0 : i32
    return %arg0, %c0_i32 : i32, i32
  }
  func.func @transform_3(%arg0: i32) -> (i32, i32) {
    %c0_i32 = arith.constant 0 : i32
    %c0_i32_0 = arith.constant 0 : i32
    %c0_i32_1 = arith.constant 0 : i32
    return %c0_i32, %c0_i32_0 : i32, i32
  }
  func.func @transform_4(%arg0: i32) -> (i32, i32) {
    %c0_i32 = arith.constant 0 : i32
    %c0_i32_0 = arith.constant 0 : i32
    %c0_i32_1 = arith.constant 0 : i32
    return %c0_i32, %c0_i32_0 : i32, i32
  }
  func.func @transform_5(%arg0: i32) -> (i32, i32) {
    %c0_i32 = arith.constant 0 : i32
    %c0_i32_0 = arith.constant 0 : i32
    %c0_i32_1 = arith.constant 0 : i32
    return %c0_i32, %c0_i32_0 : i32, i32
  }
  func.func @transform_6(%arg0: i32) -> (i32, i32) {
    %c0_i32 = arith.constant 0 : i32
    %c0_i32_0 = arith.constant 0 : i32
    return %arg0, %c0_i32 : i32, i32
  }
  func.func @transform_7(%arg0: i32) -> (i32, i32) {
    %c0_i32 = arith.constant 0 : i32
    %c0_i32_0 = arith.constant 0 : i32
    return %arg0, %c0_i32 : i32, i32
  }
}

module attributes {stable_mosaic.version = 14 : i64} {
  func.func @body(%arg0: i32, %arg1: memref<5000x32xf32, #tpu.memory_space<vmem>>, %arg2: memref<5000x32xf32, #tpu.memory_space<vmem>>, %arg3: memref<64x64xf32, #tpu.memory_space<vmem>>, %arg4: memref<1x64xf32, #tpu.memory_space<vmem>>, %arg5: memref<5000x64xf32, #tpu.memory_space<vmem>>) attributes {dimension_semantics = [#tpu.dimension_semantics<arbitrary>], iteration_bounds = array<i64: 10>, scalar_prefetch = 0 : i64, scratch_operands = 0 : i64, tpu.core_type = #tpu.core_type<tc>, window_params = [{transform_indices = @transform_0, window_bounds = array<i64: 5000, 32>}, {transform_indices = @transform_1, window_bounds = array<i64: 5000, 32>}, {pipeline_mode = #tpu.pipeline_mode<synchronous>, transform_indices = @transform_2, window_bounds = array<i64: 64, 64>}, {pipeline_mode = #tpu.pipeline_mode<synchronous>, transform_indices = @transform_3, window_bounds = array<i64: 1, 64>}, {transform_indices = @transform_4, window_bounds = array<i64: 5000, 64>}]} {
    %get3A = arith.constant 0 : index
    %get3A_0 = arith.constant 0 : index
    %get3A_1 = vector.load %arg1[%get3A, %get3A_0] : memref<5000x32xf32, #tpu.memory_space<vmem>>, vector<5000x32xf32>
    %get3A_2 = arith.constant 0 : index
    %get3A_3 = arith.constant 0 : index
    %get3A_4 = vector.load %arg3[%get3A_2, %get3A_3] : memref<64x64xf32, #tpu.memory_space<vmem>>, vector<32x64xf32>
    %dot_general3A = arith.constant dense<0.000000e+00> : vector<5000x64xf32>
    %dot_general3A_5 = tpu.matmul %get3A_1, %get3A_4, %dot_general3A {dimension_numbers = #tpu.dot_dimension_numbers<[1], [0], [0], [1], [0, 0, 1, 1], [], []>, transpose_lhs_hint = false} : vector<5000x32xf32>, vector<32x64xf32>, vector<5000x64xf32> -> vector<5000x64xf32>
    %get3A_6 = arith.constant 0 : index
    %get3A_7 = arith.constant 0 : index
    %get3A_8 = vector.load %arg2[%get3A_6, %get3A_7] : memref<5000x32xf32, #tpu.memory_space<vmem>>, vector<5000x32xf32>
    %get3A_9 = arith.constant 32 : index
    %get3A_10 = arith.constant 0 : index
    %get3A_11 = vector.load %arg3[%get3A_9, %get3A_10] : memref<64x64xf32, #tpu.memory_space<vmem>>, vector<32x64xf32>
    %dot_general3A_12 = arith.constant dense<0.000000e+00> : vector<5000x64xf32>
    %dot_general3A_13 = tpu.matmul %get3A_8, %get3A_11, %dot_general3A_12 {dimension_numbers = #tpu.dot_dimension_numbers<[1], [0], [0], [1], [0, 0, 1, 1], [], []>, transpose_lhs_hint = false} : vector<5000x32xf32>, vector<32x64xf32>, vector<5000x64xf32> -> vector<5000x64xf32>
    %add3A = arith.addf %dot_general3A_5, %dot_general3A_13 : vector<5000x64xf32>
    %get3A_14 = arith.constant 0 : index
    %get3A_15 = arith.constant 0 : index
    %get3A_16 = vector.load %arg4[%get3A_14, %get3A_15] : memref<1x64xf32, #tpu.memory_space<vmem>>, vector<1x64xf32>
    %add3A_17 = vector.broadcast %get3A_16 : vector<1x64xf32> to vector<5000x64xf32>
    %add3A_18 = arith.addf %add3A, %add3A_17 : vector<5000x64xf32>
    %swap3A = arith.constant 0 : index
    %swap3A_19 = arith.constant 0 : index
    %swap3A_20 = vector.load %arg5[%swap3A, %swap3A_19] : memref<5000x64xf32, #tpu.memory_space<vmem>>, vector<5000x64xf32>
    tpu.vector_store %arg5[%swap3A, %swap3A_19], %add3A_18 {strides = array<i32>} : memref<5000x64xf32, #tpu.memory_space<vmem>>, vector<5000x64xf32>,
    return
  }
  func.func @transform_0(%arg0: i32) -> (i32, i32) {
    %c0_i32 = arith.constant 0 : i32
    %c0_i32_0 = arith.constant 0 : i32
    return %arg0, %c0_i32 : i32, i32
  }
  func.func @transform_1(%arg0: i32) -> (i32, i32) {
    %c0_i32 = arith.constant 0 : i32
    %c0_i32_0 = arith.constant 0 : i32
    return %arg0, %c0_i32 : i32, i32
  }
  func.func @transform_2(%arg0: i32) -> (i32, i32) {
    %c0_i32 = arith.constant 0 : i32
    %c0_i32_0 = arith.constant 0 : i32
    %c0_i32_1 = arith.constant 0 : i32
    return %c0_i32, %c0_i32_0 : i32, i32
  }
  func.func @transform_3(%arg0: i32) -> (i32, i32) {
    %c0_i32 = arith.constant 0 : i32
    %c0_i32_0 = arith.constant 0 : i32
    %c0_i32_1 = arith.constant 0 : i32
    return %c0_i32, %c0_i32_0 : i32, i32
  }
  func.func @transform_4(%arg0: i32) -> (i32, i32) {
    %c0_i32 = arith.constant 0 : i32
    %c0_i32_0 = arith.constant 0 : i32
    return %arg0, %c0_i32 : i32, i32
  }
}

module attributes {stable_mosaic.version = 14 : i64} {
  func.func @body(%arg0: i32, %arg1: memref<5000x32xf32, #tpu.memory_space<vmem>>, %arg2: memref<5000x32xf32, #tpu.memory_space<vmem>>, %arg3: memref<5000x64xf32, #tpu.memory_space<vmem>>, %arg4: memref<1x1x5000xi32, #tpu.memory_space<vmem>>, %arg5: memref<64x64xf32, #tpu.memory_space<vmem>>, %arg6: memref<64x10xf32, #tpu.memory_space<vmem>>, %arg7: memref<1x10xf32, #tpu.memory_space<vmem>>, %arg8: memref<128x10xf32, #tpu.memory_space<vmem>>, %arg9: memref<128x64xf32, #tpu.memory_space<vmem>>, %arg10: memref<128x1xf32, #tpu.memory_space<vmem>>) attributes {dimension_semantics = [#tpu.dimension_semantics<arbitrary>], iteration_bounds = array<i64: 10>, scalar_prefetch = 0 : i64, scratch_operands = 2 : i64, tpu.core_type = #tpu.core_type<tc>, window_params = [{transform_indices = @transform_0, window_bounds = array<i64: 5000, 32>}, {transform_indices = @transform_1, window_bounds = array<i64: 5000, 32>}, {transform_indices = @transform_2, window_bounds = array<i64: 5000, 64>}, {transform_indices = @transform_3, window_bounds = array<i64: 1, 1, 5000>}, {pipeline_mode = #tpu.pipeline_mode<synchronous>, transform_indices = @transform_4, window_bounds = array<i64: 64, 64>}, {pipeline_mode = #tpu.pipeline_mode<synchronous>, transform_indices = @transform_5, window_bounds = array<i64: 64, 10>}, {pipeline_mode = #tpu.pipeline_mode<synchronous>, transform_indices = @transform_6, window_bounds = array<i64: 1, 10>}, {pipeline_mode = #tpu.pipeline_mode<synchronous>, transform_indices = @transform_7, window_bounds = array<i64: 128, 10>}]} {
    %eq3A = arith.constant 0 : i32
    %eq3A_0 = arith.cmpi eq, %arg0, %eq3A : i32
    %convert_element_type3A = arith.extui %eq3A_0 : i1 to i32
    %cond3A = arith.constant 0 : i32
    %cond3A_1 = arith.cmpi ne, %convert_element_type3A, %cond3A : i32
    scf.if %cond3A_1 {
      %broadcast_in_dim3A_51 = arith.constant 0.000000e+00 : f32
      %broadcast_in_dim3A_52 = vector.broadcast %broadcast_in_dim3A_51 : f32 to vector<128x64xf32>
      %swap3A_53 = arith.constant 0 : index
      %swap3A_54 = arith.constant 0 : index
      %swap3A_55 = vector.load %arg9[%swap3A_53, %swap3A_54] : memref<128x64xf32, #tpu.memory_space<vmem>>, vector<128x64xf32>
      tpu.vector_store %arg9[%swap3A_53, %swap3A_54], %broadcast_in_dim3A_52 {strides = array<i32>} : memref<128x64xf32, #tpu.memory_space<vmem>>, vector<128x64xf32>,
      %broadcast_in_dim3A_56 = arith.constant 0.000000e+00 : f32
      %broadcast_in_dim3A_57 = vector.broadcast %broadcast_in_dim3A_56 : f32 to vector<128x1xf32>
      %swap3A_58 = arith.constant 0 : index
      %swap3A_59 = arith.constant 0 : index
      %swap3A_60 = vector.load %arg10[%swap3A_58, %swap3A_59] : memref<128x1xf32, #tpu.memory_space<vmem>>, vector<128x1xf32>
      tpu.vector_store %arg10[%swap3A_58, %swap3A_59], %broadcast_in_dim3A_57 {strides = array<i32>} : memref<128x1xf32, #tpu.memory_space<vmem>>, vector<128x1xf32>,
    } else {
    }
    %get3A = arith.constant 0 : index
    %get3A_2 = arith.constant 0 : index
    %get3A_3 = vector.load %arg1[%get3A, %get3A_2] : memref<5000x32xf32, #tpu.memory_space<vmem>>, vector<5000x32xf32>
    %get3A_4 = arith.constant 0 : index
    %get3A_5 = arith.constant 0 : index
    %get3A_6 = vector.load %arg5[%get3A_4, %get3A_5] : memref<64x64xf32, #tpu.memory_space<vmem>>, vector<32x64xf32>
    %dot_general3A = arith.constant dense<0.000000e+00> : vector<5000x64xf32>
    %dot_general3A_7 = tpu.matmul %get3A_3, %get3A_6, %dot_general3A {dimension_numbers = #tpu.dot_dimension_numbers<[1], [0], [0], [1], [0, 0, 1, 1], [], []>, transpose_lhs_hint = false} : vector<5000x32xf32>, vector<32x64xf32>, vector<5000x64xf32> -> vector<5000x64xf32>
    %get3A_8 = arith.constant 0 : index
    %get3A_9 = arith.constant 0 : index
    %get3A_10 = vector.load %arg2[%get3A_8, %get3A_9] : memref<5000x32xf32, #tpu.memory_space<vmem>>, vector<5000x32xf32>
    %get3A_11 = arith.constant 32 : index
    %get3A_12 = arith.constant 0 : index
    %get3A_13 = vector.load %arg5[%get3A_11, %get3A_12] : memref<64x64xf32, #tpu.memory_space<vmem>>, vector<32x64xf32>
    %dot_general3A_14 = arith.constant dense<0.000000e+00> : vector<5000x64xf32>
    %dot_general3A_15 = tpu.matmul %get3A_10, %get3A_13, %dot_general3A_14 {dimension_numbers = #tpu.dot_dimension_numbers<[1], [0], [0], [1], [0, 0, 1, 1], [], []>, transpose_lhs_hint = false} : vector<5000x32xf32>, vector<32x64xf32>, vector<5000x64xf32> -> vector<5000x64xf32>
    %add3A = arith.addf %dot_general3A_7, %dot_general3A_15 : vector<5000x64xf32>
    %get3A_16 = arith.constant 0 : index
    %get3A_17 = arith.constant 0 : index
    %get3A_18 = vector.load %arg3[%get3A_16, %get3A_17] : memref<5000x64xf32, #tpu.memory_space<vmem>>, vector<5000x64xf32>
    %add3A_19 = arith.addf %add3A, %get3A_18 : vector<5000x64xf32>
    %max3A = arith.constant 0.000000e+00 : f32
    %max3A_20 = vector.broadcast %max3A : f32 to vector<5000x64xf32>
    %max3A_21 = arith.maximumf %add3A_19, %max3A_20 : vector<5000x64xf32>
    %get3A_22 = arith.constant 0 : index
    %get3A_23 = arith.constant 0 : index
    %get3A_24 = arith.constant 0 : index
    %get3A_25 = vector.load %arg4[%get3A_22, %get3A_23, %get3A_24] : memref<1x1x5000xi32, #tpu.memory_space<vmem>>, vector<1x1x5000xi32>
    %reshape3A = vector.shape_cast %get3A_25 : vector<1x1x5000xi32> to vector<1x5000xi32>
    %iota3A = tpu.iota {dimensions = array<i32: 0>} : vector<128x5000xi32>
    %eq3A_26 = vector.broadcast %reshape3A : vector<1x5000xi32> to vector<128x5000xi32>
    %eq3A_27 = arith.cmpi eq, %eq3A_26, %iota3A : vector<128x5000xi32>
    %convert_element_type3A_28 = arith.extui %eq3A_27 : vector<128x5000xi1> to vector<128x5000xi32>
    %convert_element_type3A_29 = arith.sitofp %convert_element_type3A_28 : vector<128x5000xi32> to vector<128x5000xf32>
    %get3A_30 = arith.constant 0 : index
    %get3A_31 = arith.constant 0 : index
    %get3A_32 = vector.load %arg9[%get3A_30, %get3A_31] : memref<128x64xf32, #tpu.memory_space<vmem>>, vector<128x64xf32>
    %dot_general3A_33 = arith.constant dense<0.000000e+00> : vector<128x64xf32>
    %dot_general3A_34 = tpu.matmul %convert_element_type3A_29, %max3A_21, %dot_general3A_33 {dimension_numbers = #tpu.dot_dimension_numbers<[1], [0], [0], [1], [0, 0, 1, 1], [], []>, transpose_lhs_hint = false} : vector<128x5000xf32>, vector<5000x64xf32>, vector<128x64xf32> -> vector<128x64xf32>
    %add3A_35 = arith.addf %get3A_32, %dot_general3A_34 : vector<128x64xf32>
    %swap3A = arith.constant 0 : index
    %swap3A_36 = arith.constant 0 : index
    %swap3A_37 = vector.load %arg9[%swap3A, %swap3A_36] : memref<128x64xf32, #tpu.memory_space<vmem>>, vector<128x64xf32>
    tpu.vector_store %arg9[%swap3A, %swap3A_36], %add3A_35 {strides = array<i32>} : memref<128x64xf32, #tpu.memory_space<vmem>>, vector<128x64xf32>,
    %get3A_38 = arith.constant 0 : index
    %get3A_39 = arith.constant 0 : index
    %get3A_40 = vector.load %arg10[%get3A_38, %get3A_39] : memref<128x1xf32, #tpu.memory_space<vmem>>, vector<128x1xf32>
    %reduce_sum3A = arith.constant dense<0.000000e+00> : vector<128xf32>
    %reduce_sum3A_41 = vector.multi_reduction <add>, %convert_element_type3A_29, %reduce_sum3A [1] : vector<128x5000xf32> to vector<128xf32>
    %broadcast_in_dim3A = vector.shape_cast %reduce_sum3A_41 : vector<128xf32> to vector<128x1xf32>
    %add3A_42 = arith.addf %get3A_40, %broadcast_in_dim3A : vector<128x1xf32>
    %swap3A_43 = arith.constant 0 : index
    %swap3A_44 = arith.constant 0 : index
    %swap3A_45 = vector.load %arg10[%swap3A_43, %swap3A_44] : memref<128x1xf32, #tpu.memory_space<vmem>>, vector<128x1xf32>
    tpu.vector_store %arg10[%swap3A_43, %swap3A_44], %add3A_42 {strides = array<i32>} : memref<128x1xf32, #tpu.memory_space<vmem>>, vector<128x1xf32>,
    %eq3A_46 = arith.constant 9 : i32
    %eq3A_47 = arith.cmpi eq, %arg0, %eq3A_46 : i32
    %convert_element_type3A_48 = arith.extui %eq3A_47 : i1 to i32
    %cond3A_49 = arith.constant 0 : i32
    %cond3A_50 = arith.cmpi ne, %convert_element_type3A_48, %cond3A_49 : i32
    scf.if %cond3A_50 {
      %get3A_51 = arith.constant 0 : index
      %get3A_52 = arith.constant 0 : index
      %get3A_53 = vector.load %arg9[%get3A_51, %get3A_52] : memref<128x64xf32, #tpu.memory_space<vmem>>, vector<128x64xf32>
      %get3A_54 = arith.constant 0 : index
      %get3A_55 = arith.constant 0 : index
      %get3A_56 = vector.load %arg10[%get3A_54, %get3A_55] : memref<128x1xf32, #tpu.memory_space<vmem>>, vector<128x1xf32>
      %max3A_57 = arith.constant 1.000000e+00 : f32
      %max3A_58 = vector.broadcast %max3A_57 : f32 to vector<128x1xf32>
      %max3A_59 = arith.maximumf %get3A_56, %max3A_58 : vector<128x1xf32>
      %div3A = vector.broadcast %max3A_59 : vector<128x1xf32> to vector<128x64xf32>
      %div3A_60 = arith.divf %get3A_53, %div3A : vector<128x64xf32>
      %get3A_61 = arith.constant 0 : index
      %get3A_62 = arith.constant 0 : index
      %get3A_63 = vector.load %arg6[%get3A_61, %get3A_62] : memref<64x10xf32, #tpu.memory_space<vmem>>, vector<64x10xf32>
      %dot_general3A_64 = arith.constant dense<0.000000e+00> : vector<128x10xf32>
      %dot_general3A_65 = tpu.matmul %div3A_60, %get3A_63, %dot_general3A_64 {dimension_numbers = #tpu.dot_dimension_numbers<[1], [0], [0], [1], [0, 0, 1, 1], [], []>, transpose_lhs_hint = false} : vector<128x64xf32>, vector<64x10xf32>, vector<128x10xf32> -> vector<128x10xf32>
      %get3A_66 = arith.constant 0 : index
      %get3A_67 = arith.constant 0 : index
      %get3A_68 = vector.load %arg7[%get3A_66, %get3A_67] : memref<1x10xf32, #tpu.memory_space<vmem>>, vector<1x10xf32>
      %add3A_69 = vector.broadcast %get3A_68 : vector<1x10xf32> to vector<128x10xf32>
      %add3A_70 = arith.addf %dot_general3A_65, %add3A_69 : vector<128x10xf32>
      %swap3A_71 = arith.constant 0 : index
      %swap3A_72 = arith.constant 0 : index
      %swap3A_73 = vector.load %arg8[%swap3A_71, %swap3A_72] : memref<128x10xf32, #tpu.memory_space<vmem>>, vector<128x10xf32>
      tpu.vector_store %arg8[%swap3A_71, %swap3A_72], %add3A_70 {strides = array<i32>} : memref<128x10xf32, #tpu.memory_space<vmem>>, vector<128x10xf32>,
    } else {
    }
    return
  }
  func.func @transform_0(%arg0: i32) -> (i32, i32) {
    %c0_i32 = arith.constant 0 : i32
    %c0_i32_0 = arith.constant 0 : i32
    return %arg0, %c0_i32 : i32, i32
  }
  func.func @transform_1(%arg0: i32) -> (i32, i32) {
    %c0_i32 = arith.constant 0 : i32
    %c0_i32_0 = arith.constant 0 : i32
    return %arg0, %c0_i32 : i32, i32
  }
  func.func @transform_2(%arg0: i32) -> (i32, i32) {
    %c0_i32 = arith.constant 0 : i32
    %c0_i32_0 = arith.constant 0 : i32
    return %arg0, %c0_i32 : i32, i32
  }
  func.func @transform_3(%arg0: i32) -> (i32, i32, i32) {
    %c0_i32 = arith.constant 0 : i32
    %c0_i32_0 = arith.constant 0 : i32
    %c0_i32_1 = arith.constant 0 : i32
    return %arg0, %c0_i32, %c0_i32_0 : i32, i32, i32
  }
  func.func @transform_4(%arg0: i32) -> (i32, i32) {
    %c0_i32 = arith.constant 0 : i32
    %c0_i32_0 = arith.constant 0 : i32
    %c0_i32_1 = arith.constant 0 : i32
    return %c0_i32, %c0_i32_0 : i32, i32
  }
  func.func @transform_5(%arg0: i32) -> (i32, i32) {
    %c0_i32 = arith.constant 0 : i32
    %c0_i32_0 = arith.constant 0 : i32
    %c0_i32_1 = arith.constant 0 : i32
    return %c0_i32, %c0_i32_0 : i32, i32
  }
  func.func @transform_6(%arg0: i32) -> (i32, i32) {
    %c0_i32 = arith.constant 0 : i32
    %c0_i32_0 = arith.constant 0 : i32
    %c0_i32_1 = arith.constant 0 : i32
    return %c0_i32, %c0_i32_0 : i32, i32
  }
  func.func @transform_7(%arg0: i32) -> (i32, i32) {
    %c0_i32 = arith.constant 0 : i32
    %c0_i32_0 = arith.constant 0 : i32
    %c0_i32_1 = arith.constant 0 : i32
    return %c0_i32, %c0_i32_0 : i32, i32
  }
}

</mosaic_0001>

<sc_bundles>
// kernel: kernel.11.cloned.1.call-start
scs
__scs_entry_jumppad:
0x0: {  	(pc) =	sbr.rel $0x88, $3  }
0x1: {  	(tag) =	ssettag $0x0;
	lr =	simm.s32 $0x1  }
0x2: {  	[smem:$0x3F92] =	sst lr;
	_ =	strace $0xD0000000  }
0x3: {  	_ = 	snop  }
0x4: {  	_ = 	snop  }
0x5: {  	_ = 	snop  }
0x6: {  	_ = 	snop  }
0x7: {  	_ = 	snop  }
__scs_overlays_trampoline_lowered:
0x8: {  	[smem:$0x3FA1] =	sst s0  }
0x9: {  	[smem:$0x3FA2] =	sst s1  }
0xa: {  	[smem:$0x3FA3] =	sst s2  }
0xb: {  	[smem:$0x3FA4] =	sst s3  }
0xc: {  	[smem:$0x3FA5] =	sst s4  }
0xd: {  	[smem:$0x3FA6] =	sst s5  }
0xe: {  	[smem:$0x3FA7] =	sst s6  }
0xf: {  	[smem:$0x3FA8] =	sst s7  }
0x10: {  	[smem:$0x3FA9] =	sst s8  }
0x11: {  	[smem:$0x3FAA] =	sst s9;
	s0 =	simm.s32 @!p0 $0x0  }
0x12: {  	s1 =	sld [smem:$0x3F90];
	s0 =	simm.s32 @p0 $0x1  }
0x13: {  	[smem:$0x3FAB] =	sst s0;
	s0 =	simm.s32 @!p1 $0x0  }
0x14: {  	s2 =	sld [smem:$0x3F8F];
	s0 =	simm.s32 @p1 $0x1  }
0x15: {  	[smem:$0x3FAC] =	sst s0;
	s0 =	simm.s32 @!p2 $0x0  }
0x16: {  	s3 =	sld [smem:$0x3FDB];
	s0 =	simm.s32 @p2 $0x1  }
0x17: {  	s4 =	simm.s32 $0x1BF5;
	[smem:$0x3FAE] =	sst s0  }
0x18: {  	s0 =	sld [smem:$0x3F91];
	_ =	swait.ge [sflag:s4], $0x0  }
0x19: {  	s7 =	sld [smem:$0x3F92]  }
0x1a: {  	s8 =	sadd.s32 $0xFFFFE003, lr  }
0x1b: {  	s9 =	sadd.s32 $0xFFFFFEF7, lr;
	s5 =	simm.s32 $0xFFFFFFFF;
	p2 =	slt.u32 s8, $0xFFFFF086  }
0x1c: {  	p1 =	slt.u32 s9, $0xF7A;
	s5 =	simm.s32 @!p2 $0x0  }
0x1d: {  	s5 =	simm.s32 @p1 $0x1;
	p0 =	seq.s32 s7, s2  }
0x1e: {  	s7 =	smul.u32 @!p0 $0xF7A, s2;
	p2 =	seq.s32 @!p0 s5, $0x0  }
0x1f: {  	s9 =	smul.u32 $0xF7A, s1;
	s8 =	simm.s32 @!p0 $0x1BF5;
	p2 =	por !p2, p0  }
0x20: {  	[sflag:s8] =	ssyncset.s32 @!p0 $0xFFFFF086;
	s6 =	sadd.s32 @!p0 s3, s7;
	s7 =	simm.s32 @!p0 $0x108  }
0x21: {  	s3 =	sadd.s32 s3, s9;
	s6 =	sadd.s32 @!p0 $0x88, s6;
	s7 =	simm.s32 @p2 $0x1082  }
0x22: {  	[simem:s7], [sflag:s8] =	dma.local @!p0 [hbm:s6], $0xF7A  }
0x23: {  	s9 =	sor.u32 $0xD0000000, s2;
	s6 =	simm.s32 $0x108;
	_ =	swait.ge @!p0 [sflag:s8], $0x0  }
0x24: {  	s3 =	sadd.s32 $0x88, s3;
	s6 =	simm.s32 @!p1 $0x1082;
	[sflag:s4] =	ssyncset.s32 $0xFFFFF086  }
0x25: {  	[simem:s6], [sflag:s4] =	dma.local [hbm:s3], $0xF7A  }
0x26: {  	[smem:$0x3F92] =	sst s1;
	(tag) =	ssettag s2;
	_ =	strace s9  }
0x27: {  	s1 =	sld [smem:$0x3FA2]  }
0x28: {  	s2 =	sld [smem:$0x3FA3]  }
0x29: {  	s4 =	sld [smem:$0x3FA5]  }
0x2a: {  	p0 =	seq.s32 s5, $0x0;
	s5 =	sld [smem:$0x3FA6]  }
0x2b: {  	s6 =	sld [smem:$0x3FA7]  }
0x2c: {  	s7 =	sld [smem:$0x3FA8]  }
0x2d: {  	s3 =	simm.s32 $0x108;
	s8 =	sld [smem:$0x3FA9]  }
0x2e: {  	s3 =	simm.s32 @!p0 $0x1082;
	s9 =	sld [smem:$0x3FAA]  }
0x2f: {  	lr =	sadd.s32 s0, s3;
	s0 =	sld [smem:$0x3FA1]  }
0x30: {  	s3 =	sld [smem:$0x3FA4]  }
0x31: {  	[smem:$0x3FAD] =	sst s10  }
0x32: {  	s10 =	sld [smem:$0x3FAB];
	_ =	sdelay $0x3  }
0x33: {  	p0 =	seq.s32 s10, $0x1;
	s10 =	sld [smem:$0x3FAD];
	_ =	sdelay $0x3  }
0x34: {  	[smem:$0x3FAD] =	sst s10  }
0x35: {  	s10 =	sld [smem:$0x3FAC];
	_ =	sdelay $0x3  }
0x36: {  	p1 =	seq.s32 s10, $0x1;
	s10 =	sld [smem:$0x3FAD];
	_ =	sdelay $0x3  }
0x37: {  	[smem:$0x3FAD] =	sst s10  }
0x38: {  	s10 =	sld [smem:$0x3FAE]  }
0x39: {  	_ = 	snop;
	(pc) =	sbr.ind lr, $3  }
0x3a: {  	_ = 	snop  }
0x3b: {  	_ = 	snop  }
0x3c: {  	p2 =	seq.s32 s10, $0x1;
	s10 =	sld [smem:$0x3FAD]  }
0x3d: {  	_ =	shalt  }
0x3e: {  	_ =	shalt  }
0x3f: {  	_ =	shalt  }
0x40: {  	_ =	shalt  }
0x41: {  	_ =	shalt  }
0x42: {  	_ =	shalt  }
0x43: {  	_ =	shalt  }
0x44: {  	_ =	shalt  }
0x45: {  	_ =	shalt  }
0x46: {  	_ =	shalt  }
0x47: {  	_ =	shalt  }
0x48: {  	_ =	shalt  }
0x49: {  	_ =	shalt  }
0x4a: {  	_ =	shalt  }
0x4b: {  	_ =	shalt  }
0x4c: {  	_ =	shalt  }
0x4d: {  	_ =	shalt  }
0x4e: {  	_ =	shalt  }
0x4f: {  	_ =	shalt  }
0x50: {  	_ =	shalt  }
0x51: {  	_ =	shalt  }
0x52: {  	_ =	shalt  }
0x53: {  	_ =	shalt  }
0x54: {  	_ =	shalt  }
0x55: {  	_ =	shalt  }
0x56: {  	_ =	shalt  }
0x57: {  	_ =	shalt  }
0x58: {  	_ =	shalt  }
0x59: {  	_ =	shalt  }
0x5a: {  	_ =	shalt  }
0x5b: {  	_ =	shalt  }
0x5c: {  	_ =	shalt  }
0x5d: {  	_ =	shalt  }
0x5e: {  	_ =	shalt  }
0x5f: {  	_ =	shalt  }
0x60: {  	_ =	shalt  }
0x61: {  	_ =	shalt  }
0x62: {  	_ =	shalt  }
0x63: {  	_ =	shalt  }
0x64: {  	_ =	shalt  }
0x65: {  	_ =	shalt  }
0x66: {  	_ =	shalt  }
0x67: {  	_ =	shalt  }
0x68: {  	_ =	shalt  }
0x69: {  	_ =	shalt  }
0x6a: {  	_ =	shalt  }
0x6b: {  	_ =	shalt  }
0x6c: {  	_ =	shalt  }
0x6d: {  	_ =	shalt  }
0x6e: {  	_ =	shalt  }
0x6f: {  	_ =	shalt  }
0x70: {  	_ =	shalt  }
0x71: {  	_ =	shalt  }
0x72: {  	_ =	shalt  }
0x73: {  	_ =	shalt  }
0x74: {  	_ =	shalt  }
0x75: {  	_ =	shalt  }
0x76: {  	_ =	shalt  }
0x77: {  	_ =	shalt  }
0x78: {  	_ =	shalt  }
0x79: {  	_ =	shalt  }
0x7a: {  	_ =	shalt  }
0x7b: {  	_ =	shalt  }
0x7c: {  	_ =	shalt  }
0x7d: {  	_ =	shalt  }
0x7e: {  	_ =	shalt  }
0x7f: {  	_ =	shalt  }
0x80: {  	_ =	shalt  }
0x81: {  	_ =	shalt  }
0x82: {  	_ =	shalt  }
0x83: {  	_ =	shalt  }
0x84: {  	_ =	shalt  }
0x85: {  	_ =	shalt  }
0x86: {  	_ =	shalt  }
0x87: {  	_ =	shalt  }
.Lfunc_end0:
.L_simem_size_0:
called_computation.1_lowered:
.L_overlay_start_0:
0x88: {  	s2 =	sld [smem:$0x3FD9]  }
0x89: {  	s3 =	sld [smem:$0x3FFE];
	_ =	sdelay $0x1  }
0x8a: {  	s1 =	srdreg.scid  }
0x8b: {  	s0 =	sand.u32 $0x1, s1  }
0x8c: {  	s16 =	sshll.u32 s0, $0xA;
	s2 =	sadd.s32 s3, s2  }
0x8d: {  	s2 =	sadd.s32 s2, s16  }
0x8e: {  	[smem:$0x3FB9] =	sst s2  }
0x8f: {  	_ = 	snop  }
0x90: {  	(tm) =	ssettm $0x1  }
0x91: {  	s17 =	sld [smem:$0x3FFB];
	_ =	sdelay $0x3  }
0x92: {  	_ =	strace s17  }
0x93: {  	s2 =	sld [smem:$0x3FFC];
	_ =	sdelay $0x3  }
0x94: {  	_ =	strace s2  }
0x95: {  	s2 =	sld [smem:$0x3FFD];
	_ =	sdelay $0x3  }
0x96: {  	_ =	strace s2  }
0x97: {  	_ =	strace $0x8FFFFFFF  }
0x98: {  	s18 =	sld [smem:$0x3FDB];
	_ =	sdelay $0x1  }
0x99: {  	s19 =	simm.s32 $_scs_section_size  }
0x9a: {  	s4 =	simm.s32 $_size__tile_overlayer_lowered;
	s5 =	simm.s32 $_tile_overlayer_lowered  }
0x9b: {  	s22 =	simm.s32 $0x1BFF;
	s21 =	sshll.u32 s5, $0x1;
	s2 =	sadd.s32 s19, s18  }
0x9c: {  	s6 =	simm.s32 $0x0;
	s20 =	sshll.u32 s4, $0x1;
	s4 =	sadd.s32 s21, s2  }
0x9d: {  	[timem:s6], [sflag:s22] =	dma.local [hbm:s4], s20  }
0x9e: {  	_ =	swait.ge [sflag:s22], s20  }
0x9f: {  	s3 =	ssub.s32 $0x0, s20;
	[sflag:s22] =	ssyncset.done $0x0  }
0xa0: {  	[sflag:s22] =	ssyncadd.s32 s3;
	_ =	sdelay $0x1  }
0xa1: {  	s23 =	simm.s32 $0x1B8B  }
0xa2: {  	_ =	swait.ge [sflag:s23], $0x1  }
0xa3: {  	[sflag:s23] =	ssyncset.done $0x0  }
0xa4: {  	s25 =	simm.s32 $0x1B8E;
	s24 =	sld [smem:$0x3FFE];
	[sflag:s23] =	ssyncadd.s32 $0xFFFFFFFF  }
0xa5: {  	s26 =	simm.s32 $execute0_lowered;
	[smem:$0x3FD2] =	sst s25  }
0xa6: {  	s4 =	sshll.u32 s26, $0x1;
	_ =	strace $0x80000049;
	[dreg:$0x1] =	wrdreg $0xFFFFFFFF  }
0xa7: {  	s28 =	simm.s32 $_size_execute0_lowered;
	s2 =	sadd.s32 s2, s4;
	[dreg:$0x0] =	wrdreg $0x0  }
0xa8: {  	s4 =	sshll.u32 s28, $0x1;
	[dreg:$0x2] =	wrdreg s2  }
0xa9: {  	[dreg:$0x3] =	wrdreg s4  }
0xaa: {  	[dreg:$0x4] =	wrdreg $0xC0  }
0xab: {  	_ =	task [dreg:s6], $0x5FFFF  }
0xac: {  	[dreg:$0x1] =	wrdreg $0xFFFFFFFF  }
0xad: {  	[dreg:$0x0] =	wrdreg $0x60  }
0xae: {  	[dreg:$0x2] =	wrdreg s24  }
0xaf: {  	[dreg:$0x3] =	wrdreg $0x50000  }
0xb0: {  	[dreg:$0x4] =	wrdreg $0x9  }
0xb1: {  	_ =	task.clear_ibuf [dreg:s6], $0x5FFFF;
	_ =	strace $0x90000049  }
0xb2: {  	s29 =	simm.s32 $0x9;
	_ =	strace $0x8000004B  }
0xb3: {  	_ =	swait.ge [sflag:s29], $0x1  }
0xb4: {  	[sflag:s29] =	ssyncadd.s32 $0xFFFFFFFF  }
0xb5: {  	_ =	strace $0x9000004B  }
0xb6: {  	_ =	sfence  }
0xb7: {  	s30 =	sld [smem:$0x0];
	_ =	sdelay $0x2  }
0xb8: {  	s31 =	sshll.u32 s1, $0xD;
	s1 =	sshrl.u32 s1, $0x2  }
0xb9: {  	s3 =	sand.u32 $0x4000, s31;
	s1 =	sadd.s32 s1, s30  }
0xba: {  	s0 =	sor.u32 s3, s0;
	s1 =	sshll.u32 s1, $0x11  }
0xbb: {  	s0 =	sor.u32 s1, s0  }
0xbc: {  	s0 =	sadd.s32 $0x8F2B, s0  }
0xbd: {  	[sflag:s0] =	ssyncadd.remote.s32 $0x1  }
0xbe: {  	_ =	sfence.sel $0xFFFF  }
0xbf: {  	[dreg:$0x0] =	wrdreg $0xFFFFFFFF;
	(pc) =	sbr.abs _section_cstart, $3  }
0xc0: {  	[dreg:$0x1] =	wrdreg $0xFFFFFFFF  }
0xc1: {  	_ =	task.clear_ibuf [dreg:s6], $0x2FFFF;
	_ =	strace $0x9FFFFFFF  }
0xc2: {  	(tm) =	ssettm $0x7FFFFFFF  }
0xc3: {  	_ =	shalt  }
tec
execute0_lowered:
.L_overlay_start_1:
0x0: {  	(tag) =	ssettag $0x1  }
0x1: {  	s0 =	rddreg [dreg:$0x0]  }
0x2: {  	s1 =	rddreg [dreg:$0x1]  }
0x3: {  	s3 =	simm.s32 $0x0;
	s2 =	stileid.u32;
	s7 =	srdreg.scid  }
0x4: {  	s30 =	simm.s32 $0x80;
	s31 =	simm.s32 $0x6;
	s17 =	simm.s32 $0x4  }
0x5: {  	s28 =	simm.s32 $0x0;
	[smem:$0x7FF] =	sst s3;
	s4 =	sadd.s32 $0x65A00, s0  }
0x6: {  	s11 =	smul.u32 $0x18700, s2;
	s5 =	sadd.s32 $0x34C00, s0;
	s6 =	sadd.s32 $0x1BC00, s0  }
0x7: {  	s7 =	sand.u32 $0x1, s7;
	s8 =	sadd.s32 $0x2C00, s0;
	p0 =	slt.u32 s2, $0x9  }
0x8: {  	s14 =	smin.u32 s2, $0x9;
	p3 =	sne.s32 s2, $0xF;
	p4 =	seq.s32 s2, $0xF  }
0x9: {  	s20 =	sadd.s32 $0xF5320, s0;
	s21 =	smul.u32 $0x60000, s2;
	s22 =	sadd.s32 $0x16E900, s1  }
0xa: {  	_ =	strace $0x8000004A;
	s10 =	ssub.s32 $0x2, s7;
	[dreg:$0x7] =	wrdreg s20  }
0xb: {  	p5 =	seq.s32 s7, $0x0;
	p1 =	seq.s32 s7, $0x1;
	[dreg:$0x8] =	wrdreg s22  }
0xc: {  	s14 =	sshll.u32 s14, $0xE;
	s9 =	sshrl.u32 s11, $0x3;
	s13 =	sshrl.u32 s10, $0x1  }
0xd: {  	p2 =	por !p5, !p3;
	s24 =	sadd.s32 s11, s1;
	p6 =	por !p3, !p1  }
0xe: {  	s25 =	sadd.s32 s14, s21;
	s12 =	sadd.s32 s9, s0;
	s9 =	smul.u32 $0xC800, s2  }
0xf: {  	s13 =	ssub.s32 s10, s13;
	s10 =	simm.s32 $0x19;
	p2 =	por !p2, !p2  }
0x10: {  	[dreg:$0xa] =	wrdreg s24;
	s11 =	sshrl.u32 s25, $0x2;
	s0 =	sadd.s32 $0xC4520, s0  }
0x11: {  	s24 =	simm.s32 $0x1000;
	s25 =	simm.s32 $0x5;
	s10 =	simm.s32 @!p0 $0x18  }
0x12: {  	p0 =	por !p5, !p4;
	s23 =	sadd.s32 $0xC7600, s12;
	[dreg:$0xc] =	wrdreg s0  }
0x13: {  	s26 =	sadd.s32 $0x96800, s12;
	s29 =	smax.u32 s13, $0x1;
	[dreg:$0x9] =	wrdreg s23  }
0x14: {  	s22 =	sadd.s32 s11, s1;
	p5 =	sne.s32 s7, $0x0;
	[dreg:$0xb] =	wrdreg s26  }
0x15: {  	s0 =	simm.s32 $0x2;
	s15 =	sshrl.u32 s9, $0x3;
	[dreg:$0xd] =	wrdreg s29  }
0x16: {  	s16 =	sadd.s32 s6, s15;
	s18 =	sadd.s32 s8, s15;
	s15 =	sor.u32 $0x80, s15  }
0x17: {  	[dreg:$0x3] =	wrdreg s16;
	s19 =	sadd.s32 s6, s15;
	s15 =	sadd.s32 s8, s15  }
.Ltmp0:
0x18: {  	[dreg:$0x6] =	wrdreg s15;
	s15 =	simm.s32 @!p4 $0x0;
	(pc) =	sbr.rel .LBB2_1-.Ltmp0, $4  }
0x19: {  	p0 =	por !p0, !p0;
	[dreg:$0x4] =	wrdreg s18;
	s15 =	simm.s32 @p4 $0x1  }
0x1a: {  	s26 =	simm.s32 $0x1;
	[smem:$0x7FC] =	sst s15;
	s15 =	simm.s32 @!p0 $0x0  }
0x1b: {  	s23 =	simm.s32 $0x4000;
	[dreg:$0x5] =	wrdreg s19;
	s15 =	simm.s32 @p0 $0x1  }
0x1c: {  	v0 =	vimm.f32 $0.0e+00;
	p4 =	por !p6, !p6;
	[smem:$0x7FD] =	sst s15;
	s15 =	simm.s32 $0x2000  }
.LBB2_20:
0x1d: {  	s2 =	rddreg [dreg:$0x8]  }
0x1e: {  	s11 =	rddreg [dreg:$0x7];
	s13 =	simm.s32 $0x1FC6;
	s2 =	sshrl.u32 s2, $0x3  }
0x1f: {  	[hbm:s11], [sflag:s13] =	dma.local [spmem:s2], $0x3020  }
0x20: {  	_ =	swait.ge [sflag:s31], $0x3020  }
0x21: {  	[sflag:s31] =	ssyncset.done $0x0  }
0x22: {  	p0 =	por $0x1, $0x1;
	[sflag:s31] =	ssyncadd.s32 $0xFFFFCFE0  }
.LBB2_21:
0x23: {  	p0 =	por !p0, !p1  }
0x24: {  	p0 =	por !p0, !p0  }
0x25: {  	s11 =	rddreg [dreg:$0x8];
	s2 =	sshll.u32 @p0 s12, $0x6  }
0x26: {  	s13 =	rddreg [dreg:$0xc];
	s11 =	sshrl.u32 @p0 s11, $0x3;
	s2 =	sor.u32 @p0 $0x1C06, s2  }
0x27: {  	[hbm:s13], [sflag:s2] =	dma.local @p0 [spmem:s11], $0x3020  }
0x28: {  	s2 =	simm.s32 @p0 $0x6  }
0x29: {  	_ =	swait.ge @p0 [sflag:s2], $0x3020  }
0x2a: {  	s28 =	sadd.s32 $0x1, s28;
	s29 =	rddreg [dreg:$0xd]  }
0x2b: {  	p3 =	sne.s32 s28, s29  }
.Ltmp1:
0x2c: {  	_ = 	snop;
	(pc) =	sbr.rel @!p3 .LBB2_22-.Ltmp1, $3  }
0x2d: {  	_ =	sdelay $0x1  }
0x2e: {  	[sflag:s2] =	ssyncset.done @p0 $0x0  }
0x2f: {  	[sflag:s2] =	ssyncadd.s32 @p0 $0xFFFFCFE0  }
.LBB2_1:
0x30: {  	s11 =	simm.s32 $0x80;
	s12 =	simm.s32 $0x0  }
.LBB2_2:
0x31: {  	p0 =	sne.s32 s11, $0x3F80;
	[tilespmem:s12+$0x1000] =	vst v0;
	s13 =	smov.u32 s11;
	s11 =	sadd.s32 $0x80, s11  }
.Ltmp2:
0x32: {  	[tilespmem:s12+$0x1010] =	vst v0;
	(pc) =	sbr.rel @p0 .LBB2_2-.Ltmp2, $2  }
0x33: {  	_ =	sdelay $0x2  }
0x34: {  	s12 =	sshra.s32 s13, $0x2  }
0x35: {  	[tilespmem:s12+$0x1000] =	vst v0  }
0x36: {  	[tilespmem:s12+$0x1010] =	vst v0;
	s2 =	rddreg [dreg:$0x3];
	p0 =	sne.s32 s10, $0x1  }
0x37: {  	[tilespmem:s3], [sflag:$0x1] =	stream.linear.gather [hbm4b:s2+s3], $0x400, $0x38;
	[tilespmem:$0x1D900] =	vst v63  }
.Ltmp3:
0x38: {  	_ = 	snop;
	(pc) =	sbr.rel @!p0 .LBB2_5-.Ltmp3, $4  }
0x39: {  	s29 =	rddreg [dreg:$0x4];
	s11 =	simm.s32 $0x800  }
0x3a: {  	[tilespmem:s11], [sflag:$0x1] =	stream.linear.gather [hbm4b:s29+s3], $0x400, $0x38;
	[tilespmem:$0x1D900] =	vst v63  }
0x3b: {  	s12 =	smov.u32 s22;
	s11 =	sadd.s32 $0xFFFFFFFF, s10  }
0x3c: {  	[spmem:s22] =	stream.linear.scatter [tilespmem:s24], [sflag:$0x5], $0x1000, $0x38;
	[tilespmem:$0x1D900] =	vst v63  }
.LBB2_4:
0x3d: {  	p3 =	sne.s32 s11, $0x1  }
.Ltmp4:
0x3e: {  	_ = 	snop;
	(pc) =	sbr.rel @p3 .LBB2_4-.Ltmp4, $3  }
0x3f: {  	_ = 	snop  }
0x40: {  	s11 =	sadd.s32 $0xFFFFFFFF, s11;
	s12 =	sadd.s32 $0x1000, s12;
	_ =	sdelay $0x1  }
0x41: {  	[spmem:s12] =	stream.linear.scatter [tilespmem:s24], [sflag:$0x5], $0x1000, $0x38;
	[tilespmem:$0x1D900] =	vst v63  }
.LBB2_5:
.Ltmp5:
0x42: {  	(pc) =	sbr.rel @!p0 .LBB2_7-.Ltmp5, $3  }
0x43: {  	_ =	sdelay $0x1  }
0x44: {  	_ =	swait.ge [sflag:s25], $0x1000  }
0x45: {  	s11 =	sadd.s32 $0xFFFFFFFF, s10;
	[sflag:s25] =	ssyncset.done $0x0  }
.LBB2_6:
0x46: {  	p0 =	sne.s32 s11, $0x1;
	s11 =	sadd.s32 $0xFFFFFFFF, s11;
	[sflag:s25] =	ssyncadd.s32 $0xFFFFF000  }
.Ltmp6:
0x47: {  	(pc) =	sbr.rel @p0 .LBB2_6-.Ltmp6, $3  }
0x48: {  	_ =	sdelay $0x1  }
0x49: {  	_ =	swait.ge [sflag:s25], $0x1000  }
0x4a: {  	[sflag:s25] =	ssyncset.done $0x0  }
.LBB2_7:
0x4b: {  	[sflag:s25] =	ssyncadd.s32 $0xFFFFF000  }
0x4c: {  	_ =	swait.ge [sflag:s26], $0x400  }
0x4d: {  	[sflag:s26] =	ssyncset.done $0x0  }
0x4e: {  	[sflag:s26] =	ssyncadd.s32 $0xFFFFFC00  }
0x4f: {  	_ =	swait.ge [sflag:s26], $0x400  }
0x50: {  	[sflag:s26] =	ssyncset.done $0x0  }
0x51: {  	s11 =	simm.s32 $0x400;
	s2 =	rddreg [dreg:$0x5];
	[sflag:s26] =	ssyncadd.s32 $0xFFFFFC00  }
0x52: {  	[tilespmem:s11], [sflag:$0x5] =	stream.linear.gather [hbm4b:s2+s3], $0x400, $0x38;
	[tilespmem:$0x1D900] =	vst v63  }
0x53: {  	s21 =	simm.s32 $0xC00;
	s20 =	rddreg [dreg:$0x6]  }
0x54: {  	[tilespmem:s21], [sflag:$0x5] =	stream.linear.gather [hbm4b:s20+s3], $0x400, $0x38;
	[tilespmem:$0x1D900] =	vst v63  }
0x55: {  	s12 =	simm.s32 @!p5 $0x0;
	s13 =	simm.s32 @!p5 $0x1000;
	s11 =	simm.s32 @!p5 $0x80  }
0x56: {  	[tilespmem:s13], [sflag:$0x1] =	stream.indirect.gather @!p5 [hbm4b:s4+s11], $0x20, s12, s11, $0xb8;
	[tilespmem:$0x1D900] =	vst v63  }
0x57: {  	s14 =	simm.s32 @p1 $0x1000;
	s12 =	simm.s32 @p1 $0x80;
	s13 =	simm.s32 @p1 $0x0  }
0x58: {  	[tilespmem:s14], [sflag:$0x1] =	stream.indirect.gather @p1 [hbm4b:s5+s12], $0x20, s13, s12, $0xb8;
	[tilespmem:$0x1D900] =	vst v63  }
0x59: {  	s13 =	simm.s32 @!p5 $0x2000  }
0x5a: {  	[tilespmem:s13], [sflag:$0x2] =	stream.indirect.gather @!p5 [hbm4b:s4+s11], $0x20, s11, s11, $0xb8;
	[tilespmem:$0x1D900] =	vst v63  }
0x5b: {  	s13 =	simm.s32 @p1 $0x2000  }
0x5c: {  	[tilespmem:s13], [sflag:$0x2] =	stream.indirect.gather @p1 [hbm4b:s5+s12], $0x20, s12, s12, $0xb8;
	[tilespmem:$0x1D900] =	vst v63  }
0x5d: {  	s14 =	simm.s32 @!p5 $0x3000;
	s13 =	simm.s32 @!p5 $0x100  }
0x5e: {  	[tilespmem:s14], [sflag:$0x3] =	stream.indirect.gather @!p5 [hbm4b:s4+s11], $0x20, s13, s11, $0xb8;
	[tilespmem:$0x1D900] =	vst v63  }
0x5f: {  	s13 =	simm.s32 @p1 $0x100;
	s14 =	simm.s32 @p1 $0x3000  }
0x60: {  	[tilespmem:s14], [sflag:$0x3] =	stream.indirect.gather @p1 [hbm4b:s5+s12], $0x20, s13, s12, $0xb8;
	[tilespmem:$0x1D900] =	vst v63  }
0x61: {  	s13 =	simm.s32 @!p5 $0x180;
	s14 =	simm.s32 @!p5 $0x4000  }
0x62: {  	[tilespmem:s14], [sflag:$0x4] =	stream.indirect.gather @!p5 [hbm4b:s4+s11], $0x20, s13, s11, $0xb8;
	[tilespmem:$0x1D900] =	vst v63  }
0x63: {  	s29 =	simm.s32 $0xFFFFFFFF;
	s11 =	simm.s32 @p1 $0x180;
	s13 =	simm.s32 @p1 $0x4000  }
0x64: {  	[tilespmem:s13], [sflag:$0x4] =	stream.indirect.gather @p1 [hbm4b:s5+s12], $0x20, s11, s12, $0xb8;
	[tilespmem:$0x1D900] =	vst v63  }
0x65: {  	s19 =	simm.s32 $0x0;
	s11 =	simm.s32 $0x0;
	[bflag:$0x0] =	sbarrier.arrive $0xFFFF  }
.LBB2_8:
0x66: {  	_ =	swait.ge [sflag:s26], $0x1000;
	s14 =	sand.u32 $0x4, s11;
	p0 =	sgt.u32 s29, $0x60  }
0x67: {  	s12 =	sand.u32 $0x400, s19;
	[sflag:s26] =	ssyncset.done $0x0;
	p3 =	sne.s32 @!p0 s14, $0x0  }
0x68: {  	s13 =	sor.u32 $0x800, s12;
	s21 =	sshll.u32 s14, $0x7;
	p0 =	por p0, p3  }
.Ltmp7:
0x69: {  	[sflag:s26] =	ssyncadd.s32 $0xFFFFF000;
	s12 =	sor.u32 s21, s13;
	(pc) =	sbr.rel @p0 .LBB2_10-.Ltmp7, $4  }
0x6a: {  	[spmem:s1] =	stream.indirect.scatter.add.f32 [tilespmem:s24], [sflag:$0x6], $0x20, s12, s30, $0xb8;
	[tilespmem:$0x1D900] =	vst v63  }
0x6b: {  	_ =	swait.ge [sflag:s31], $0x1000  }
0x6c: {  	[sflag:s31] =	ssyncset.done $0x0  }
0x6d: {  	s12 =	sadd.s32 $0x4, s11;
	[sflag:s31] =	ssyncadd.s32 $0xFFFFF000  }
0x6e: {  	s14 =	sand.u32 $0xFC00, s19  }
0x6f: {  	s14 =	sadd.s32 $0x400, s14  }
0x70: {  	s20 =	sadd.s32 s9, s14  }
.Ltmp8:
0x71: {  	s20 =	sshrl.u32 s20, $0x3;
	(pc) =	sbr.rel .LBB2_13-.Ltmp8, $4  }
0x72: {  	s14 =	sand.u32 $0x400, s14;
	s21 =	sadd.s32 s6, s20  }
0x73: {  	[tilespmem:s14], [sflag:$0x5] =	stream.linear.gather [hbm4b:s21+s3], $0x400, $0x38;
	[tilespmem:$0x1D900] =	vst v63  }
0x74: {  	s20 =	sadd.s32 s8, s20;
	s14 =	sor.u32 $0x800, s14  }
0x75: {  	[tilespmem:s14], [sflag:$0x5] =	stream.linear.gather [hbm4b:s20+s3], $0x400, $0x38;
	[tilespmem:$0x1D900] =	vst v63  }
.LBB2_10:
0x76: {  	p0 =	seq.s32 s19, $0xC600  }
0x77: {  	p3 =	seq.s32 @!p0 s14, $0x0  }
0x78: {  	p3 =	por p0, p3  }
.Ltmp9:
0x79: {  	_ = 	snop;
	(pc) =	sbr.rel @p3 .LBB2_12-.Ltmp9, $1  }
0x7a: {  	_ =	sdelay $0x3  }
0x7b: {  	_ =	swait.ge [sflag:s25], $0x400  }
0x7c: {  	[sflag:s25] =	ssyncset.done $0x0  }
0x7d: {  	[sflag:s25] =	ssyncadd.s32 $0xFFFFFC00  }
0x7e: {  	_ =	swait.ge [sflag:s25], $0x400  }
0x7f: {  	[sflag:s25] =	ssyncset.done $0x0  }
0x80: {  	[sflag:s25] =	ssyncadd.s32 $0xFFFFFC00  }
.LBB2_13:
0x81: {  	s14 =	sand.u32 $0x8, s12;
	s20 =	sxor.u32 $0xFFFFFFFF, s19  }
0x82: {  	s20 =	sand.u32 $0x200, s20;
	s21 =	sshll.u32 @!p5 s14, $0x7  }
0x83: {  	s2 =	simm.s32 @!p5 $0x80;
	s16 =	simm.s32 @!p5 $0x1000;
	s21 =	sadd.s32 @!p5 s20, s21  }
0x84: {  	[tilespmem:s16], [sflag:$0x1] =	stream.indirect.gather @!p5 [hbm4b:s4+s2], $0x20, s21, s2, $0xb8;
	[tilespmem:$0x1D900] =	vst v63  }
0x85: {  	s2 =	sshll.u32 @p1 s14, $0x7  }
0x86: {  	s14 =	simm.s32 @p1 $0x80;
	s16 =	simm.s32 @p1 $0x1000;
	s2 =	sadd.s32 @p1 s20, s2  }
0x87: {  	[tilespmem:s16], [sflag:$0x1] =	stream.indirect.gather @p1 [hbm4b:s5+s14], $0x20, s2, s14, $0xb8;
	[tilespmem:$0x1D900] =	vst v63  }
.LBB2_14:
0x88: {  	_ =	swait.ge [sflag:s0], $0x1000;
	s2 =	sand.u32 $0x200, s19  }
0x89: {  	[sflag:s0] =	ssyncset.done $0x0;
	s13 =	sadd.s32 s2, s13  }
0x8a: {  	[sflag:s0] =	ssyncadd.s32 $0xFFFFF000;
	s2 =	sadd.s32 $0x80, s13  }
0x8b: {  	[spmem:s1] =	stream.indirect.scatter.add.f32 [tilespmem:s15], [sflag:$0x6], $0x20, s2, s30, $0xb8;
	[tilespmem:$0x1D900] =	vst v63  }
0x8c: {  	_ =	swait.ge [sflag:s31], $0x1000  }
0x8d: {  	p6 =	seq.s32 s19, $0xC600;
	[sflag:s31] =	ssyncset.done $0x0  }
0x8e: {  	s2 =	simm.s32 @p6 $0x3;
	[sflag:s31] =	ssyncadd.s32 $0xFFFFF000  }
0x8f: {  	s14 =	simm.s32 @p6 $0x80;
	_ =	swait.ge @p6 [sflag:s2], $0x1000  }
0x90: {  	s16 =	simm.s32 @p6 $0x3000;
	p0 =	sne.s32 @!p6 s7, $0x0;
	[sflag:s2] =	ssyncset.done @p6 $0x0  }
0x91: {  	p3 =	por p0, p6;
	[sflag:s2] =	ssyncadd.s32 @p6 $0xFFFFF000;
	s2 =	sadd.s32 @p6 $0x100, s13  }
0x92: {  	[spmem:s1] =	stream.indirect.scatter.add.f32 @p6 [tilespmem:s16], [sflag:$0x6], $0x20, s2, s14, $0xb8;
	[tilespmem:$0x1D900] =	vst v63  }
0x93: {  	p0 =	por !p1, p6;
	s2 =	simm.s32 @p6 $0x6;
	s14 =	sadd.s32 @!p6 $0x5, s11  }
0x94: {  	s20 =	simm.s32 @!p3 $0x80;
	_ =	swait.ge @p6 [sflag:s2], $0x1000;
	s14 =	sshrl.u32 @!p6 s14, $0x3  }
0x95: {  	s16 =	sadd.s32 @!p6 $0x280, s19;
	[sflag:s2] =	ssyncset.done @p6 $0x0;
	s14 =	sand.u32 @!p6 $0x1, s14  }
0x96: {  	[sflag:s2] =	ssyncadd.s32 @p6 $0xFFFFF000;
	s2 =	sand.u32 @!p6 $0x280, s16;
	s16 =	sshll.u32 @!p3 s14, $0xA  }
0x97: {  	s21 =	simm.s32 @!p3 $0x2000;
	s14 =	sshll.u32 @!p0 s14, $0xA;
	s16 =	sor.u32 @!p3 s2, s16  }
0x98: {  	[tilespmem:s21], [sflag:$0x2] =	stream.indirect.gather @!p3 [hbm4b:s4+s20], $0x20, s16, s20, $0xb8;
	[tilespmem:$0x1D900] =	vst v63  }
0x99: {  	s2 =	sor.u32 @!p0 s2, s14;
	s14 =	simm.s32 @!p0 $0x80;
	s16 =	simm.s32 @!p0 $0x2000  }
0x9a: {  	[tilespmem:s16], [sflag:$0x2] =	stream.indirect.gather @!p0 [hbm4b:s5+s14], $0x20, s2, s14, $0xb8;
	[tilespmem:$0x1D900] =	vst v63  }
0x9b: {  	s2 =	simm.s32 @!p6 $0x3  }
0x9c: {  	_ =	swait.ge @!p6 [sflag:s2], $0x1000  }
0x9d: {  	s21 =	simm.s32 @!p6 $0x3000;
	[sflag:s2] =	ssyncset.done @!p6 $0x0  }
0x9e: {  	s16 =	simm.s32 @!p6 $0x80;
	[sflag:s2] =	ssyncadd.s32 @!p6 $0xFFFFF000;
	s2 =	sadd.s32 @!p6 $0x100, s13  }
0x9f: {  	[spmem:s1] =	stream.indirect.scatter.add.f32 @!p6 [tilespmem:s21], [sflag:$0x6], $0x20, s2, s16, $0xb8;
	[tilespmem:$0x1D900] =	vst v63  }
0xa0: {  	s2 =	sadd.s32 @!p6 $0x6, s11;
	s16 =	simm.s32 @!p6 $0x6  }
0xa1: {  	s2 =	sshrl.u32 @!p6 s2, $0x3;
	_ =	swait.ge @!p6 [sflag:s16], $0x1000  }
0xa2: {  	s21 =	sadd.s32 @!p6 $0x300, s19;
	s2 =	sand.u32 @!p6 $0x1, s2;
	[sflag:s16] =	ssyncset.done @!p6 $0x0  }
0xa3: {  	s21 =	sand.u32 @!p6 $0x300, s21;
	s18 =	sshll.u32 @!p3 s2, $0xA;
	[sflag:s16] =	ssyncadd.s32 @!p6 $0xFFFFF000  }
0xa4: {  	s2 =	sshll.u32 @!p0 s2, $0xA;
	s16 =	sor.u32 @!p3 s21, s18;
	s18 =	simm.s32 @!p3 $0x3000  }
0xa5: {  	[tilespmem:s18], [sflag:$0x3] =	stream.indirect.gather @!p3 [hbm4b:s4+s20], $0x20, s16, s20, $0xb8;
	[tilespmem:$0x1D900] =	vst v63  }
0xa6: {  	s2 =	sor.u32 @!p0 s21, s2;
	s16 =	simm.s32 @!p0 $0x3000  }
0xa7: {  	[tilespmem:s16], [sflag:$0x3] =	stream.indirect.gather @!p0 [hbm4b:s5+s14], $0x20, s2, s14, $0xb8;
	[tilespmem:$0x1D900] =	vst v63  }
0xa8: {  	_ =	swait.ge [sflag:s17], $0x1000  }
0xa9: {  	[sflag:s17] =	ssyncset.done $0x0  }
.Ltmp10:
0xaa: {  	s21 =	sadd.s32 $0x180, s13;
	[sflag:s17] =	ssyncadd.s32 $0xFFFFF000;
	(pc) =	sbr.rel @p6 .LBB2_16-.Ltmp10, $4  }
0xab: {  	[spmem:s1] =	stream.indirect.scatter.add.f32 [tilespmem:s23], [sflag:$0x6], $0x20, s21, s30, $0xb8;
	[tilespmem:$0x1D900] =	vst v63  }
0xac: {  	_ =	swait.ge [sflag:s31], $0x1000  }
0xad: {  	[sflag:s31] =	ssyncset.done $0x0  }
0xae: {  	[sflag:s31] =	ssyncadd.s32 $0xFFFFF000  }
0xaf: {  	s2 =	sadd.s32 $0x7, s11  }
0xb0: {  	s2 =	sshrl.u32 s2, $0x3  }
0xb1: {  	s21 =	sadd.s32 $0x380, s19;
	s14 =	simm.s32 @!p5 $0x80;
	s2 =	sand.u32 $0x1, s2  }
0xb2: {  	s16 =	simm.s32 @!p5 $0x4000;
	s11 =	sand.u32 $0x380, s21;
	s13 =	sshll.u32 @!p5 s2, $0xA  }
.Ltmp11:
0xb3: {  	s2 =	sshll.u32 @p1 s2, $0xA;
	s13 =	sor.u32 @!p5 s11, s13;
	(pc) =	sbr.rel .LBB2_8-.Ltmp11, $4  }
0xb4: {  	[tilespmem:s16], [sflag:$0x4] =	stream.indirect.gather @!p5 [hbm4b:s4+s14], $0x20, s13, s14, $0xb8;
	[tilespmem:$0x1D900] =	vst v63  }
0xb5: {  	s2 =	sor.u32 @p1 s11, s2;
	s11 =	simm.s32 @p1 $0x80;
	s13 =	simm.s32 @p1 $0x4000  }
0xb6: {  	[tilespmem:s13], [sflag:$0x4] =	stream.indirect.gather @p1 [hbm4b:s5+s11], $0x20, s2, s11, $0xb8;
	[tilespmem:$0x1D900] =	vst v63  }
0xb7: {  	s19 =	sadd.s32 $0x200, s19;
	s29 =	sadd.s32 $0x1, s29;
	s11 =	smov.u32 s12  }
.LBB2_12:
.Ltmp12:
0xb8: {  	(pc) =	sbr.rel @p0 .LBB2_14-.Ltmp12, $4  }
.Ltmp13:
0xb9: {  	(pc) =	sbr.rel @!p0 .LBB2_13-.Ltmp13, $4  }
0xba: {  	_ = 	snop  }
0xbb: {  	_ = 	snop  }
0xbc: {  	_ = 	snop  }
0xbd: {  	_ = 	snop  }
.LBB2_16:
.Ltmp14:
0xbe: {  	(pc) =	sbr.rel @!p2 .LBB2_19-.Ltmp14, $2  }
0xbf: {  	_ =	sdelay $0x1  }
0xc0: {  	[bflag:$0x0] =	sbarrier.arrive $0xFFFF;
	_ =	sdelay $0x1  }
0xc1: {  	s12 =	stileid.u32;
	s11 =	rddreg [dreg:$0xa]  }
0xc2: {  	s13 =	rddreg [dreg:$0x9];
	s2 =	sshll.u32 s12, $0x6  }
.Ltmp15:
0xc3: {  	s11 =	sshrl.u32 s11, $0x3;
	s2 =	sor.u32 $0x1C06, s2;
	(pc) =	sbr.rel .LBB2_18-.Ltmp15, $4  }
0xc4: {  	[hbm:s13], [sflag:s2] =	dma.local [spmem:s11], $0x30E0  }
0xc5: {  	_ =	swait.ge [sflag:s31], $0x30E0  }
0xc6: {  	[sflag:s31] =	ssyncset.done $0x0  }
0xc7: {  	p0 =	por $0x0, $0x0;
	[sflag:s31] =	ssyncadd.s32 $0xFFFFCF20  }
.LBB2_19:
0xc8: {  	s29 =	sld [smem:$0x7FD];
	_ =	sdelay $0x2  }
0xc9: {  	p3 =	seq.s32 s29, $0x1  }
.Ltmp16:
0xca: {  	_ = 	snop;
	(pc) =	sbr.rel @p3 .LBB2_20-.Ltmp16, $2  }
0xcb: {  	s2 =	sld [smem:$0x7FC];
	_ =	sdelay $0x2  }
0xcc: {  	s12 =	stileid.u32;
	p0 =	seq.s32 s2, $0x1  }
.LBB2_18:
0xcd: {  	s2 =	sshll.u32 @p4 s12, $0x6;
	s11 =	rddreg [dreg:$0xa]  }
0xce: {  	s13 =	rddreg [dreg:$0xb];
	s2 =	sor.u32 @p4 $0x1C06, s2;
	s11 =	sshrl.u32 @p4 s11, $0x3  }
0xcf: {  	[hbm:s13], [sflag:s2] =	dma.local @p4 [spmem:s11], $0x30E0  }
.Ltmp17:
0xd0: {  	_ = 	snop;
	(pc) =	sbr.rel .LBB2_21-.Ltmp17, $4  }
0xd1: {  	s2 =	simm.s32 @p4 $0x6  }
0xd2: {  	_ =	swait.ge @p4 [sflag:s2], $0x30E0  }
0xd3: {  	[sflag:s2] =	ssyncset.done @p4 $0x0  }
0xd4: {  	[sflag:s2] =	ssyncadd.s32 @p4 $0xFFFFCF20  }
.LBB2_22:
0xd5: {  	_ =	sfence.sel $0x180000  }
0xd6: {  	[bflag:$0x0] =	sbarrier.arrive $0xFFFF  }
0xd7: {  	_ =	strace $0x9000004A  }
0xd8: {  	[bflag:$0x2] =	sbarrier.arrive $0xFFFF  }
0xd9: {  	p0 =	sne.s32 s12, $0x0;
	s0 =	rddreg [dreg:$0x2]  }
0xda: {  	s0 =	sadd.s32 @!p0 $0x100000, s0  }
0xdb: {  	[sflag:s0] =	ssyncadd.tile.s32 @!p0 $0x1;
	_ =	shalt  }
.Lfunc_end2:
_tile_overlayer_lowered:
.L_overlay_start_2:
0xdc: {  	(tag) =	ssettag $0x2  }
0xdd: {  	s0 =	rddreg [dreg:$0x0];
	s2 =	stileid.u32  }
0xde: {  	s1 =	rddreg [dreg:$0x1];
	p0 =	sne.s32 s2, $0x0  }
0xdf: {  	s3 =	rddreg [dreg:$0x2];
	[bflag:$0x3] =	sbarrier.arrive $0xFFFF;
	s2 =	simm.s32 @!p0 $0x1C06  }
0xe0: {  	[timem:s3], [sflag:s2] =	dma.local @!p0 [hbm:s0], s1  }
0xe1: {  	s0 =	simm.s32 @!p0 $0x6  }
0xe2: {  	_ =	swait.ge @!p0 [sflag:s0], s1  }
0xe3: {  	s1 =	ssub.s32 @!p0 $0x0, s1;
	[sflag:s0] =	ssyncset.done @!p0 $0x0  }
0xe4: {  	[sflag:s0] =	ssyncadd.s32 @!p0 s1  }
0xe5: {  	[bflag:$0x3] =	sbarrier.arrive $0xFFFF  }
0xe6: {  	_ =	shalt  }

// kernel: kernel.8.cloned.1.call-start
scs
__scs_entry_jumppad:
0x0: {  	(pc) =	sbr.rel $0x88, $3  }
0x1: {  	(tag) =	ssettag $0x0;
	lr =	simm.s32 $0x1  }
0x2: {  	[smem:$0x3F92] =	sst lr;
	_ =	strace $0xD0000000  }
0x3: {  	_ = 	snop  }
0x4: {  	_ = 	snop  }
0x5: {  	_ = 	snop  }
0x6: {  	_ = 	snop  }
0x7: {  	_ = 	snop  }
__scs_overlays_trampoline_lowered:
0x8: {  	[smem:$0x3FA1] =	sst s0  }
0x9: {  	[smem:$0x3FA2] =	sst s1  }
0xa: {  	[smem:$0x3FA3] =	sst s2  }
0xb: {  	[smem:$0x3FA4] =	sst s3  }
0xc: {  	[smem:$0x3FA5] =	sst s4  }
0xd: {  	[smem:$0x3FA6] =	sst s5  }
0xe: {  	[smem:$0x3FA7] =	sst s6  }
0xf: {  	[smem:$0x3FA8] =	sst s7  }
0x10: {  	[smem:$0x3FA9] =	sst s8  }
0x11: {  	[smem:$0x3FAA] =	sst s9;
	s0 =	simm.s32 @!p0 $0x0  }
0x12: {  	s1 =	sld [smem:$0x3F90];
	s0 =	simm.s32 @p0 $0x1  }
0x13: {  	[smem:$0x3FAB] =	sst s0;
	s0 =	simm.s32 @!p1 $0x0  }
0x14: {  	s2 =	sld [smem:$0x3F8F];
	s0 =	simm.s32 @p1 $0x1  }
0x15: {  	[smem:$0x3FAC] =	sst s0;
	s0 =	simm.s32 @!p2 $0x0  }
0x16: {  	s3 =	sld [smem:$0x3FDB];
	s0 =	simm.s32 @p2 $0x1  }
0x17: {  	s4 =	simm.s32 $0x1BF5;
	[smem:$0x3FAE] =	sst s0  }
0x18: {  	s0 =	sld [smem:$0x3F91];
	_ =	swait.ge [sflag:s4], $0x0  }
0x19: {  	s7 =	sld [smem:$0x3F92]  }
0x1a: {  	s8 =	sadd.s32 $0xFFFFE003, lr  }
0x1b: {  	s9 =	sadd.s32 $0xFFFFFEF7, lr;
	s5 =	simm.s32 $0xFFFFFFFF;
	p2 =	slt.u32 s8, $0xFFFFF086  }
0x1c: {  	p1 =	slt.u32 s9, $0xF7A;
	s5 =	simm.s32 @!p2 $0x0  }
0x1d: {  	s5 =	simm.s32 @p1 $0x1;
	p0 =	seq.s32 s7, s2  }
0x1e: {  	s7 =	smul.u32 @!p0 $0xF7A, s2;
	p2 =	seq.s32 @!p0 s5, $0x0  }
0x1f: {  	s9 =	smul.u32 $0xF7A, s1;
	s8 =	simm.s32 @!p0 $0x1BF5;
	p2 =	por !p2, p0  }
0x20: {  	[sflag:s8] =	ssyncset.s32 @!p0 $0xFFFFF086;
	s6 =	sadd.s32 @!p0 s3, s7;
	s7 =	simm.s32 @!p0 $0x108  }
0x21: {  	s3 =	sadd.s32 s3, s9;
	s6 =	sadd.s32 @!p0 $0x88, s6;
	s7 =	simm.s32 @p2 $0x1082  }
0x22: {  	[simem:s7], [sflag:s8] =	dma.local @!p0 [hbm:s6], $0xF7A  }
0x23: {  	s9 =	sor.u32 $0xD0000000, s2;
	s6 =	simm.s32 $0x108;
	_ =	swait.ge @!p0 [sflag:s8], $0x0  }
0x24: {  	s3 =	sadd.s32 $0x88, s3;
	s6 =	simm.s32 @!p1 $0x1082;
	[sflag:s4] =	ssyncset.s32 $0xFFFFF086  }
0x25: {  	[simem:s6], [sflag:s4] =	dma.local [hbm:s3], $0xF7A  }
0x26: {  	[smem:$0x3F92] =	sst s1;
	(tag) =	ssettag s2;
	_ =	strace s9  }
0x27: {  	s1 =	sld [smem:$0x3FA2]  }
0x28: {  	s2 =	sld [smem:$0x3FA3]  }
0x29: {  	s4 =	sld [smem:$0x3FA5]  }
0x2a: {  	p0 =	seq.s32 s5, $0x0;
	s5 =	sld [smem:$0x3FA6]  }
0x2b: {  	s6 =	sld [smem:$0x3FA7]  }
0x2c: {  	s7 =	sld [smem:$0x3FA8]  }
0x2d: {  	s3 =	simm.s32 $0x108;
	s8 =	sld [smem:$0x3FA9]  }
0x2e: {  	s3 =	simm.s32 @!p0 $0x1082;
	s9 =	sld [smem:$0x3FAA]  }
0x2f: {  	lr =	sadd.s32 s0, s3;
	s0 =	sld [smem:$0x3FA1]  }
0x30: {  	s3 =	sld [smem:$0x3FA4]  }
0x31: {  	[smem:$0x3FAD] =	sst s10  }
0x32: {  	s10 =	sld [smem:$0x3FAB];
	_ =	sdelay $0x3  }
0x33: {  	p0 =	seq.s32 s10, $0x1;
	s10 =	sld [smem:$0x3FAD];
	_ =	sdelay $0x3  }
0x34: {  	[smem:$0x3FAD] =	sst s10  }
0x35: {  	s10 =	sld [smem:$0x3FAC];
	_ =	sdelay $0x3  }
0x36: {  	p1 =	seq.s32 s10, $0x1;
	s10 =	sld [smem:$0x3FAD];
	_ =	sdelay $0x3  }
0x37: {  	[smem:$0x3FAD] =	sst s10  }
0x38: {  	s10 =	sld [smem:$0x3FAE]  }
0x39: {  	_ = 	snop;
	(pc) =	sbr.ind lr, $3  }
0x3a: {  	_ = 	snop  }
0x3b: {  	_ = 	snop  }
0x3c: {  	p2 =	seq.s32 s10, $0x1;
	s10 =	sld [smem:$0x3FAD]  }
0x3d: {  	_ =	shalt  }
0x3e: {  	_ =	shalt  }
0x3f: {  	_ =	shalt  }
0x40: {  	_ =	shalt  }
0x41: {  	_ =	shalt  }
0x42: {  	_ =	shalt  }
0x43: {  	_ =	shalt  }
0x44: {  	_ =	shalt  }
0x45: {  	_ =	shalt  }
0x46: {  	_ =	shalt  }
0x47: {  	_ =	shalt  }
0x48: {  	_ =	shalt  }
0x49: {  	_ =	shalt  }
0x4a: {  	_ =	shalt  }
0x4b: {  	_ =	shalt  }
0x4c: {  	_ =	shalt  }
0x4d: {  	_ =	shalt  }
0x4e: {  	_ =	shalt  }
0x4f: {  	_ =	shalt  }
0x50: {  	_ =	shalt  }
0x51: {  	_ =	shalt  }
0x52: {  	_ =	shalt  }
0x53: {  	_ =	shalt  }
0x54: {  	_ =	shalt  }
0x55: {  	_ =	shalt  }
0x56: {  	_ =	shalt  }
0x57: {  	_ =	shalt  }
0x58: {  	_ =	shalt  }
0x59: {  	_ =	shalt  }
0x5a: {  	_ =	shalt  }
0x5b: {  	_ =	shalt  }
0x5c: {  	_ =	shalt  }
0x5d: {  	_ =	shalt  }
0x5e: {  	_ =	shalt  }
0x5f: {  	_ =	shalt  }
0x60: {  	_ =	shalt  }
0x61: {  	_ =	shalt  }
0x62: {  	_ =	shalt  }
0x63: {  	_ =	shalt  }
0x64: {  	_ =	shalt  }
0x65: {  	_ =	shalt  }
0x66: {  	_ =	shalt  }
0x67: {  	_ =	shalt  }
0x68: {  	_ =	shalt  }
0x69: {  	_ =	shalt  }
0x6a: {  	_ =	shalt  }
0x6b: {  	_ =	shalt  }
0x6c: {  	_ =	shalt  }
0x6d: {  	_ =	shalt  }
0x6e: {  	_ =	shalt  }
0x6f: {  	_ =	shalt  }
0x70: {  	_ =	shalt  }
0x71: {  	_ =	shalt  }
0x72: {  	_ =	shalt  }
0x73: {  	_ =	shalt  }
0x74: {  	_ =	shalt  }
0x75: {  	_ =	shalt  }
0x76: {  	_ =	shalt  }
0x77: {  	_ =	shalt  }
0x78: {  	_ =	shalt  }
0x79: {  	_ =	shalt  }
0x7a: {  	_ =	shalt  }
0x7b: {  	_ =	shalt  }
0x7c: {  	_ =	shalt  }
0x7d: {  	_ =	shalt  }
0x7e: {  	_ =	shalt  }
0x7f: {  	_ =	shalt  }
0x80: {  	_ =	shalt  }
0x81: {  	_ =	shalt  }
0x82: {  	_ =	shalt  }
0x83: {  	_ =	shalt  }
0x84: {  	_ =	shalt  }
0x85: {  	_ =	shalt  }
0x86: {  	_ =	shalt  }
0x87: {  	_ =	shalt  }
.Lfunc_end0:
.L_simem_size_0:
called_computation_lowered:
.L_overlay_start_0:
0x88: {  	s2 =	sld [smem:$0x3FD9]  }
0x89: {  	s3 =	sld [smem:$0x3FFE];
	_ =	sdelay $0x1  }
0x8a: {  	s1 =	srdreg.scid  }
0x8b: {  	s0 =	sand.u32 $0x1, s1  }
0x8c: {  	s16 =	sshll.u32 s0, $0xA;
	s2 =	sadd.s32 s3, s2  }
0x8d: {  	s2 =	sadd.s32 s2, s16  }
0x8e: {  	[smem:$0x3FB9] =	sst s2  }
0x8f: {  	_ = 	snop  }
0x90: {  	(tm) =	ssettm $0x1  }
0x91: {  	s17 =	sld [smem:$0x3FFB];
	_ =	sdelay $0x3  }
0x92: {  	_ =	strace s17  }
0x93: {  	s2 =	sld [smem:$0x3FFC];
	_ =	sdelay $0x3  }
0x94: {  	_ =	strace s2  }
0x95: {  	s2 =	sld [smem:$0x3FFD];
	_ =	sdelay $0x3  }
0x96: {  	_ =	strace s2  }
0x97: {  	_ =	strace $0x8FFFFFFF  }
0x98: {  	s18 =	sld [smem:$0x3FDB];
	_ =	sdelay $0x1  }
0x99: {  	s19 =	simm.s32 $_scs_section_size  }
0x9a: {  	s4 =	simm.s32 $_size__tile_overlayer_lowered;
	s5 =	simm.s32 $_tile_overlayer_lowered  }
0x9b: {  	s22 =	simm.s32 $0x1BFF;
	s21 =	sshll.u32 s5, $0x1;
	s2 =	sadd.s32 s19, s18  }
0x9c: {  	s6 =	simm.s32 $0x0;
	s20 =	sshll.u32 s4, $0x1;
	s4 =	sadd.s32 s21, s2  }
0x9d: {  	[timem:s6], [sflag:s22] =	dma.local [hbm:s4], s20  }
0x9e: {  	_ =	swait.ge [sflag:s22], s20  }
0x9f: {  	s3 =	ssub.s32 $0x0, s20;
	[sflag:s22] =	ssyncset.done $0x0  }
0xa0: {  	[sflag:s22] =	ssyncadd.s32 s3;
	_ =	sdelay $0x1  }
0xa1: {  	s23 =	simm.s32 $0x1B8B  }
0xa2: {  	_ =	swait.ge [sflag:s23], $0x1  }
0xa3: {  	[sflag:s23] =	ssyncset.done $0x0  }
0xa4: {  	s25 =	simm.s32 $0x1B8E;
	s24 =	sld [smem:$0x3FFE];
	[sflag:s23] =	ssyncadd.s32 $0xFFFFFFFF  }
0xa5: {  	s26 =	simm.s32 $execute0_lowered;
	[smem:$0x3FD2] =	sst s25  }
0xa6: {  	s4 =	sshll.u32 s26, $0x1;
	_ =	strace $0x80000046;
	[dreg:$0x1] =	wrdreg $0xFFFFFFFF  }
0xa7: {  	s28 =	simm.s32 $_size_execute0_lowered;
	s2 =	sadd.s32 s2, s4;
	[dreg:$0x0] =	wrdreg $0x0  }
0xa8: {  	s4 =	sshll.u32 s28, $0x1;
	[dreg:$0x2] =	wrdreg s2  }
0xa9: {  	[dreg:$0x3] =	wrdreg s4  }
0xaa: {  	[dreg:$0x4] =	wrdreg $0xC0  }
0xab: {  	_ =	task [dreg:s6], $0x5FFFF  }
0xac: {  	[dreg:$0x1] =	wrdreg $0xFFFFFFFF  }
0xad: {  	[dreg:$0x0] =	wrdreg $0x60  }
0xae: {  	[dreg:$0x2] =	wrdreg s24  }
0xaf: {  	[dreg:$0x3] =	wrdreg $0x50000  }
0xb0: {  	[dreg:$0x4] =	wrdreg $0x9  }
0xb1: {  	_ =	task.clear_ibuf [dreg:s6], $0x5FFFF;
	_ =	strace $0x90000046  }
0xb2: {  	s29 =	simm.s32 $0x9;
	_ =	strace $0x80000048  }
0xb3: {  	_ =	swait.ge [sflag:s29], $0x1  }
0xb4: {  	[sflag:s29] =	ssyncadd.s32 $0xFFFFFFFF  }
0xb5: {  	_ =	strace $0x90000048  }
0xb6: {  	_ =	sfence  }
0xb7: {  	s30 =	sld [smem:$0x0];
	_ =	sdelay $0x2  }
0xb8: {  	s31 =	sshll.u32 s1, $0xD;
	s1 =	sshrl.u32 s1, $0x2  }
0xb9: {  	s3 =	sand.u32 $0x4000, s31;
	s1 =	sadd.s32 s1, s30  }
0xba: {  	s0 =	sor.u32 s3, s0;
	s1 =	sshll.u32 s1, $0x11  }
0xbb: {  	s0 =	sor.u32 s1, s0  }
0xbc: {  	s0 =	sadd.s32 $0x8F2B, s0  }
0xbd: {  	[sflag:s0] =	ssyncadd.remote.s32 $0x1  }
0xbe: {  	_ =	sfence.sel $0xFFFF  }
0xbf: {  	[dreg:$0x0] =	wrdreg $0xFFFFFFFF;
	(pc) =	sbr.abs _section_cstart, $3  }
0xc0: {  	[dreg:$0x1] =	wrdreg $0xFFFFFFFF  }
0xc1: {  	_ =	task.clear_ibuf [dreg:s6], $0x2FFFF;
	_ =	strace $0x9FFFFFFF  }
0xc2: {  	(tm) =	ssettm $0x7FFFFFFF  }
0xc3: {  	_ =	shalt  }
tec
execute0_lowered:
.L_overlay_start_1:
0x0: {  	(tag) =	ssettag $0x1  }
0x1: {  	s0 =	rddreg [dreg:$0x0]  }
0x2: {  	s2 =	rddreg [dreg:$0x1];
	s3 =	simm.s32 $0x0;
	s1 =	stileid.u32  }
0x3: {  	s4 =	srdreg.scid;
	s29 =	simm.s32 $0x80;
	s30 =	simm.s32 $0x6  }
0x4: {  	s31 =	simm.s32 $0x2;
	[smem:$0x7FF] =	sst s3;
	s10 =	smul.u32 $0x18700, s1  }
0x5: {  	s4 =	sand.u32 $0x1, s4;
	s5 =	sadd.s32 $0x34C00, s0;
	s6 =	sadd.s32 $0x1BC00, s0  }
0x6: {  	s12 =	smul.u32 $0xC8, s1;
	s7 =	sadd.s32 $0x2C00, s0;
	p0 =	slt.u32 s1, $0x9  }
0x7: {  	s16 =	smin.u32 s1, $0x9;
	p3 =	sne.s32 s1, $0xF;
	p4 =	seq.s32 s1, $0xF  }
0x8: {  	s21 =	sadd.s32 $0xC4520, s0;
	s22 =	smul.u32 $0x60000, s1;
	s23 =	sadd.s32 $0x16E900, s2  }
0x9: {  	_ =	strace $0x80000047;
	s9 =	smul.u32 $0xC80, s4;
	s11 =	ssub.s32 $0x2, s4  }
0xa: {  	p5 =	seq.s32 s4, $0x0;
	p1 =	seq.s32 s4, $0x1;
	[dreg:$0x7] =	wrdreg s21  }
0xb: {  	[dreg:$0x8] =	wrdreg s23;
	s16 =	sshll.u32 s16, $0xE;
	s23 =	simm.s32 $0x1000  }
0xc: {  	s8 =	sshrl.u32 s10, $0x3;
	s13 =	sshrl.u32 s11, $0x1;
	p2 =	por !p5, !p3  }
0xd: {  	s17 =	sadd.s32 s10, s2;
	p6 =	por !p3, !p1;
	s25 =	sadd.s32 s16, s22  }
0xe: {  	s16 =	simm.s32 $0x4000;
	s22 =	simm.s32 $0x0;
	s14 =	sadd.s32 s8, s0  }
0xf: {  	s8 =	simm.s32 $0x19;
	s12 =	sadd.s32 s12, s9;
	s11 =	ssub.s32 s11, s13  }
0x10: {  	p2 =	por !p2, !p2;
	s10 =	sshrl.u32 s25, $0x2;
	s0 =	sadd.s32 $0x93720, s0  }
0x11: {  	s25 =	simm.s32 $0x1;
	s8 =	simm.s32 @!p0 $0x18;
	s9 =	sshll.u32 s12, $0x7  }
0x12: {  	s12 =	sshll.u32 s12, $0x4;
	p0 =	por !p5, !p4;
	s24 =	sadd.s32 $0x96800, s14  }
0x13: {  	s26 =	sadd.s32 $0x65A00, s14;
	[dreg:$0xb] =	wrdreg s0;
	s28 =	smax.u32 s11, $0x1  }
0x14: {  	s21 =	sadd.s32 s10, s2;
	p5 =	sne.s32 s4, $0x0;
	[dreg:$0x9] =	wrdreg s24  }
0x15: {  	s19 =	sshrl.u32 s9, $0x3;
	s15 =	sadd.s32 s6, s12;
	[dreg:$0xa] =	wrdreg s26  }
0x16: {  	s12 =	sadd.s32 s7, s12;
	[dreg:$0xc] =	wrdreg s28;
	s20 =	sadd.s32 $0x80, s19  }
0x17: {  	s0 =	simm.s32 $0x2000;
	[dreg:$0x4] =	wrdreg s12;
	s12 =	sadd.s32 s7, s20  }
.Ltmp0:
0x18: {  	[dreg:$0x6] =	wrdreg s12;
	s12 =	simm.s32 @!p4 $0x0;
	(pc) =	sbr.rel .LBB2_1-.Ltmp0, $4  }
0x19: {  	p0 =	por !p0, !p0;
	[dreg:$0x3] =	wrdreg s15;
	s12 =	simm.s32 @p4 $0x1  }
0x1a: {  	s13 =	sadd.s32 s6, s20;
	[smem:$0x7FC] =	sst s12;
	s12 =	simm.s32 @!p0 $0x0  }
0x1b: {  	s14 =	simm.s32 $0x4;
	[dreg:$0x5] =	wrdreg s13;
	s12 =	simm.s32 @p0 $0x1  }
0x1c: {  	v0 =	vimm.f32 $0.0e+00;
	s24 =	simm.s32 $0x5;
	p4 =	por !p6, !p6;
	[smem:$0x7FD] =	sst s12  }
.LBB2_20:
0x1d: {  	s1 =	rddreg [dreg:$0x8]  }
0x1e: {  	s10 =	rddreg [dreg:$0x7];
	s12 =	simm.s32 $0x1FC6;
	s1 =	sshrl.u32 s1, $0x3  }
0x1f: {  	[hbm:s10], [sflag:s12] =	dma.local [spmem:s1], $0x3020  }
0x20: {  	_ =	swait.ge [sflag:s30], $0x3020  }
0x21: {  	[sflag:s30] =	ssyncset.done $0x0  }
0x22: {  	p0 =	por $0x1, $0x1;
	[sflag:s30] =	ssyncadd.s32 $0xFFFFCFE0  }
.LBB2_21:
0x23: {  	p0 =	por !p0, !p1  }
0x24: {  	p0 =	por !p0, !p0  }
0x25: {  	s10 =	rddreg [dreg:$0x8];
	s1 =	sshll.u32 @p0 s11, $0x6  }
0x26: {  	s12 =	rddreg [dreg:$0xb];
	s10 =	sshrl.u32 @p0 s10, $0x3;
	s1 =	sor.u32 @p0 $0x1C06, s1  }
0x27: {  	[hbm:s12], [sflag:s1] =	dma.local @p0 [spmem:s10], $0x3020  }
0x28: {  	s1 =	simm.s32 @p0 $0x6  }
0x29: {  	_ =	swait.ge @p0 [sflag:s1], $0x3020  }
0x2a: {  	s22 =	sadd.s32 $0x1, s22;
	s28 =	rddreg [dreg:$0xc]  }
0x2b: {  	p3 =	sne.s32 s22, s28  }
.Ltmp1:
0x2c: {  	_ = 	snop;
	(pc) =	sbr.rel @!p3 .LBB2_22-.Ltmp1, $3  }
0x2d: {  	_ =	sdelay $0x1  }
0x2e: {  	[sflag:s1] =	ssyncset.done @p0 $0x0  }
0x2f: {  	[sflag:s1] =	ssyncadd.s32 @p0 $0xFFFFCFE0  }
.LBB2_1:
0x30: {  	s10 =	simm.s32 $0x80;
	s11 =	simm.s32 $0x0  }
.LBB2_2:
0x31: {  	p0 =	sne.s32 s10, $0x3F80;
	[tilespmem:s11+$0x1000] =	vst v0;
	s12 =	smov.u32 s10;
	s10 =	sadd.s32 $0x80, s10  }
.Ltmp2:
0x32: {  	[tilespmem:s11+$0x1010] =	vst v0;
	(pc) =	sbr.rel @p0 .LBB2_2-.Ltmp2, $2  }
0x33: {  	_ =	sdelay $0x2  }
0x34: {  	s11 =	sshra.s32 s12, $0x2  }
0x35: {  	[tilespmem:s11+$0x1000] =	vst v0  }
0x36: {  	[tilespmem:s11+$0x1010] =	vst v0;
	s1 =	rddreg [dreg:$0x3];
	p0 =	sne.s32 s8, $0x1  }
0x37: {  	[tilespmem:s3], [sflag:$0x1] =	stream.linear.gather [hbm4b:s1+s3], $0x400, $0x38;
	[tilespmem:$0x1D900] =	vst v63  }
.Ltmp3:
0x38: {  	_ = 	snop;
	(pc) =	sbr.rel @!p0 .LBB2_5-.Ltmp3, $4  }
0x39: {  	s28 =	rddreg [dreg:$0x4];
	s10 =	simm.s32 $0x800  }
0x3a: {  	[tilespmem:s10], [sflag:$0x1] =	stream.linear.gather [hbm4b:s28+s3], $0x400, $0x38;
	[tilespmem:$0x1D900] =	vst v63  }
0x3b: {  	s11 =	smov.u32 s21;
	s10 =	sadd.s32 $0xFFFFFFFF, s8  }
0x3c: {  	[spmem:s21] =	stream.linear.scatter [tilespmem:s23], [sflag:$0x5], $0x1000, $0x38;
	[tilespmem:$0x1D900] =	vst v63  }
.LBB2_4:
0x3d: {  	p3 =	sne.s32 s10, $0x1  }
.Ltmp4:
0x3e: {  	_ = 	snop;
	(pc) =	sbr.rel @p3 .LBB2_4-.Ltmp4, $3  }
0x3f: {  	_ = 	snop  }
0x40: {  	s10 =	sadd.s32 $0xFFFFFFFF, s10;
	s11 =	sadd.s32 $0x1000, s11;
	_ =	sdelay $0x1  }
0x41: {  	[spmem:s11] =	stream.linear.scatter [tilespmem:s23], [sflag:$0x5], $0x1000, $0x38;
	[tilespmem:$0x1D900] =	vst v63  }
.LBB2_5:
.Ltmp5:
0x42: {  	(pc) =	sbr.rel @!p0 .LBB2_7-.Ltmp5, $3  }
0x43: {  	_ =	sdelay $0x1  }
0x44: {  	_ =	swait.ge [sflag:s24], $0x1000  }
0x45: {  	s10 =	sadd.s32 $0xFFFFFFFF, s8;
	[sflag:s24] =	ssyncset.done $0x0  }
.LBB2_6:
0x46: {  	p0 =	sne.s32 s10, $0x1;
	s10 =	sadd.s32 $0xFFFFFFFF, s10;
	[sflag:s24] =	ssyncadd.s32 $0xFFFFF000  }
.Ltmp6:
0x47: {  	(pc) =	sbr.rel @p0 .LBB2_6-.Ltmp6, $3  }
0x48: {  	_ =	sdelay $0x1  }
0x49: {  	_ =	swait.ge [sflag:s24], $0x1000  }
0x4a: {  	[sflag:s24] =	ssyncset.done $0x0  }
.LBB2_7:
0x4b: {  	[sflag:s24] =	ssyncadd.s32 $0xFFFFF000  }
0x4c: {  	_ =	swait.ge [sflag:s25], $0x400  }
0x4d: {  	[sflag:s25] =	ssyncset.done $0x0  }
0x4e: {  	[sflag:s25] =	ssyncadd.s32 $0xFFFFFC00  }
0x4f: {  	_ =	swait.ge [sflag:s25], $0x400  }
0x50: {  	[sflag:s25] =	ssyncset.done $0x0  }
0x51: {  	s10 =	simm.s32 $0x400;
	s1 =	rddreg [dreg:$0x5];
	[sflag:s25] =	ssyncadd.s32 $0xFFFFFC00  }
0x52: {  	[tilespmem:s10], [sflag:$0x5] =	stream.linear.gather [hbm4b:s1+s3], $0x400, $0x38;
	[tilespmem:$0x1D900] =	vst v63  }
0x53: {  	s26 =	simm.s32 $0xC00;
	s20 =	rddreg [dreg:$0x6]  }
0x54: {  	[tilespmem:s26], [sflag:$0x5] =	stream.linear.gather [hbm4b:s20+s3], $0x400, $0x38;
	[tilespmem:$0x1D900] =	vst v63  }
0x55: {  	s11 =	simm.s32 @!p5 $0x0;
	s12 =	simm.s32 @!p5 $0x1000;
	s10 =	simm.s32 @!p5 $0x80  }
0x56: {  	[tilespmem:s12], [sflag:$0x1] =	stream.indirect.gather @!p5 [hbm4b:s5+s10], $0x20, s11, s10, $0xb8;
	[tilespmem:$0x1D900] =	vst v63  }
0x57: {  	s18 =	simm.s32 @p1 $0x1000;
	s11 =	simm.s32 @p1 $0x80;
	s12 =	simm.s32 @p1 $0x0  }
0x58: {  	[tilespmem:s18], [sflag:$0x1] =	stream.indirect.gather @p1 [hbm4b:s5+s11], $0x20, s12, s11, $0xb8;
	[tilespmem:$0x1D900] =	vst v63  }
0x59: {  	s12 =	simm.s32 @!p5 $0x2000  }
0x5a: {  	[tilespmem:s12], [sflag:$0x2] =	stream.indirect.gather @!p5 [hbm4b:s5+s10], $0x20, s10, s10, $0xb8;
	[tilespmem:$0x1D900] =	vst v63  }
0x5b: {  	s12 =	simm.s32 @p1 $0x2000  }
0x5c: {  	[tilespmem:s12], [sflag:$0x2] =	stream.indirect.gather @p1 [hbm4b:s5+s11], $0x20, s11, s11, $0xb8;
	[tilespmem:$0x1D900] =	vst v63  }
0x5d: {  	s18 =	simm.s32 @!p5 $0x3000;
	s12 =	simm.s32 @!p5 $0x100  }
0x5e: {  	[tilespmem:s18], [sflag:$0x3] =	stream.indirect.gather @!p5 [hbm4b:s5+s10], $0x20, s12, s10, $0xb8;
	[tilespmem:$0x1D900] =	vst v63  }
0x5f: {  	s12 =	simm.s32 @p1 $0x100;
	s18 =	simm.s32 @p1 $0x3000  }
0x60: {  	[tilespmem:s18], [sflag:$0x3] =	stream.indirect.gather @p1 [hbm4b:s5+s11], $0x20, s12, s11, $0xb8;
	[tilespmem:$0x1D900] =	vst v63  }
0x61: {  	s12 =	simm.s32 @!p5 $0x180;
	s18 =	simm.s32 @!p5 $0x4000  }
0x62: {  	[tilespmem:s18], [sflag:$0x4] =	stream.indirect.gather @!p5 [hbm4b:s5+s10], $0x20, s12, s10, $0xb8;
	[tilespmem:$0x1D900] =	vst v63  }
0x63: {  	s28 =	simm.s32 $0x0;
	s10 =	simm.s32 @p1 $0x180;
	s12 =	simm.s32 @p1 $0x4000  }
0x64: {  	[tilespmem:s12], [sflag:$0x4] =	stream.indirect.gather @p1 [hbm4b:s5+s11], $0x20, s10, s11, $0xb8;
	[tilespmem:$0x1D900] =	vst v63  }
0x65: {  	s26 =	simm.s32 $0xFFFFFFFF;
	s18 =	simm.s32 $0x0;
	[bflag:$0x0] =	sbarrier.arrive $0xFFFF  }
.LBB2_8:
0x66: {  	_ =	swait.ge [sflag:s25], $0x1000;
	s12 =	sand.u32 $0x4, s18;
	p0 =	sgt.u32 s26, $0x2E  }
0x67: {  	s10 =	sand.u32 $0x400, s28;
	[sflag:s25] =	ssyncset.done $0x0;
	p3 =	sne.s32 @!p0 s12, $0x0  }
0x68: {  	s11 =	sor.u32 $0x800, s10;
	s20 =	sshll.u32 s12, $0x7;
	p0 =	por p0, p3  }
.Ltmp7:
0x69: {  	[sflag:s25] =	ssyncadd.s32 $0xFFFFF000;
	s10 =	sor.u32 s20, s11;
	(pc) =	sbr.rel @p0 .LBB2_10-.Ltmp7, $4  }
0x6a: {  	[spmem:s2] =	stream.indirect.scatter.add.f32 [tilespmem:s23], [sflag:$0x6], $0x20, s10, s29, $0xb8;
	[tilespmem:$0x1D900] =	vst v63  }
0x6b: {  	_ =	swait.ge [sflag:s30], $0x1000  }
0x6c: {  	[sflag:s30] =	ssyncset.done $0x0  }
0x6d: {  	s10 =	sadd.s32 $0x4, s18;
	[sflag:s30] =	ssyncadd.s32 $0xFFFFF000  }
0x6e: {  	s12 =	sand.u32 $0x7C00, s28  }
0x6f: {  	s12 =	sadd.s32 $0x400, s12  }
0x70: {  	s13 =	sadd.s32 s9, s12  }
.Ltmp8:
0x71: {  	s13 =	sshrl.u32 s13, $0x3;
	(pc) =	sbr.rel .LBB2_13-.Ltmp8, $4  }
0x72: {  	s12 =	sand.u32 $0x400, s12;
	s19 =	sadd.s32 s6, s13  }
0x73: {  	[tilespmem:s12], [sflag:$0x5] =	stream.linear.gather [hbm4b:s19+s3], $0x400, $0x38;
	[tilespmem:$0x1D900] =	vst v63  }
0x74: {  	s13 =	sadd.s32 s7, s13;
	s12 =	sor.u32 $0x800, s12  }
0x75: {  	[tilespmem:s12], [sflag:$0x5] =	stream.linear.gather [hbm4b:s13+s3], $0x400, $0x38;
	[tilespmem:$0x1D900] =	vst v63  }
.LBB2_10:
0x76: {  	p0 =	seq.s32 s28, $0x6200  }
0x77: {  	p3 =	seq.s32 @!p0 s12, $0x0  }
0x78: {  	p3 =	por p0, p3  }
.Ltmp9:
0x79: {  	_ = 	snop;
	(pc) =	sbr.rel @p3 .LBB2_12-.Ltmp9, $1  }
0x7a: {  	_ =	sdelay $0x3  }
0x7b: {  	_ =	swait.ge [sflag:s24], $0x400  }
0x7c: {  	[sflag:s24] =	ssyncset.done $0x0  }
0x7d: {  	[sflag:s24] =	ssyncadd.s32 $0xFFFFFC00  }
0x7e: {  	_ =	swait.ge [sflag:s24], $0x400  }
0x7f: {  	[sflag:s24] =	ssyncset.done $0x0  }
0x80: {  	[sflag:s24] =	ssyncadd.s32 $0xFFFFFC00  }
.LBB2_13:
0x81: {  	s12 =	sand.u32 $0x8, s10;
	s13 =	sxor.u32 $0xFFFFFFFF, s28  }
0x82: {  	s13 =	sand.u32 $0x200, s13;
	s19 =	sshll.u32 @!p5 s12, $0x7  }
0x83: {  	s20 =	simm.s32 @!p5 $0x80;
	s1 =	simm.s32 @!p5 $0x1000;
	s19 =	sadd.s32 @!p5 s13, s19  }
0x84: {  	[tilespmem:s1], [sflag:$0x1] =	stream.indirect.gather @!p5 [hbm4b:s5+s20], $0x20, s19, s20, $0xb8;
	[tilespmem:$0x1D900] =	vst v63  }
0x85: {  	s1 =	sshll.u32 @p1 s12, $0x7  }
0x86: {  	s12 =	simm.s32 @p1 $0x80;
	s1 =	sadd.s32 @p1 s13, s1;
	s13 =	simm.s32 @p1 $0x1000  }
0x87: {  	[tilespmem:s13], [sflag:$0x1] =	stream.indirect.gather @p1 [hbm4b:s5+s12], $0x20, s1, s12, $0xb8;
	[tilespmem:$0x1D900] =	vst v63  }
.LBB2_14:
0x88: {  	_ =	swait.ge [sflag:s31], $0x1000;
	s1 =	sand.u32 $0x200, s28  }
0x89: {  	[sflag:s31] =	ssyncset.done $0x0;
	s11 =	sadd.s32 s1, s11  }
0x8a: {  	[sflag:s31] =	ssyncadd.s32 $0xFFFFF000;
	s1 =	sadd.s32 $0x80, s11  }
0x8b: {  	[spmem:s2] =	stream.indirect.scatter.add.f32 [tilespmem:s0], [sflag:$0x6], $0x20, s1, s29, $0xb8;
	[tilespmem:$0x1D900] =	vst v63  }
0x8c: {  	_ =	swait.ge [sflag:s30], $0x1000  }
0x8d: {  	p6 =	seq.s32 s28, $0x6200;
	[sflag:s30] =	ssyncset.done $0x0  }
0x8e: {  	s1 =	simm.s32 @p6 $0x3;
	[sflag:s30] =	ssyncadd.s32 $0xFFFFF000  }
0x8f: {  	s12 =	simm.s32 @p6 $0x80;
	_ =	swait.ge @p6 [sflag:s1], $0x1000  }
0x90: {  	s13 =	simm.s32 @p6 $0x3000;
	p0 =	sne.s32 @!p6 s4, $0x0;
	[sflag:s1] =	ssyncset.done @p6 $0x0  }
0x91: {  	p3 =	por p0, p6;
	[sflag:s1] =	ssyncadd.s32 @p6 $0xFFFFF000;
	s1 =	sadd.s32 @p6 $0x100, s11  }
0x92: {  	[spmem:s2] =	stream.indirect.scatter.add.f32 @p6 [tilespmem:s13], [sflag:$0x6], $0x20, s1, s12, $0xb8;
	[tilespmem:$0x1D900] =	vst v63  }
0x93: {  	p0 =	por !p1, p6;
	s1 =	simm.s32 @p6 $0x6;
	s12 =	sadd.s32 @!p6 $0x5, s18  }
0x94: {  	s19 =	simm.s32 @!p3 $0x80;
	_ =	swait.ge @p6 [sflag:s1], $0x1000;
	s12 =	sshrl.u32 @!p6 s12, $0x3  }
0x95: {  	s13 =	sadd.s32 @!p6 $0x280, s28;
	[sflag:s1] =	ssyncset.done @p6 $0x0;
	s12 =	sand.u32 @!p6 $0x1, s12  }
0x96: {  	[sflag:s1] =	ssyncadd.s32 @p6 $0xFFFFF000;
	s1 =	sand.u32 @!p6 $0x280, s13;
	s13 =	sshll.u32 @!p3 s12, $0xA  }
0x97: {  	s20 =	simm.s32 @!p3 $0x2000;
	s12 =	sshll.u32 @!p0 s12, $0xA;
	s13 =	sor.u32 @!p3 s1, s13  }
0x98: {  	[tilespmem:s20], [sflag:$0x2] =	stream.indirect.gather @!p3 [hbm4b:s5+s19], $0x20, s13, s19, $0xb8;
	[tilespmem:$0x1D900] =	vst v63  }
0x99: {  	s1 =	sor.u32 @!p0 s1, s12;
	s12 =	simm.s32 @!p0 $0x80;
	s13 =	simm.s32 @!p0 $0x2000  }
0x9a: {  	[tilespmem:s13], [sflag:$0x2] =	stream.indirect.gather @!p0 [hbm4b:s5+s12], $0x20, s1, s12, $0xb8;
	[tilespmem:$0x1D900] =	vst v63  }
0x9b: {  	s1 =	simm.s32 @!p6 $0x3  }
0x9c: {  	_ =	swait.ge @!p6 [sflag:s1], $0x1000  }
0x9d: {  	s20 =	simm.s32 @!p6 $0x3000;
	[sflag:s1] =	ssyncset.done @!p6 $0x0  }
0x9e: {  	s13 =	simm.s32 @!p6 $0x80;
	[sflag:s1] =	ssyncadd.s32 @!p6 $0xFFFFF000;
	s1 =	sadd.s32 @!p6 $0x100, s11  }
0x9f: {  	[spmem:s2] =	stream.indirect.scatter.add.f32 @!p6 [tilespmem:s20], [sflag:$0x6], $0x20, s1, s13, $0xb8;
	[tilespmem:$0x1D900] =	vst v63  }
0xa0: {  	s1 =	sadd.s32 @!p6 $0x6, s18;
	s13 =	simm.s32 @!p6 $0x6  }
0xa1: {  	s1 =	sshrl.u32 @!p6 s1, $0x3;
	_ =	swait.ge @!p6 [sflag:s13], $0x1000  }
0xa2: {  	s20 =	sadd.s32 @!p6 $0x300, s28;
	s1 =	sand.u32 @!p6 $0x1, s1;
	[sflag:s13] =	ssyncset.done @!p6 $0x0  }
0xa3: {  	s20 =	sand.u32 @!p6 $0x300, s20;
	s15 =	sshll.u32 @!p3 s1, $0xA;
	[sflag:s13] =	ssyncadd.s32 @!p6 $0xFFFFF000  }
0xa4: {  	s1 =	sshll.u32 @!p0 s1, $0xA;
	s13 =	sor.u32 @!p3 s20, s15;
	s15 =	simm.s32 @!p3 $0x3000  }
0xa5: {  	[tilespmem:s15], [sflag:$0x3] =	stream.indirect.gather @!p3 [hbm4b:s5+s19], $0x20, s13, s19, $0xb8;
	[tilespmem:$0x1D900] =	vst v63  }
0xa6: {  	s1 =	sor.u32 @!p0 s20, s1;
	s13 =	simm.s32 @!p0 $0x3000  }
0xa7: {  	[tilespmem:s13], [sflag:$0x3] =	stream.indirect.gather @!p0 [hbm4b:s5+s12], $0x20, s1, s12, $0xb8;
	[tilespmem:$0x1D900] =	vst v63  }
0xa8: {  	_ =	swait.ge [sflag:s14], $0x1000  }
0xa9: {  	[sflag:s14] =	ssyncset.done $0x0  }
.Ltmp10:
0xaa: {  	s20 =	sadd.s32 $0x180, s11;
	[sflag:s14] =	ssyncadd.s32 $0xFFFFF000;
	(pc) =	sbr.rel @p6 .LBB2_16-.Ltmp10, $4  }
0xab: {  	[spmem:s2] =	stream.indirect.scatter.add.f32 [tilespmem:s16], [sflag:$0x6], $0x20, s20, s29, $0xb8;
	[tilespmem:$0x1D900] =	vst v63  }
0xac: {  	_ =	swait.ge [sflag:s30], $0x1000  }
0xad: {  	[sflag:s30] =	ssyncset.done $0x0  }
0xae: {  	[sflag:s30] =	ssyncadd.s32 $0xFFFFF000  }
0xaf: {  	s1 =	sadd.s32 $0x7, s18;
	s11 =	sadd.s32 $0x380, s28  }
0xb0: {  	s13 =	simm.s32 @!p5 $0x80;
	s15 =	simm.s32 @!p5 $0x4000;
	s1 =	sshrl.u32 s1, $0x3  }
0xb1: {  	s28 =	sadd.s32 $0x200, s28;
	s26 =	sadd.s32 $0x1, s26;
	s1 =	sand.u32 $0x1, s1  }
.Ltmp11:
0xb2: {  	s11 =	sand.u32 $0x380, s11;
	s12 =	sshll.u32 @!p5 s1, $0xA;
	(pc) =	sbr.rel .LBB2_8-.Ltmp11, $4  }
0xb3: {  	s18 =	smov.u32 s10;
	s1 =	sshll.u32 @p1 s1, $0xA;
	s12 =	sor.u32 @!p5 s11, s12  }
0xb4: {  	[tilespmem:s15], [sflag:$0x4] =	stream.indirect.gather @!p5 [hbm4b:s5+s13], $0x20, s12, s13, $0xb8;
	[tilespmem:$0x1D900] =	vst v63  }
0xb5: {  	s1 =	sor.u32 @p1 s11, s1;
	s11 =	simm.s32 @p1 $0x80;
	s12 =	simm.s32 @p1 $0x4000  }
0xb6: {  	[tilespmem:s12], [sflag:$0x4] =	stream.indirect.gather @p1 [hbm4b:s5+s11], $0x20, s1, s11, $0xb8;
	[tilespmem:$0x1D900] =	vst v63  }
.LBB2_12:
.Ltmp12:
0xb7: {  	(pc) =	sbr.rel @p0 .LBB2_14-.Ltmp12, $4  }
.Ltmp13:
0xb8: {  	(pc) =	sbr.rel @!p0 .LBB2_13-.Ltmp13, $4  }
0xb9: {  	_ = 	snop  }
0xba: {  	_ = 	snop  }
0xbb: {  	_ = 	snop  }
0xbc: {  	_ = 	snop  }
.LBB2_16:
.Ltmp14:
0xbd: {  	(pc) =	sbr.rel @!p2 .LBB2_19-.Ltmp14, $2  }
0xbe: {  	_ =	sdelay $0x1  }
0xbf: {  	[bflag:$0x0] =	sbarrier.arrive $0xFFFF;
	_ =	sdelay $0x1  }
0xc0: {  	s11 =	stileid.u32  }
0xc1: {  	s10 =	sshrl.u32 s17, $0x3;
	s1 =	sshll.u32 s11, $0x6  }
.Ltmp15:
0xc2: {  	s12 =	rddreg [dreg:$0x9];
	s1 =	sor.u32 $0x1C06, s1;
	(pc) =	sbr.rel .LBB2_18-.Ltmp15, $4  }
0xc3: {  	[hbm:s12], [sflag:s1] =	dma.local [spmem:s10], $0x30E0  }
0xc4: {  	_ =	swait.ge [sflag:s30], $0x30E0  }
0xc5: {  	[sflag:s30] =	ssyncset.done $0x0  }
0xc6: {  	p0 =	por $0x0, $0x0;
	[sflag:s30] =	ssyncadd.s32 $0xFFFFCF20  }
.LBB2_19:
0xc7: {  	s28 =	sld [smem:$0x7FD];
	_ =	sdelay $0x2  }
0xc8: {  	p3 =	seq.s32 s28, $0x1  }
.Ltmp16:
0xc9: {  	_ = 	snop;
	(pc) =	sbr.rel @p3 .LBB2_20-.Ltmp16, $2  }
0xca: {  	s1 =	sld [smem:$0x7FC];
	_ =	sdelay $0x2  }
0xcb: {  	s11 =	stileid.u32;
	p0 =	seq.s32 s1, $0x1  }
.LBB2_18:
0xcc: {  	s1 =	sshll.u32 @p4 s11, $0x6  }
0xcd: {  	s10 =	sshrl.u32 @p4 s17, $0x3;
	s12 =	rddreg [dreg:$0xa];
	s1 =	sor.u32 @p4 $0x1C06, s1  }
0xce: {  	[hbm:s12], [sflag:s1] =	dma.local @p4 [spmem:s10], $0x30E0  }
.Ltmp17:
0xcf: {  	_ = 	snop;
	(pc) =	sbr.rel .LBB2_21-.Ltmp17, $4  }
0xd0: {  	s1 =	simm.s32 @p4 $0x6  }
0xd1: {  	_ =	swait.ge @p4 [sflag:s1], $0x30E0  }
0xd2: {  	[sflag:s1] =	ssyncset.done @p4 $0x0  }
0xd3: {  	[sflag:s1] =	ssyncadd.s32 @p4 $0xFFFFCF20  }
.LBB2_22:
0xd4: {  	_ =	sfence.sel $0x180000  }
0xd5: {  	[bflag:$0x0] =	sbarrier.arrive $0xFFFF  }
0xd6: {  	_ =	strace $0x90000047  }
0xd7: {  	[bflag:$0x2] =	sbarrier.arrive $0xFFFF  }
0xd8: {  	p0 =	sne.s32 s11, $0x0;
	s0 =	rddreg [dreg:$0x2]  }
0xd9: {  	s0 =	sadd.s32 @!p0 $0x100000, s0  }
0xda: {  	[sflag:s0] =	ssyncadd.tile.s32 @!p0 $0x1;
	_ =	shalt  }
.Lfunc_end2:
_tile_overlayer_lowered:
.L_overlay_start_2:
0xdb: {  	(tag) =	ssettag $0x2  }
0xdc: {  	s0 =	rddreg [dreg:$0x0];
	s2 =	stileid.u32  }
0xdd: {  	s1 =	rddreg [dreg:$0x1];
	p0 =	sne.s32 s2, $0x0  }
0xde: {  	s3 =	rddreg [dreg:$0x2];
	[bflag:$0x3] =	sbarrier.arrive $0xFFFF;
	s2 =	simm.s32 @!p0 $0x1C06  }
0xdf: {  	[timem:s3], [sflag:s2] =	dma.local @!p0 [hbm:s0], s1  }
0xe0: {  	s0 =	simm.s32 @!p0 $0x6  }
0xe1: {  	_ =	swait.ge @!p0 [sflag:s0], s1  }
0xe2: {  	s1 =	ssub.s32 @!p0 $0x0, s1;
	[sflag:s0] =	ssyncset.done @!p0 $0x0  }
0xe3: {  	[sflag:s0] =	ssyncadd.s32 @!p0 s1  }
0xe4: {  	[bflag:$0x3] =	sbarrier.arrive $0xFFFF  }
0xe5: {  	_ =	shalt  }

</sc_bundles>
